<compile_context>
chip_gen: v7x
topology: tpu7x:2x2x1
jax: 0.10.2.dev20260603
libtpu: 0.0.44.dev20260713+nightly
codegen_flags: <defaults>
</compile_context>

<pallas_src>
import functools

import jax
import jax.numpy as jnp
from jax import lax
from jax.experimental import pallas as pl
from jax.experimental.pallas import tpu as pltpu
from jax.experimental.pallas import tpu_sc as plsc

D = 768
NW = 32
CH = 16
NSLOTS = 4
NCHUNK = 2


def _make_gather_kernel(bsz, seq, span, chunk):
    mesh = plsc.VectorSubcoreMesh(core_axis_name="c", subcore_axis_name="s")
    total = bsz * span
    tok_per_tile = total // NW
    n_chunks = tok_per_tile // CH

    @functools.partial(
        pl.kernel,
        mesh=mesh,
        out_type=jax.ShapeDtypeStruct((2, total, D), jnp.float32),
        scratch_types=(
            [pltpu.VMEM((tok_per_tile,), jnp.int32)]
            + [pltpu.VMEM((CH, D), jnp.float32)] * (2 * NSLOTS)
            + [pltpu.SemaphoreType.DMA] * (4 * NSLOTS)
        ),
    )
    def gather_kernel(ids_hbm, wr_hbm, wi_hbm, out_hbm, ids_v, *rest):
        bufr = rest[0:NSLOTS]
        bufi = rest[NSLOTS:2 * NSLOTS]
        semgr = rest[2 * NSLOTS:3 * NSLOTS]
        semgi = rest[3 * NSLOTS:4 * NSLOTS]
        semor = rest[4 * NSLOTS:5 * NSLOTS]
        semoi = rest[5 * NSLOTS:6 * NSLOTS]

        cid = lax.axis_index("c")
        sid = lax.axis_index("s")
        wid = sid * 2 + cid
        tok0 = wid * tok_per_tile
        b = tok0 // span
        j0 = tok0 % span
        src0 = b * seq + chunk * span + j0

        pltpu.sync_copy(ids_hbm.at[pl.ds(src0, tok_per_tile)], ids_v)

        def start_gather(g):
            slot = g % NSLOTS
            ic = ids_v.at[pl.ds(g * CH, CH)]
            return (
                pltpu.async_copy(wr_hbm.at[ic], bufr[slot], semgr[slot]),
                pltpu.async_copy(wi_hbm.at[ic], bufi[slot], semgi[slot]),
            )

        gath = {}
        outs = {}
        for g in range(min(NSLOTS, n_chunks)):
            gath[g] = start_gather(g)

        for g in range(n_chunks):
            slot = g % NSLOTS
            for cp in gath.pop(g):
                cp.wait()
            dst = pl.ds(tok0 + g * CH, CH)
            outs[g] = (
                pltpu.async_copy(bufr[slot], out_hbm.at[0, dst], semor[slot]),
                pltpu.async_copy(bufi[slot], out_hbm.at[1, dst], semoi[slot]),
            )
            ng = g + NSLOTS
            if ng < n_chunks:
                for cp in outs.pop(g):
                    cp.wait()
                gath[ng] = start_gather(ng)

        for g in sorted(outs):
            for cp in outs[g]:
                cp.wait()

    return gather_kernel


def _rotate_body(theta_ref, g_ref, pos_ref, out_ref):
    b = pl.program_id(0)
    th = jnp.transpose(theta_ref[pl.ds(b, 1), :])
    c = jnp.cos(th)
    s = jnp.sin(th)
    x = g_ref[0] + pos_ref[...]
    y = g_ref[1]
    out_ref[0, 0] = x * c - y * s
    out_ref[1, 0] = x * s + y * c


def _rotate_body_aliased(theta_ref, g_ref, pos_ref, _prev_ref, out_ref):
    _rotate_body(theta_ref, g_ref, pos_ref, out_ref)


def _rotate_chunk(theta, g, pos_table, c, span, bsz, seq, prev):
    in_specs = [
        pl.BlockSpec((bsz, span), lambda b, c=c: (0, c)),
        pl.BlockSpec((2, span, D), lambda b: (0, b, 0)),
        pl.BlockSpec((span, D), lambda b, c=c: (c, 0)),
    ]
    operands = [theta, g, pos_table]
    body = _rotate_body
    aliases = {}
    if prev is not None:
        in_specs.append(pl.BlockSpec(memory_space=pl.ANY))
        operands.append(prev)
        body = _rotate_body_aliased
        aliases = {3: 0}
    return pl.pallas_call(
        body,
        grid=(bsz,),
        in_specs=in_specs,
        out_specs=pl.BlockSpec(
            (2, 1, span, D), lambda b, c=c: (0, b, c, 0)),
        out_shape=jax.ShapeDtypeStruct((2, bsz, seq, D), jnp.float32),
        input_output_aliases=aliases,
    )(*operands)


def kernel(input_ids, initial_phase, W_real, W_imag, pos_table):
    bsz, seq = input_ids.shape
    span = seq // NCHUNK
    ids_flat = input_ids.astype(jnp.int32).reshape(bsz * seq)
    gathered = [
        _make_gather_kernel(bsz, seq, span, c)(ids_flat, W_real, W_imag)
        for c in range(NCHUNK)
    ]
    out = None
    for c in range(NCHUNK):
        out = _rotate_chunk(initial_phase, gathered[c], pos_table, c, span,
                            bsz, seq, out)
    return out

# --- scband reference (transcript-rebuilt; emitter-appended) ---
"""Pipeline reference for scband-complex-embedding-16801912062409 (READ-ONLY COPY).

The authoritative reference and input builder live on the scoring server;
editing this copy changes nothing except your own understanding.
"""

import jax, jax.numpy as jnp
import numpy as np

VOCAB = 100000
D_MODEL = 768
MAX_SEQ_LEN = 2048
B = 4
N = 2048


def setup_inputs(seed: int = 0) -> dict:
    key = jax.random.key(seed)
    k1, k2, k3, k4, k5 = jax.random.split(key, 5)
    input_ids = jax.random.randint(k1, (B, N), 0, VOCAB)
    initial_phase = jax.random.normal(k2, (B, N), dtype=jnp.float32)
    # Learned parameters (zeta init approximated by scaled gaussians)
    W_real = jax.random.normal(k3, (VOCAB, D_MODEL), dtype=jnp.float32) * 0.02
    W_imag = jax.random.normal(k4, (VOCAB, D_MODEL), dtype=jnp.float32) * 0.01
    pos_table = jax.random.normal(k5, (MAX_SEQ_LEN, D_MODEL), dtype=jnp.float32) * 0.02
    return {
        "input_ids": input_ids,
        "initial_phase": initial_phase,
        "W_real": W_real,
        "W_imag": W_imag,
        "pos_table": pos_table,
    }


def reference(input_ids, initial_phase, W_real, W_imag, pos_table):
    # Token embedding lookups (real + imag tables)
    bsz, seq = input_ids.shape
    token_emb_real = jnp.take(W_real, input_ids, axis=0)  # (B, N, D)
    token_emb_imag = jnp.take(W_imag, input_ids, axis=0)  # (B, N, D)
    # Default positions [0..N-1] broadcast over batch; Zeta position embedding lookup
    positions = jnp.broadcast_to(jnp.arange(seq), (bsz, seq))
    pos_emb = jnp.take(pos_table, positions, axis=0)  # (B, N, D)
    real_part = token_emb_real + pos_emb
    imag_part = token_emb_imag
    # Sentiment phase shifting: rotate complex vector by initial_phase
    theta = initial_phase[..., None]
    cos_t = jnp.cos(theta)
    sin_t = jnp.sin(theta)
    x = real_part
    y = imag_part
    real_out = x * cos_t - y * sin_t
    imag_out = x * sin_t + y * cos_t
    # dropout p=0.0 (eval) -> identity
    # complex64 output represented as stacked (real, imag)
    return jnp.stack([real_out, imag_out], axis=0)  # (2, B, N, D)

if __name__ == "__main__":
    import jax
    _d = setup_inputs()
    print(jax.jit(kernel)(*tuple(_d.values())))

</pallas_src>

<mosaic_0001>
#map = affine_map<(d0, d1) -> (0)>
#map1 = affine_map<(d0, d1) -> (0, 0)>
#map2 = affine_map<(d0, d1) -> (0, 0, 0)>
module attributes {stable_mosaic.version = 14 : i64} {
  func.func @gather_kernel(%arg0: i32, %arg1: i32, %arg2: memref<8192xi32, #tpu.memory_space<hbm>>, %arg3: memref<100000x768xf32, #tpu.memory_space<hbm>>, %arg4: memref<100000x768xf32, #tpu.memory_space<hbm>>, %arg5: memref<2x4096x768xf32, #tpu.memory_space<hbm>>, %arg6: memref<128xi32, #tpu.memory_space<vmem>>, %arg7: memref<16x768xf32, #tpu.memory_space<vmem>>, %arg8: memref<16x768xf32, #tpu.memory_space<vmem>>, %arg9: memref<16x768xf32, #tpu.memory_space<vmem>>, %arg10: memref<16x768xf32, #tpu.memory_space<vmem>>, %arg11: memref<16x768xf32, #tpu.memory_space<vmem>>, %arg12: memref<16x768xf32, #tpu.memory_space<vmem>>, %arg13: memref<16x768xf32, #tpu.memory_space<vmem>>, %arg14: memref<16x768xf32, #tpu.memory_space<vmem>>, %arg15: memref<!tpu.dma_semaphore, #tpu.memory_space<semaphore_mem>>, %arg16: memref<!tpu.dma_semaphore, #tpu.memory_space<semaphore_mem>>, %arg17: memref<!tpu.dma_semaphore, #tpu.memory_space<semaphore_mem>>, %arg18: memref<!tpu.dma_semaphore, #tpu.memory_space<semaphore_mem>>, %arg19: memref<!tpu.dma_semaphore, #tpu.memory_space<semaphore_mem>>, %arg20: memref<!tpu.dma_semaphore, #tpu.memory_space<semaphore_mem>>, %arg21: memref<!tpu.dma_semaphore, #tpu.memory_space<semaphore_mem>>, %arg22: memref<!tpu.dma_semaphore, #tpu.memory_space<semaphore_mem>>, %arg23: memref<!tpu.dma_semaphore, #tpu.memory_space<semaphore_mem>>, %arg24: memref<!tpu.dma_semaphore, #tpu.memory_space<semaphore_mem>>, %arg25: memref<!tpu.dma_semaphore, #tpu.memory_space<semaphore_mem>>, %arg26: memref<!tpu.dma_semaphore, #tpu.memory_space<semaphore_mem>>, %arg27: memref<!tpu.dma_semaphore, #tpu.memory_space<semaphore_mem>>, %arg28: memref<!tpu.dma_semaphore, #tpu.memory_space<semaphore_mem>>, %arg29: memref<!tpu.dma_semaphore, #tpu.memory_space<semaphore_mem>>, %arg30: memref<!tpu.dma_semaphore, #tpu.memory_space<semaphore_mem>>) attributes {dimension_semantics = [#tpu.dimension_semantics<core_parallel>, #tpu.dimension_semantics<subcore_parallel>], iteration_bounds = array<i64: 2, 16>, scalar_prefetch = 0 : i64, scratch_operands = 25 : i64, tpu.core_type = #tpu.core_type<sc_vector_subcore>, window_params = [{transform_indices = #map}, {transform_indices = #map1}, {transform_indices = #map1}, {transform_indices = #map2}]} {
    %mul3A = arith.constant 2 : i32
    %mul3A_0 = arith.muli %arg1, %mul3A : i32
    %add3A = arith.addi %mul3A_0, %arg0 : i32
    %mul3A_1 = arith.constant 128 : i32
    %mul3A_2 = arith.muli %add3A, %mul3A_1 : i32
    %jit3A = arith.constant 1024 : i32
    %div3A = arith.divsi %mul3A_2, %jit3A : i32
    %sign3A = arith.constant 0 : i32
    %sign3A_3 = arith.cmpi sgt, %mul3A_2, %sign3A : i32
    %sign3A_4 = arith.extui %sign3A_3 : i1 to i32
    %sign3A_5 = arith.constant 0 : i32
    %sign3A_6 = arith.cmpi slt, %mul3A_2, %sign3A_5 : i32
    %sign3A_7 = arith.extui %sign3A_6 : i1 to i32
    %sign3A_8 = arith.subi %sign3A_4, %sign3A_7 : i32
    %sign3A_9 = arith.constant 0 : i32
    %sign3A_10 = arith.cmpi sgt, %jit3A, %sign3A_9 : i32
    %sign3A_11 = arith.extui %sign3A_10 : i1 to i32
    %sign3A_12 = arith.constant 0 : i32
    %sign3A_13 = arith.cmpi slt, %jit3A, %sign3A_12 : i32
    %sign3A_14 = arith.extui %sign3A_13 : i1 to i32
    %sign3A_15 = arith.subi %sign3A_11, %sign3A_14 : i32
    %ne3A = arith.cmpi ne, %sign3A_8, %sign3A_15 : i32
    %rem3A = arith.remsi %mul3A_2, %jit3A : i32
    %ne3A_16 = arith.constant 0 : i32
    %ne3A_17 = arith.cmpi ne, %rem3A, %ne3A_16 : i32
    %and3A = arith.andi %ne3A, %ne3A_17 : i1
    %sub3A = arith.constant 1 : i32
    %sub3A_18 = arith.subi %div3A, %sub3A : i32
    %select_n3A = arith.select %and3A, %sub3A_18, %div3A : i32
    %jit3A_19 = arith.constant 1024 : i32
    %eq3A = arith.constant 0 : i32
    %eq3A_20 = arith.cmpi eq, %jit3A_19, %eq3A : i32
    %jit3A_21 = arith.constant 1 : i32
    %select_n3A_22 = arith.select %eq3A_20, %jit3A_21, %jit3A_19 : i32
    %rem3A_23 = arith.remsi %mul3A_2, %select_n3A_22 : i32
    %ne3A_24 = arith.constant 0 : i32
    %ne3A_25 = arith.cmpi ne, %rem3A_23, %ne3A_24 : i32
    %lt3A = arith.constant 0 : i32
    %lt3A_26 = arith.cmpi slt, %rem3A_23, %lt3A : i32
    %lt3A_27 = arith.constant 0 : i32
    %lt3A_28 = arith.cmpi slt, %select_n3A_22, %lt3A_27 : i32
    %ne3A_29 = arith.xori %lt3A_26, %lt3A_28 : i1
    %and3A_30 = arith.andi %ne3A_29, %ne3A_25 : i1
    %add3A_31 = arith.addi %rem3A_23, %select_n3A_22 : i32
    %select_n3A_32 = arith.select %and3A_30, %add3A_31, %rem3A_23 : i32
    %mul3A_33 = arith.constant 2048 : i32
    %mul3A_34 = arith.muli %select_n3A, %mul3A_33 : i32
    %add3A_35 = arith.constant 1024 : i32
    %add3A_36 = arith.addi %mul3A_34, %add3A_35 : i32
    %add3A_37 = arith.addi %add3A_36, %select_n3A_32 : i32
    "tpu.region"() ({
      %run_scoped3A = tpu.sem_alloc : memref<!tpu.dma_semaphore, #tpu.memory_space<semaphore_mem>>
      %dma_start3A_436 = tpu.memref_slice %arg2[%add3A_37] : memref<8192xi32, #tpu.memory_space<hbm>> -> memref<128xi32, #tpu.memory_space<hbm>>
      %dma_start3A_437 = tpu.memref_slice %arg2[%add3A_37] : memref<8192xi32, #tpu.memory_space<hbm>> -> memref<128xi32, #tpu.memory_space<hbm>>
      tpu.enqueue_dma source(%dma_start3A_437 : memref<128xi32, #tpu.memory_space<hbm>>) target(%arg6 : memref<128xi32, #tpu.memory_space<vmem>>) target_semaphore(%run_scoped3A : memref<!tpu.dma_semaphore, #tpu.memory_space<semaphore_mem>>)
      %dma_wait3A_438 = tpu.memref_slice %arg2[%add3A_37] : memref<8192xi32, #tpu.memory_space<hbm>> -> memref<128xi32, #tpu.memory_space<hbm>>
      %dma_wait3A_439 = tpu.memref_slice %arg2[%add3A_37] : memref<8192xi32, #tpu.memory_space<hbm>> -> memref<128xi32, #tpu.memory_space<hbm>>
      tpu.wait_dma2 semaphore(%run_scoped3A : memref<!tpu.dma_semaphore, #tpu.memory_space<semaphore_mem>>) src(%dma_wait3A_439 : memref<128xi32, #tpu.memory_space<hbm>>) dst(%arg6 : memref<128xi32, #tpu.memory_space<vmem>>)
      tpu.yield
    }) : () -> ()
    %dma_start3A = arith.constant 0 : i32
    %dma_start3A_38 = tpu.memref_slice %arg6[%dma_start3A] : memref<128xi32, #tpu.memory_space<vmem>> -> memref<16xi32, #tpu.memory_space<vmem>>
    %dma_start3A_39 = arith.constant 0 : i32
    %dma_start3A_40 = arith.constant 0 : i32
    %dma_start3A_41 = tpu.memref_slice %arg3[%dma_start3A_39, %dma_start3A_40] : memref<100000x768xf32, #tpu.memory_space<hbm>> -> memref<100000x768xf32, #tpu.memory_space<hbm>>
    tpu.enqueue_indirect_dma source(%dma_start3A_41 : memref<100000x768xf32, #tpu.memory_space<hbm>>) target(%arg7 : memref<16x768xf32, #tpu.memory_space<vmem>>) offsets(%dma_start3A_38 : memref<16xi32, #tpu.memory_space<vmem>>) semaphore(%arg15 : memref<!tpu.dma_semaphore, #tpu.memory_space<semaphore_mem>>)
    %dma_start3A_42 = arith.constant 0 : i32
    %dma_start3A_43 = tpu.memref_slice %arg6[%dma_start3A_42] : memref<128xi32, #tpu.memory_space<vmem>> -> memref<16xi32, #tpu.memory_space<vmem>>
    %dma_start3A_44 = arith.constant 0 : i32
    %dma_start3A_45 = arith.constant 0 : i32
    %dma_start3A_46 = tpu.memref_slice %arg4[%dma_start3A_44, %dma_start3A_45] : memref<100000x768xf32, #tpu.memory_space<hbm>> -> memref<100000x768xf32, #tpu.memory_space<hbm>>
    tpu.enqueue_indirect_dma source(%dma_start3A_46 : memref<100000x768xf32, #tpu.memory_space<hbm>>) target(%arg11 : memref<16x768xf32, #tpu.memory_space<vmem>>) offsets(%dma_start3A_43 : memref<16xi32, #tpu.memory_space<vmem>>) semaphore(%arg19 : memref<!tpu.dma_semaphore, #tpu.memory_space<semaphore_mem>>)
    %dma_start3A_47 = arith.constant 16 : i32
    %dma_start3A_48 = tpu.memref_slice %arg6[%dma_start3A_47] : memref<128xi32, #tpu.memory_space<vmem>> -> memref<16xi32, #tpu.memory_space<vmem>>
    %dma_start3A_49 = arith.constant 0 : i32
    %dma_start3A_50 = arith.constant 0 : i32
    %dma_start3A_51 = tpu.memref_slice %arg3[%dma_start3A_49, %dma_start3A_50] : memref<100000x768xf32, #tpu.memory_space<hbm>> -> memref<100000x768xf32, #tpu.memory_space<hbm>>
    tpu.enqueue_indirect_dma source(%dma_start3A_51 : memref<100000x768xf32, #tpu.memory_space<hbm>>) target(%arg8 : memref<16x768xf32, #tpu.memory_space<vmem>>) offsets(%dma_start3A_48 : memref<16xi32, #tpu.memory_space<vmem>>) semaphore(%arg16 : memref<!tpu.dma_semaphore, #tpu.memory_space<semaphore_mem>>)
    %dma_start3A_52 = arith.constant 16 : i32
    %dma_start3A_53 = tpu.memref_slice %arg6[%dma_start3A_52] : memref<128xi32, #tpu.memory_space<vmem>> -> memref<16xi32, #tpu.memory_space<vmem>>
    %dma_start3A_54 = arith.constant 0 : i32
    %dma_start3A_55 = arith.constant 0 : i32
    %dma_start3A_56 = tpu.memref_slice %arg4[%dma_start3A_54, %dma_start3A_55] : memref<100000x768xf32, #tpu.memory_space<hbm>> -> memref<100000x768xf32, #tpu.memory_space<hbm>>
    tpu.enqueue_indirect_dma source(%dma_start3A_56 : memref<100000x768xf32, #tpu.memory_space<hbm>>) target(%arg12 : memref<16x768xf32, #tpu.memory_space<vmem>>) offsets(%dma_start3A_53 : memref<16xi32, #tpu.memory_space<vmem>>) semaphore(%arg20 : memref<!tpu.dma_semaphore, #tpu.memory_space<semaphore_mem>>)
    %dma_start3A_57 = arith.constant 32 : i32
    %dma_start3A_58 = tpu.memref_slice %arg6[%dma_start3A_57] : memref<128xi32, #tpu.memory_space<vmem>> -> memref<16xi32, #tpu.memory_space<vmem>>
    %dma_start3A_59 = arith.constant 0 : i32
    %dma_start3A_60 = arith.constant 0 : i32
    %dma_start3A_61 = tpu.memref_slice %arg3[%dma_start3A_59, %dma_start3A_60] : memref<100000x768xf32, #tpu.memory_space<hbm>> -> memref<100000x768xf32, #tpu.memory_space<hbm>>
    tpu.enqueue_indirect_dma source(%dma_start3A_61 : memref<100000x768xf32, #tpu.memory_space<hbm>>) target(%arg9 : memref<16x768xf32, #tpu.memory_space<vmem>>) offsets(%dma_start3A_58 : memref<16xi32, #tpu.memory_space<vmem>>) semaphore(%arg17 : memref<!tpu.dma_semaphore, #tpu.memory_space<semaphore_mem>>)
    %dma_start3A_62 = arith.constant 32 : i32
    %dma_start3A_63 = tpu.memref_slice %arg6[%dma_start3A_62] : memref<128xi32, #tpu.memory_space<vmem>> -> memref<16xi32, #tpu.memory_space<vmem>>
    %dma_start3A_64 = arith.constant 0 : i32
    %dma_start3A_65 = arith.constant 0 : i32
    %dma_start3A_66 = tpu.memref_slice %arg4[%dma_start3A_64, %dma_start3A_65] : memref<100000x768xf32, #tpu.memory_space<hbm>> -> memref<100000x768xf32, #tpu.memory_space<hbm>>
    tpu.enqueue_indirect_dma source(%dma_start3A_66 : memref<100000x768xf32, #tpu.memory_space<hbm>>) target(%arg13 : memref<16x768xf32, #tpu.memory_space<vmem>>) offsets(%dma_start3A_63 : memref<16xi32, #tpu.memory_space<vmem>>) semaphore(%arg21 : memref<!tpu.dma_semaphore, #tpu.memory_space<semaphore_mem>>)
    %dma_start3A_67 = arith.constant 48 : i32
    %dma_start3A_68 = tpu.memref_slice %arg6[%dma_start3A_67] : memref<128xi32, #tpu.memory_space<vmem>> -> memref<16xi32, #tpu.memory_space<vmem>>
    %dma_start3A_69 = arith.constant 0 : i32
    %dma_start3A_70 = arith.constant 0 : i32
    %dma_start3A_71 = tpu.memref_slice %arg3[%dma_start3A_69, %dma_start3A_70] : memref<100000x768xf32, #tpu.memory_space<hbm>> -> memref<100000x768xf32, #tpu.memory_space<hbm>>
    tpu.enqueue_indirect_dma source(%dma_start3A_71 : memref<100000x768xf32, #tpu.memory_space<hbm>>) target(%arg10 : memref<16x768xf32, #tpu.memory_space<vmem>>) offsets(%dma_start3A_68 : memref<16xi32, #tpu.memory_space<vmem>>) semaphore(%arg18 : memref<!tpu.dma_semaphore, #tpu.memory_space<semaphore_mem>>)
    %dma_start3A_72 = arith.constant 48 : i32
    %dma_start3A_73 = tpu.memref_slice %arg6[%dma_start3A_72] : memref<128xi32, #tpu.memory_space<vmem>> -> memref<16xi32, #tpu.memory_space<vmem>>
    %dma_start3A_74 = arith.constant 0 : i32
    %dma_start3A_75 = arith.constant 0 : i32
    %dma_start3A_76 = tpu.memref_slice %arg4[%dma_start3A_74, %dma_start3A_75] : memref<100000x768xf32, #tpu.memory_space<hbm>> -> memref<100000x768xf32, #tpu.memory_space<hbm>>
    tpu.enqueue_indirect_dma source(%dma_start3A_76 : memref<100000x768xf32, #tpu.memory_space<hbm>>) target(%arg14 : memref<16x768xf32, #tpu.memory_space<vmem>>) offsets(%dma_start3A_73 : memref<16xi32, #tpu.memory_space<vmem>>) semaphore(%arg22 : memref<!tpu.dma_semaphore, #tpu.memory_space<semaphore_mem>>)
    %dma_wait3A = arith.constant 0 : i32
    %dma_wait3A_77 = tpu.memref_slice %arg6[%dma_wait3A] : memref<128xi32, #tpu.memory_space<vmem>> -> memref<16xi32, #tpu.memory_space<vmem>>
    %dma_wait3A_78 = arith.constant 0 : i32
    %dma_wait3A_79 = arith.constant 0 : i32
    %dma_wait3A_80 = tpu.memref_slice %arg3[%dma_wait3A_78, %dma_wait3A_79] : memref<100000x768xf32, #tpu.memory_space<hbm>> -> memref<100000x768xf32, #tpu.memory_space<hbm>>
    tpu.wait_indirect_dma semaphore(%arg15 : memref<!tpu.dma_semaphore, #tpu.memory_space<semaphore_mem>>) src(%dma_wait3A_80 : memref<100000x768xf32, #tpu.memory_space<hbm>>) dst(%arg7 : memref<16x768xf32, #tpu.memory_space<vmem>>)
    %dma_wait3A_81 = arith.constant 0 : i32
    %dma_wait3A_82 = tpu.memref_slice %arg6[%dma_wait3A_81] : memref<128xi32, #tpu.memory_space<vmem>> -> memref<16xi32, #tpu.memory_space<vmem>>
    %dma_wait3A_83 = arith.constant 0 : i32
    %dma_wait3A_84 = arith.constant 0 : i32
    %dma_wait3A_85 = tpu.memref_slice %arg4[%dma_wait3A_83, %dma_wait3A_84] : memref<100000x768xf32, #tpu.memory_space<hbm>> -> memref<100000x768xf32, #tpu.memory_space<hbm>>
    tpu.wait_indirect_dma semaphore(%arg19 : memref<!tpu.dma_semaphore, #tpu.memory_space<semaphore_mem>>) src(%dma_wait3A_85 : memref<100000x768xf32, #tpu.memory_space<hbm>>) dst(%arg11 : memref<16x768xf32, #tpu.memory_space<vmem>>)
    %add3A_86 = arith.constant 0 : i32
    %add3A_87 = arith.addi %mul3A_2, %add3A_86 : i32
    %dma_start3A_88 = arith.constant 0 : i32
    %dma_start3A_89 = arith.constant 0 : i32
    %dma_start3A_90 = tpu.memref_slice %arg5[%dma_start3A_88, %add3A_87, %dma_start3A_89] : memref<2x4096x768xf32, #tpu.memory_space<hbm>> -> memref<1x16x768xf32, #tpu.memory_space<hbm>>
    %dma_start3A_91 = tpu.memref_squeeze %dma_start3A_90 : memref<1x16x768xf32, #tpu.memory_space<hbm>> -> memref<16x768xf32, #tpu.memory_space<hbm>>
    %dma_start3A_92 = arith.constant 0 : i32
    %dma_start3A_93 = tpu.memref_slice %arg5[%dma_start3A_88, %add3A_87, %dma_start3A_92] : memref<2x4096x768xf32, #tpu.memory_space<hbm>> -> memref<1x16x768xf32, #tpu.memory_space<hbm>>
    %dma_start3A_94 = tpu.memref_squeeze %dma_start3A_93 : memref<1x16x768xf32, #tpu.memory_space<hbm>> -> memref<16x768xf32, #tpu.memory_space<hbm>>
    tpu.enqueue_dma source(%arg7 : memref<16x768xf32, #tpu.memory_space<vmem>>) target(%dma_start3A_94 : memref<16x768xf32, #tpu.memory_space<hbm>>) target_semaphore(%arg23 : memref<!tpu.dma_semaphore, #tpu.memory_space<semaphore_mem>>)
    %dma_start3A_95 = arith.constant 1 : i32
    %dma_start3A_96 = arith.constant 0 : i32
    %dma_start3A_97 = tpu.memref_slice %arg5[%dma_start3A_95, %add3A_87, %dma_start3A_96] : memref<2x4096x768xf32, #tpu.memory_space<hbm>> -> memref<1x16x768xf32, #tpu.memory_space<hbm>>
    %dma_start3A_98 = tpu.memref_squeeze %dma_start3A_97 : memref<1x16x768xf32, #tpu.memory_space<hbm>> -> memref<16x768xf32, #tpu.memory_space<hbm>>
    %dma_start3A_99 = arith.constant 0 : i32
    %dma_start3A_100 = tpu.memref_slice %arg5[%dma_start3A_95, %add3A_87, %dma_start3A_99] : memref<2x4096x768xf32, #tpu.memory_space<hbm>> -> memref<1x16x768xf32, #tpu.memory_space<hbm>>
    %dma_start3A_101 = tpu.memref_squeeze %dma_start3A_100 : memref<1x16x768xf32, #tpu.memory_space<hbm>> -> memref<16x768xf32, #tpu.memory_space<hbm>>
    tpu.enqueue_dma source(%arg11 : memref<16x768xf32, #tpu.memory_space<vmem>>) target(%dma_start3A_101 : memref<16x768xf32, #tpu.memory_space<hbm>>) target_semaphore(%arg27 : memref<!tpu.dma_semaphore, #tpu.memory_space<semaphore_mem>>)
    %dma_wait3A_102 = arith.constant 0 : i32
    %dma_wait3A_103 = arith.constant 0 : i32
    %dma_wait3A_104 = tpu.memref_slice %arg5[%dma_wait3A_102, %add3A_87, %dma_wait3A_103] : memref<2x4096x768xf32, #tpu.memory_space<hbm>> -> memref<1x16x768xf32, #tpu.memory_space<hbm>>
    %dma_wait3A_105 = tpu.memref_squeeze %dma_wait3A_104 : memref<1x16x768xf32, #tpu.memory_space<hbm>> -> memref<16x768xf32, #tpu.memory_space<hbm>>
    %dma_wait3A_106 = arith.constant 0 : i32
    %dma_wait3A_107 = tpu.memref_slice %arg5[%dma_wait3A_102, %add3A_87, %dma_wait3A_106] : memref<2x4096x768xf32, #tpu.memory_space<hbm>> -> memref<1x16x768xf32, #tpu.memory_space<hbm>>
    %dma_wait3A_108 = tpu.memref_squeeze %dma_wait3A_107 : memref<1x16x768xf32, #tpu.memory_space<hbm>> -> memref<16x768xf32, #tpu.memory_space<hbm>>
    tpu.wait_dma2 semaphore(%arg23 : memref<!tpu.dma_semaphore, #tpu.memory_space<semaphore_mem>>) src(%arg7 : memref<16x768xf32, #tpu.memory_space<vmem>>) dst(%dma_wait3A_108 : memref<16x768xf32, #tpu.memory_space<hbm>>)
    %dma_wait3A_109 = arith.constant 1 : i32
    %dma_wait3A_110 = arith.constant 0 : i32
    %dma_wait3A_111 = tpu.memref_slice %arg5[%dma_wait3A_109, %add3A_87, %dma_wait3A_110] : memref<2x4096x768xf32, #tpu.memory_space<hbm>> -> memref<1x16x768xf32, #tpu.memory_space<hbm>>
    %dma_wait3A_112 = tpu.memref_squeeze %dma_wait3A_111 : memref<1x16x768xf32, #tpu.memory_space<hbm>> -> memref<16x768xf32, #tpu.memory_space<hbm>>
    %dma_wait3A_113 = arith.constant 0 : i32
    %dma_wait3A_114 = tpu.memref_slice %arg5[%dma_wait3A_109, %add3A_87, %dma_wait3A_113] : memref<2x4096x768xf32, #tpu.memory_space<hbm>> -> memref<1x16x768xf32, #tpu.memory_space<hbm>>
    %dma_wait3A_115 = tpu.memref_squeeze %dma_wait3A_114 : memref<1x16x768xf32, #tpu.memory_space<hbm>> -> memref<16x768xf32, #tpu.memory_space<hbm>>
    tpu.wait_dma2 semaphore(%arg27 : memref<!tpu.dma_semaphore, #tpu.memory_space<semaphore_mem>>) src(%arg11 : memref<16x768xf32, #tpu.memory_space<vmem>>) dst(%dma_wait3A_115 : memref<16x768xf32, #tpu.memory_space<hbm>>)
    %dma_start3A_116 = arith.constant 64 : i32
    %dma_start3A_117 = tpu.memref_slice %arg6[%dma_start3A_116] : memref<128xi32, #tpu.memory_space<vmem>> -> memref<16xi32, #tpu.memory_space<vmem>>
    %dma_start3A_118 = arith.constant 0 : i32
    %dma_start3A_119 = arith.constant 0 : i32
    %dma_start3A_120 = tpu.memref_slice %arg3[%dma_start3A_118, %dma_start3A_119] : memref<100000x768xf32, #tpu.memory_space<hbm>> -> memref<100000x768xf32, #tpu.memory_space<hbm>>
    tpu.enqueue_indirect_dma source(%dma_start3A_120 : memref<100000x768xf32, #tpu.memory_space<hbm>>) target(%arg7 : memref<16x768xf32, #tpu.memory_space<vmem>>) offsets(%dma_start3A_117 : memref<16xi32, #tpu.memory_space<vmem>>) semaphore(%arg15 : memref<!tpu.dma_semaphore, #tpu.memory_space<semaphore_mem>>)
    %dma_start3A_121 = arith.constant 64 : i32
    %dma_start3A_122 = tpu.memref_slice %arg6[%dma_start3A_121] : memref<128xi32, #tpu.memory_space<vmem>> -> memref<16xi32, #tpu.memory_space<vmem>>
    %dma_start3A_123 = arith.constant 0 : i32
    %dma_start3A_124 = arith.constant 0 : i32
    %dma_start3A_125 = tpu.memref_slice %arg4[%dma_start3A_123, %dma_start3A_124] : memref<100000x768xf32, #tpu.memory_space<hbm>> -> memref<100000x768xf32, #tpu.memory_space<hbm>>
    tpu.enqueue_indirect_dma source(%dma_start3A_125 : memref<100000x768xf32, #tpu.memory_space<hbm>>) target(%arg11 : memref<16x768xf32, #tpu.memory_space<vmem>>) offsets(%dma_start3A_122 : memref<16xi32, #tpu.memory_space<vmem>>) semaphore(%arg19 : memref<!tpu.dma_semaphore, #tpu.memory_space<semaphore_mem>>)
    %dma_wait3A_126 = arith.constant 16 : i32
    %dma_wait3A_127 = tpu.memref_slice %arg6[%dma_wait3A_126] : memref<128xi32, #tpu.memory_space<vmem>> -> memref<16xi32, #tpu.memory_space<vmem>>
    %dma_wait3A_128 = arith.constant 0 : i32
    %dma_wait3A_129 = arith.constant 0 : i32
    %dma_wait3A_130 = tpu.memref_slice %arg3[%dma_wait3A_128, %dma_wait3A_129] : memref<100000x768xf32, #tpu.memory_space<hbm>> -> memref<100000x768xf32, #tpu.memory_space<hbm>>
    tpu.wait_indirect_dma semaphore(%arg16 : memref<!tpu.dma_semaphore, #tpu.memory_space<semaphore_mem>>) src(%dma_wait3A_130 : memref<100000x768xf32, #tpu.memory_space<hbm>>) dst(%arg8 : memref<16x768xf32, #tpu.memory_space<vmem>>)
    %dma_wait3A_131 = arith.constant 16 : i32
    %dma_wait3A_132 = tpu.memref_slice %arg6[%dma_wait3A_131] : memref<128xi32, #tpu.memory_space<vmem>> -> memref<16xi32, #tpu.memory_space<vmem>>
    %dma_wait3A_133 = arith.constant 0 : i32
    %dma_wait3A_134 = arith.constant 0 : i32
    %dma_wait3A_135 = tpu.memref_slice %arg4[%dma_wait3A_133, %dma_wait3A_134] : memref<100000x768xf32, #tpu.memory_space<hbm>> -> memref<100000x768xf32, #tpu.memory_space<hbm>>
    tpu.wait_indirect_dma semaphore(%arg20 : memref<!tpu.dma_semaphore, #tpu.memory_space<semaphore_mem>>) src(%dma_wait3A_135 : memref<100000x768xf32, #tpu.memory_space<hbm>>) dst(%arg12 : memref<16x768xf32, #tpu.memory_space<vmem>>)
    %add3A_136 = arith.constant 16 : i32
    %add3A_137 = arith.addi %mul3A_2, %add3A_136 : i32
    %dma_start3A_138 = arith.constant 0 : i32
    %dma_start3A_139 = arith.constant 0 : i32
    %dma_start3A_140 = tpu.memref_slice %arg5[%dma_start3A_138, %add3A_137, %dma_start3A_139] : memref<2x4096x768xf32, #tpu.memory_space<hbm>> -> memref<1x16x768xf32, #tpu.memory_space<hbm>>
    %dma_start3A_141 = tpu.memref_squeeze %dma_start3A_140 : memref<1x16x768xf32, #tpu.memory_space<hbm>> -> memref<16x768xf32, #tpu.memory_space<hbm>>
    %dma_start3A_142 = arith.constant 0 : i32
    %dma_start3A_143 = tpu.memref_slice %arg5[%dma_start3A_138, %add3A_137, %dma_start3A_142] : memref<2x4096x768xf32, #tpu.memory_space<hbm>> -> memref<1x16x768xf32, #tpu.memory_space<hbm>>
    %dma_start3A_144 = tpu.memref_squeeze %dma_start3A_143 : memref<1x16x768xf32, #tpu.memory_space<hbm>> -> memref<16x768xf32, #tpu.memory_space<hbm>>
    tpu.enqueue_dma source(%arg8 : memref<16x768xf32, #tpu.memory_space<vmem>>) target(%dma_start3A_144 : memref<16x768xf32, #tpu.memory_space<hbm>>) target_semaphore(%arg24 : memref<!tpu.dma_semaphore, #tpu.memory_space<semaphore_mem>>)
    %dma_start3A_145 = arith.constant 1 : i32
    %dma_start3A_146 = arith.constant 0 : i32
    %dma_start3A_147 = tpu.memref_slice %arg5[%dma_start3A_145, %add3A_137, %dma_start3A_146] : memref<2x4096x768xf32, #tpu.memory_space<hbm>> -> memref<1x16x768xf32, #tpu.memory_space<hbm>>
    %dma_start3A_148 = tpu.memref_squeeze %dma_start3A_147 : memref<1x16x768xf32, #tpu.memory_space<hbm>> -> memref<16x768xf32, #tpu.memory_space<hbm>>
    %dma_start3A_149 = arith.constant 0 : i32
    %dma_start3A_150 = tpu.memref_slice %arg5[%dma_start3A_145, %add3A_137, %dma_start3A_149] : memref<2x4096x768xf32, #tpu.memory_space<hbm>> -> memref<1x16x768xf32, #tpu.memory_space<hbm>>
    %dma_start3A_151 = tpu.memref_squeeze %dma_start3A_150 : memref<1x16x768xf32, #tpu.memory_space<hbm>> -> memref<16x768xf32, #tpu.memory_space<hbm>>
    tpu.enqueue_dma source(%arg12 : memref<16x768xf32, #tpu.memory_space<vmem>>) target(%dma_start3A_151 : memref<16x768xf32, #tpu.memory_space<hbm>>) target_semaphore(%arg28 : memref<!tpu.dma_semaphore, #tpu.memory_space<semaphore_mem>>)
    %dma_wait3A_152 = arith.constant 0 : i32
    %dma_wait3A_153 = arith.constant 0 : i32
    %dma_wait3A_154 = tpu.memref_slice %arg5[%dma_wait3A_152, %add3A_137, %dma_wait3A_153] : memref<2x4096x768xf32, #tpu.memory_space<hbm>> -> memref<1x16x768xf32, #tpu.memory_space<hbm>>
    %dma_wait3A_155 = tpu.memref_squeeze %dma_wait3A_154 : memref<1x16x768xf32, #tpu.memory_space<hbm>> -> memref<16x768xf32, #tpu.memory_space<hbm>>
    %dma_wait3A_156 = arith.constant 0 : i32
    %dma_wait3A_157 = tpu.memref_slice %arg5[%dma_wait3A_152, %add3A_137, %dma_wait3A_156] : memref<2x4096x768xf32, #tpu.memory_space<hbm>> -> memref<1x16x768xf32, #tpu.memory_space<hbm>>
    %dma_wait3A_158 = tpu.memref_squeeze %dma_wait3A_157 : memref<1x16x768xf32, #tpu.memory_space<hbm>> -> memref<16x768xf32, #tpu.memory_space<hbm>>
    tpu.wait_dma2 semaphore(%arg24 : memref<!tpu.dma_semaphore, #tpu.memory_space<semaphore_mem>>) src(%arg8 : memref<16x768xf32, #tpu.memory_space<vmem>>) dst(%dma_wait3A_158 : memref<16x768xf32, #tpu.memory_space<hbm>>)
    %dma_wait3A_159 = arith.constant 1 : i32
    %dma_wait3A_160 = arith.constant 0 : i32
    %dma_wait3A_161 = tpu.memref_slice %arg5[%dma_wait3A_159, %add3A_137, %dma_wait3A_160] : memref<2x4096x768xf32, #tpu.memory_space<hbm>> -> memref<1x16x768xf32, #tpu.memory_space<hbm>>
    %dma_wait3A_162 = tpu.memref_squeeze %dma_wait3A_161 : memref<1x16x768xf32, #tpu.memory_space<hbm>> -> memref<16x768xf32, #tpu.memory_space<hbm>>
    %dma_wait3A_163 = arith.constant 0 : i32
    %dma_wait3A_164 = tpu.memref_slice %arg5[%dma_wait3A_159, %add3A_137, %dma_wait3A_163] : memref<2x4096x768xf32, #tpu.memory_space<hbm>> -> memref<1x16x768xf32, #tpu.memory_space<hbm>>
    %dma_wait3A_165 = tpu.memref_squeeze %dma_wait3A_164 : memref<1x16x768xf32, #tpu.memory_space<hbm>> -> memref<16x768xf32, #tpu.memory_space<hbm>>
    tpu.wait_dma2 semaphore(%arg28 : memref<!tpu.dma_semaphore, #tpu.memory_space<semaphore_mem>>) src(%arg12 : memref<16x768xf32, #tpu.memory_space<vmem>>) dst(%dma_wait3A_165 : memref<16x768xf32, #tpu.memory_space<hbm>>)
    %dma_start3A_166 = arith.constant 80 : i32
    %dma_start3A_167 = tpu.memref_slice %arg6[%dma_start3A_166] : memref<128xi32, #tpu.memory_space<vmem>> -> memref<16xi32, #tpu.memory_space<vmem>>
    %dma_start3A_168 = arith.constant 0 : i32
    %dma_start3A_169 = arith.constant 0 : i32
    %dma_start3A_170 = tpu.memref_slice %arg3[%dma_start3A_168, %dma_start3A_169] : memref<100000x768xf32, #tpu.memory_space<hbm>> -> memref<100000x768xf32, #tpu.memory_space<hbm>>
    tpu.enqueue_indirect_dma source(%dma_start3A_170 : memref<100000x768xf32, #tpu.memory_space<hbm>>) target(%arg8 : memref<16x768xf32, #tpu.memory_space<vmem>>) offsets(%dma_start3A_167 : memref<16xi32, #tpu.memory_space<vmem>>) semaphore(%arg16 : memref<!tpu.dma_semaphore, #tpu.memory_space<semaphore_mem>>)
    %dma_start3A_171 = arith.constant 80 : i32
    %dma_start3A_172 = tpu.memref_slice %arg6[%dma_start3A_171] : memref<128xi32, #tpu.memory_space<vmem>> -> memref<16xi32, #tpu.memory_space<vmem>>
    %dma_start3A_173 = arith.constant 0 : i32
    %dma_start3A_174 = arith.constant 0 : i32
    %dma_start3A_175 = tpu.memref_slice %arg4[%dma_start3A_173, %dma_start3A_174] : memref<100000x768xf32, #tpu.memory_space<hbm>> -> memref<100000x768xf32, #tpu.memory_space<hbm>>
    tpu.enqueue_indirect_dma source(%dma_start3A_175 : memref<100000x768xf32, #tpu.memory_space<hbm>>) target(%arg12 : memref<16x768xf32, #tpu.memory_space<vmem>>) offsets(%dma_start3A_172 : memref<16xi32, #tpu.memory_space<vmem>>) semaphore(%arg20 : memref<!tpu.dma_semaphore, #tpu.memory_space<semaphore_mem>>)
    %dma_wait3A_176 = arith.constant 32 : i32
    %dma_wait3A_177 = tpu.memref_slice %arg6[%dma_wait3A_176] : memref<128xi32, #tpu.memory_space<vmem>> -> memref<16xi32, #tpu.memory_space<vmem>>
    %dma_wait3A_178 = arith.constant 0 : i32
    %dma_wait3A_179 = arith.constant 0 : i32
    %dma_wait3A_180 = tpu.memref_slice %arg3[%dma_wait3A_178, %dma_wait3A_179] : memref<100000x768xf32, #tpu.memory_space<hbm>> -> memref<100000x768xf32, #tpu.memory_space<hbm>>
    tpu.wait_indirect_dma semaphore(%arg17 : memref<!tpu.dma_semaphore, #tpu.memory_space<semaphore_mem>>) src(%dma_wait3A_180 : memref<100000x768xf32, #tpu.memory_space<hbm>>) dst(%arg9 : memref<16x768xf32, #tpu.memory_space<vmem>>)
    %dma_wait3A_181 = arith.constant 32 : i32
    %dma_wait3A_182 = tpu.memref_slice %arg6[%dma_wait3A_181] : memref<128xi32, #tpu.memory_space<vmem>> -> memref<16xi32, #tpu.memory_space<vmem>>
    %dma_wait3A_183 = arith.constant 0 : i32
    %dma_wait3A_184 = arith.constant 0 : i32
    %dma_wait3A_185 = tpu.memref_slice %arg4[%dma_wait3A_183, %dma_wait3A_184] : memref<100000x768xf32, #tpu.memory_space<hbm>> -> memref<100000x768xf32, #tpu.memory_space<hbm>>
    tpu.wait_indirect_dma semaphore(%arg21 : memref<!tpu.dma_semaphore, #tpu.memory_space<semaphore_mem>>) src(%dma_wait3A_185 : memref<100000x768xf32, #tpu.memory_space<hbm>>) dst(%arg13 : memref<16x768xf32, #tpu.memory_space<vmem>>)
    %add3A_186 = arith.constant 32 : i32
    %add3A_187 = arith.addi %mul3A_2, %add3A_186 : i32
    %dma_start3A_188 = arith.constant 0 : i32
    %dma_start3A_189 = arith.constant 0 : i32
    %dma_start3A_190 = tpu.memref_slice %arg5[%dma_start3A_188, %add3A_187, %dma_start3A_189] : memref<2x4096x768xf32, #tpu.memory_space<hbm>> -> memref<1x16x768xf32, #tpu.memory_space<hbm>>
    %dma_start3A_191 = tpu.memref_squeeze %dma_start3A_190 : memref<1x16x768xf32, #tpu.memory_space<hbm>> -> memref<16x768xf32, #tpu.memory_space<hbm>>
    %dma_start3A_192 = arith.constant 0 : i32
    %dma_start3A_193 = tpu.memref_slice %arg5[%dma_start3A_188, %add3A_187, %dma_start3A_192] : memref<2x4096x768xf32, #tpu.memory_space<hbm>> -> memref<1x16x768xf32, #tpu.memory_space<hbm>>
    %dma_start3A_194 = tpu.memref_squeeze %dma_start3A_193 : memref<1x16x768xf32, #tpu.memory_space<hbm>> -> memref<16x768xf32, #tpu.memory_space<hbm>>
    tpu.enqueue_dma source(%arg9 : memref<16x768xf32, #tpu.memory_space<vmem>>) target(%dma_start3A_194 : memref<16x768xf32, #tpu.memory_space<hbm>>) target_semaphore(%arg25 : memref<!tpu.dma_semaphore, #tpu.memory_space<semaphore_mem>>)
    %dma_start3A_195 = arith.constant 1 : i32
    %dma_start3A_196 = arith.constant 0 : i32
    %dma_start3A_197 = tpu.memref_slice %arg5[%dma_start3A_195, %add3A_187, %dma_start3A_196] : memref<2x4096x768xf32, #tpu.memory_space<hbm>> -> memref<1x16x768xf32, #tpu.memory_space<hbm>>
    %dma_start3A_198 = tpu.memref_squeeze %dma_start3A_197 : memref<1x16x768xf32, #tpu.memory_space<hbm>> -> memref<16x768xf32, #tpu.memory_space<hbm>>
    %dma_start3A_199 = arith.constant 0 : i32
    %dma_start3A_200 = tpu.memref_slice %arg5[%dma_start3A_195, %add3A_187, %dma_start3A_199] : memref<2x4096x768xf32, #tpu.memory_space<hbm>> -> memref<1x16x768xf32, #tpu.memory_space<hbm>>
    %dma_start3A_201 = tpu.memref_squeeze %dma_start3A_200 : memref<1x16x768xf32, #tpu.memory_space<hbm>> -> memref<16x768xf32, #tpu.memory_space<hbm>>
    tpu.enqueue_dma source(%arg13 : memref<16x768xf32, #tpu.memory_space<vmem>>) target(%dma_start3A_201 : memref<16x768xf32, #tpu.memory_space<hbm>>) target_semaphore(%arg29 : memref<!tpu.dma_semaphore, #tpu.memory_space<semaphore_mem>>)
    %dma_wait3A_202 = arith.constant 0 : i32
    %dma_wait3A_203 = arith.constant 0 : i32
    %dma_wait3A_204 = tpu.memref_slice %arg5[%dma_wait3A_202, %add3A_187, %dma_wait3A_203] : memref<2x4096x768xf32, #tpu.memory_space<hbm>> -> memref<1x16x768xf32, #tpu.memory_space<hbm>>
    %dma_wait3A_205 = tpu.memref_squeeze %dma_wait3A_204 : memref<1x16x768xf32, #tpu.memory_space<hbm>> -> memref<16x768xf32, #tpu.memory_space<hbm>>
    %dma_wait3A_206 = arith.constant 0 : i32
    %dma_wait3A_207 = tpu.memref_slice %arg5[%dma_wait3A_202, %add3A_187, %dma_wait3A_206] : memref<2x4096x768xf32, #tpu.memory_space<hbm>> -> memref<1x16x768xf32, #tpu.memory_space<hbm>>
    %dma_wait3A_208 = tpu.memref_squeeze %dma_wait3A_207 : memref<1x16x768xf32, #tpu.memory_space<hbm>> -> memref<16x768xf32, #tpu.memory_space<hbm>>
    tpu.wait_dma2 semaphore(%arg25 : memref<!tpu.dma_semaphore, #tpu.memory_space<semaphore_mem>>) src(%arg9 : memref<16x768xf32, #tpu.memory_space<vmem>>) dst(%dma_wait3A_208 : memref<16x768xf32, #tpu.memory_space<hbm>>)
    %dma_wait3A_209 = arith.constant 1 : i32
    %dma_wait3A_210 = arith.constant 0 : i32
    %dma_wait3A_211 = tpu.memref_slice %arg5[%dma_wait3A_209, %add3A_187, %dma_wait3A_210] : memref<2x4096x768xf32, #tpu.memory_space<hbm>> -> memref<1x16x768xf32, #tpu.memory_space<hbm>>
    %dma_wait3A_212 = tpu.memref_squeeze %dma_wait3A_211 : memref<1x16x768xf32, #tpu.memory_space<hbm>> -> memref<16x768xf32, #tpu.memory_space<hbm>>
    %dma_wait3A_213 = arith.constant 0 : i32
    %dma_wait3A_214 = tpu.memref_slice %arg5[%dma_wait3A_209, %add3A_187, %dma_wait3A_213] : memref<2x4096x768xf32, #tpu.memory_space<hbm>> -> memref<1x16x768xf32, #tpu.memory_space<hbm>>
    %dma_wait3A_215 = tpu.memref_squeeze %dma_wait3A_214 : memref<1x16x768xf32, #tpu.memory_space<hbm>> -> memref<16x768xf32, #tpu.memory_space<hbm>>
    tpu.wait_dma2 semaphore(%arg29 : memref<!tpu.dma_semaphore, #tpu.memory_space<semaphore_mem>>) src(%arg13 : memref<16x768xf32, #tpu.memory_space<vmem>>) dst(%dma_wait3A_215 : memref<16x768xf32, #tpu.memory_space<hbm>>)
    %dma_start3A_216 = arith.constant 96 : i32
    %dma_start3A_217 = tpu.memref_slice %arg6[%dma_start3A_216] : memref<128xi32, #tpu.memory_space<vmem>> -> memref<16xi32, #tpu.memory_space<vmem>>
    %dma_start3A_218 = arith.constant 0 : i32
    %dma_start3A_219 = arith.constant 0 : i32
    %dma_start3A_220 = tpu.memref_slice %arg3[%dma_start3A_218, %dma_start3A_219] : memref<100000x768xf32, #tpu.memory_space<hbm>> -> memref<100000x768xf32, #tpu.memory_space<hbm>>
    tpu.enqueue_indirect_dma source(%dma_start3A_220 : memref<100000x768xf32, #tpu.memory_space<hbm>>) target(%arg9 : memref<16x768xf32, #tpu.memory_space<vmem>>) offsets(%dma_start3A_217 : memref<16xi32, #tpu.memory_space<vmem>>) semaphore(%arg17 : memref<!tpu.dma_semaphore, #tpu.memory_space<semaphore_mem>>)
    %dma_start3A_221 = arith.constant 96 : i32
    %dma_start3A_222 = tpu.memref_slice %arg6[%dma_start3A_221] : memref<128xi32, #tpu.memory_space<vmem>> -> memref<16xi32, #tpu.memory_space<vmem>>
    %dma_start3A_223 = arith.constant 0 : i32
    %dma_start3A_224 = arith.constant 0 : i32
    %dma_start3A_225 = tpu.memref_slice %arg4[%dma_start3A_223, %dma_start3A_224] : memref<100000x768xf32, #tpu.memory_space<hbm>> -> memref<100000x768xf32, #tpu.memory_space<hbm>>
    tpu.enqueue_indirect_dma source(%dma_start3A_225 : memref<100000x768xf32, #tpu.memory_space<hbm>>) target(%arg13 : memref<16x768xf32, #tpu.memory_space<vmem>>) offsets(%dma_start3A_222 : memref<16xi32, #tpu.memory_space<vmem>>) semaphore(%arg21 : memref<!tpu.dma_semaphore, #tpu.memory_space<semaphore_mem>>)
    %dma_wait3A_226 = arith.constant 48 : i32
    %dma_wait3A_227 = tpu.memref_slice %arg6[%dma_wait3A_226] : memref<128xi32, #tpu.memory_space<vmem>> -> memref<16xi32, #tpu.memory_space<vmem>>
    %dma_wait3A_228 = arith.constant 0 : i32
    %dma_wait3A_229 = arith.constant 0 : i32
    %dma_wait3A_230 = tpu.memref_slice %arg3[%dma_wait3A_228, %dma_wait3A_229] : memref<100000x768xf32, #tpu.memory_space<hbm>> -> memref<100000x768xf32, #tpu.memory_space<hbm>>
    tpu.wait_indirect_dma semaphore(%arg18 : memref<!tpu.dma_semaphore, #tpu.memory_space<semaphore_mem>>) src(%dma_wait3A_230 : memref<100000x768xf32, #tpu.memory_space<hbm>>) dst(%arg10 : memref<16x768xf32, #tpu.memory_space<vmem>>)
    %dma_wait3A_231 = arith.constant 48 : i32
    %dma_wait3A_232 = tpu.memref_slice %arg6[%dma_wait3A_231] : memref<128xi32, #tpu.memory_space<vmem>> -> memref<16xi32, #tpu.memory_space<vmem>>
    %dma_wait3A_233 = arith.constant 0 : i32
    %dma_wait3A_234 = arith.constant 0 : i32
    %dma_wait3A_235 = tpu.memref_slice %arg4[%dma_wait3A_233, %dma_wait3A_234] : memref<100000x768xf32, #tpu.memory_space<hbm>> -> memref<100000x768xf32, #tpu.memory_space<hbm>>
    tpu.wait_indirect_dma semaphore(%arg22 : memref<!tpu.dma_semaphore, #tpu.memory_space<semaphore_mem>>) src(%dma_wait3A_235 : memref<100000x768xf32, #tpu.memory_space<hbm>>) dst(%arg14 : memref<16x768xf32, #tpu.memory_space<vmem>>)
    %add3A_236 = arith.constant 48 : i32
    %add3A_237 = arith.addi %mul3A_2, %add3A_236 : i32
    %dma_start3A_238 = arith.constant 0 : i32
    %dma_start3A_239 = arith.constant 0 : i32
    %dma_start3A_240 = tpu.memref_slice %arg5[%dma_start3A_238, %add3A_237, %dma_start3A_239] : memref<2x4096x768xf32, #tpu.memory_space<hbm>> -> memref<1x16x768xf32, #tpu.memory_space<hbm>>
    %dma_start3A_241 = tpu.memref_squeeze %dma_start3A_240 : memref<1x16x768xf32, #tpu.memory_space<hbm>> -> memref<16x768xf32, #tpu.memory_space<hbm>>
    %dma_start3A_242 = arith.constant 0 : i32
    %dma_start3A_243 = tpu.memref_slice %arg5[%dma_start3A_238, %add3A_237, %dma_start3A_242] : memref<2x4096x768xf32, #tpu.memory_space<hbm>> -> memref<1x16x768xf32, #tpu.memory_space<hbm>>
    %dma_start3A_244 = tpu.memref_squeeze %dma_start3A_243 : memref<1x16x768xf32, #tpu.memory_space<hbm>> -> memref<16x768xf32, #tpu.memory_space<hbm>>
    tpu.enqueue_dma source(%arg10 : memref<16x768xf32, #tpu.memory_space<vmem>>) target(%dma_start3A_244 : memref<16x768xf32, #tpu.memory_space<hbm>>) target_semaphore(%arg26 : memref<!tpu.dma_semaphore, #tpu.memory_space<semaphore_mem>>)
    %dma_start3A_245 = arith.constant 1 : i32
    %dma_start3A_246 = arith.constant 0 : i32
    %dma_start3A_247 = tpu.memref_slice %arg5[%dma_start3A_245, %add3A_237, %dma_start3A_246] : memref<2x4096x768xf32, #tpu.memory_space<hbm>> -> memref<1x16x768xf32, #tpu.memory_space<hbm>>
    %dma_start3A_248 = tpu.memref_squeeze %dma_start3A_247 : memref<1x16x768xf32, #tpu.memory_space<hbm>> -> memref<16x768xf32, #tpu.memory_space<hbm>>
    %dma_start3A_249 = arith.constant 0 : i32
    %dma_start3A_250 = tpu.memref_slice %arg5[%dma_start3A_245, %add3A_237, %dma_start3A_249] : memref<2x4096x768xf32, #tpu.memory_space<hbm>> -> memref<1x16x768xf32, #tpu.memory_space<hbm>>
    %dma_start3A_251 = tpu.memref_squeeze %dma_start3A_250 : memref<1x16x768xf32, #tpu.memory_space<hbm>> -> memref<16x768xf32, #tpu.memory_space<hbm>>
    tpu.enqueue_dma source(%arg14 : memref<16x768xf32, #tpu.memory_space<vmem>>) target(%dma_start3A_251 : memref<16x768xf32, #tpu.memory_space<hbm>>) target_semaphore(%arg30 : memref<!tpu.dma_semaphore, #tpu.memory_space<semaphore_mem>>)
    %dma_wait3A_252 = arith.constant 0 : i32
    %dma_wait3A_253 = arith.constant 0 : i32
    %dma_wait3A_254 = tpu.memref_slice %arg5[%dma_wait3A_252, %add3A_237, %dma_wait3A_253] : memref<2x4096x768xf32, #tpu.memory_space<hbm>> -> memref<1x16x768xf32, #tpu.memory_space<hbm>>
    %dma_wait3A_255 = tpu.memref_squeeze %dma_wait3A_254 : memref<1x16x768xf32, #tpu.memory_space<hbm>> -> memref<16x768xf32, #tpu.memory_space<hbm>>
    %dma_wait3A_256 = arith.constant 0 : i32
    %dma_wait3A_257 = tpu.memref_slice %arg5[%dma_wait3A_252, %add3A_237, %dma_wait3A_256] : memref<2x4096x768xf32, #tpu.memory_space<hbm>> -> memref<1x16x768xf32, #tpu.memory_space<hbm>>
    %dma_wait3A_258 = tpu.memref_squeeze %dma_wait3A_257 : memref<1x16x768xf32, #tpu.memory_space<hbm>> -> memref<16x768xf32, #tpu.memory_space<hbm>>
    tpu.wait_dma2 semaphore(%arg26 : memref<!tpu.dma_semaphore, #tpu.memory_space<semaphore_mem>>) src(%arg10 : memref<16x768xf32, #tpu.memory_space<vmem>>) dst(%dma_wait3A_258 : memref<16x768xf32, #tpu.memory_space<hbm>>)
    %dma_wait3A_259 = arith.constant 1 : i32
    %dma_wait3A_260 = arith.constant 0 : i32
    %dma_wait3A_261 = tpu.memref_slice %arg5[%dma_wait3A_259, %add3A_237, %dma_wait3A_260] : memref<2x4096x768xf32, #tpu.memory_space<hbm>> -> memref<1x16x768xf32, #tpu.memory_space<hbm>>
    %dma_wait3A_262 = tpu.memref_squeeze %dma_wait3A_261 : memref<1x16x768xf32, #tpu.memory_space<hbm>> -> memref<16x768xf32, #tpu.memory_space<hbm>>
    %dma_wait3A_263 = arith.constant 0 : i32
    %dma_wait3A_264 = tpu.memref_slice %arg5[%dma_wait3A_259, %add3A_237, %dma_wait3A_263] : memref<2x4096x768xf32, #tpu.memory_space<hbm>> -> memref<1x16x768xf32, #tpu.memory_space<hbm>>
    %dma_wait3A_265 = tpu.memref_squeeze %dma_wait3A_264 : memref<1x16x768xf32, #tpu.memory_space<hbm>> -> memref<16x768xf32, #tpu.memory_space<hbm>>
    tpu.wait_dma2 semaphore(%arg30 : memref<!tpu.dma_semaphore, #tpu.memory_space<semaphore_mem>>) src(%arg14 : memref<16x768xf32, #tpu.memory_space<vmem>>) dst(%dma_wait3A_265 : memref<16x768xf32, #tpu.memory_space<hbm>>)
    %dma_start3A_266 = arith.constant 112 : i32
    %dma_start3A_267 = tpu.memref_slice %arg6[%dma_start3A_266] : memref<128xi32, #tpu.memory_space<vmem>> -> memref<16xi32, #tpu.memory_space<vmem>>
    %dma_start3A_268 = arith.constant 0 : i32
    %dma_start3A_269 = arith.constant 0 : i32
    %dma_start3A_270 = tpu.memref_slice %arg3[%dma_start3A_268, %dma_start3A_269] : memref<100000x768xf32, #tpu.memory_space<hbm>> -> memref<100000x768xf32, #tpu.memory_space<hbm>>
    tpu.enqueue_indirect_dma source(%dma_start3A_270 : memref<100000x768xf32, #tpu.memory_space<hbm>>) target(%arg10 : memref<16x768xf32, #tpu.memory_space<vmem>>) offsets(%dma_start3A_267 : memref<16xi32, #tpu.memory_space<vmem>>) semaphore(%arg18 : memref<!tpu.dma_semaphore, #tpu.memory_space<semaphore_mem>>)
    %dma_start3A_271 = arith.constant 112 : i32
    %dma_start3A_272 = tpu.memref_slice %arg6[%dma_start3A_271] : memref<128xi32, #tpu.memory_space<vmem>> -> memref<16xi32, #tpu.memory_space<vmem>>
    %dma_start3A_273 = arith.constant 0 : i32
    %dma_start3A_274 = arith.constant 0 : i32
    %dma_start3A_275 = tpu.memref_slice %arg4[%dma_start3A_273, %dma_start3A_274] : memref<100000x768xf32, #tpu.memory_space<hbm>> -> memref<100000x768xf32, #tpu.memory_space<hbm>>
    tpu.enqueue_indirect_dma source(%dma_start3A_275 : memref<100000x768xf32, #tpu.memory_space<hbm>>) target(%arg14 : memref<16x768xf32, #tpu.memory_space<vmem>>) offsets(%dma_start3A_272 : memref<16xi32, #tpu.memory_space<vmem>>) semaphore(%arg22 : memref<!tpu.dma_semaphore, #tpu.memory_space<semaphore_mem>>)
    %dma_wait3A_276 = arith.constant 64 : i32
    %dma_wait3A_277 = tpu.memref_slice %arg6[%dma_wait3A_276] : memref<128xi32, #tpu.memory_space<vmem>> -> memref<16xi32, #tpu.memory_space<vmem>>
    %dma_wait3A_278 = arith.constant 0 : i32
    %dma_wait3A_279 = arith.constant 0 : i32
    %dma_wait3A_280 = tpu.memref_slice %arg3[%dma_wait3A_278, %dma_wait3A_279] : memref<100000x768xf32, #tpu.memory_space<hbm>> -> memref<100000x768xf32, #tpu.memory_space<hbm>>
    tpu.wait_indirect_dma semaphore(%arg15 : memref<!tpu.dma_semaphore, #tpu.memory_space<semaphore_mem>>) src(%dma_wait3A_280 : memref<100000x768xf32, #tpu.memory_space<hbm>>) dst(%arg7 : memref<16x768xf32, #tpu.memory_space<vmem>>)
    %dma_wait3A_281 = arith.constant 64 : i32
    %dma_wait3A_282 = tpu.memref_slice %arg6[%dma_wait3A_281] : memref<128xi32, #tpu.memory_space<vmem>> -> memref<16xi32, #tpu.memory_space<vmem>>
    %dma_wait3A_283 = arith.constant 0 : i32
    %dma_wait3A_284 = arith.constant 0 : i32
    %dma_wait3A_285 = tpu.memref_slice %arg4[%dma_wait3A_283, %dma_wait3A_284] : memref<100000x768xf32, #tpu.memory_space<hbm>> -> memref<100000x768xf32, #tpu.memory_space<hbm>>
    tpu.wait_indirect_dma semaphore(%arg19 : memref<!tpu.dma_semaphore, #tpu.memory_space<semaphore_mem>>) src(%dma_wait3A_285 : memref<100000x768xf32, #tpu.memory_space<hbm>>) dst(%arg11 : memref<16x768xf32, #tpu.memory_space<vmem>>)
    %add3A_286 = arith.constant 64 : i32
    %add3A_287 = arith.addi %mul3A_2, %add3A_286 : i32
    %dma_start3A_288 = arith.constant 0 : i32
    %dma_start3A_289 = arith.constant 0 : i32
    %dma_start3A_290 = tpu.memref_slice %arg5[%dma_start3A_288, %add3A_287, %dma_start3A_289] : memref<2x4096x768xf32, #tpu.memory_space<hbm>> -> memref<1x16x768xf32, #tpu.memory_space<hbm>>
    %dma_start3A_291 = tpu.memref_squeeze %dma_start3A_290 : memref<1x16x768xf32, #tpu.memory_space<hbm>> -> memref<16x768xf32, #tpu.memory_space<hbm>>
    %dma_start3A_292 = arith.constant 0 : i32
    %dma_start3A_293 = tpu.memref_slice %arg5[%dma_start3A_288, %add3A_287, %dma_start3A_292] : memref<2x4096x768xf32, #tpu.memory_space<hbm>> -> memref<1x16x768xf32, #tpu.memory_space<hbm>>
    %dma_start3A_294 = tpu.memref_squeeze %dma_start3A_293 : memref<1x16x768xf32, #tpu.memory_space<hbm>> -> memref<16x768xf32, #tpu.memory_space<hbm>>
    tpu.enqueue_dma source(%arg7 : memref<16x768xf32, #tpu.memory_space<vmem>>) target(%dma_start3A_294 : memref<16x768xf32, #tpu.memory_space<hbm>>) target_semaphore(%arg23 : memref<!tpu.dma_semaphore, #tpu.memory_space<semaphore_mem>>)
    %dma_start3A_295 = arith.constant 1 : i32
    %dma_start3A_296 = arith.constant 0 : i32
    %dma_start3A_297 = tpu.memref_slice %arg5[%dma_start3A_295, %add3A_287, %dma_start3A_296] : memref<2x4096x768xf32, #tpu.memory_space<hbm>> -> memref<1x16x768xf32, #tpu.memory_space<hbm>>
    %dma_start3A_298 = tpu.memref_squeeze %dma_start3A_297 : memref<1x16x768xf32, #tpu.memory_space<hbm>> -> memref<16x768xf32, #tpu.memory_space<hbm>>
    %dma_start3A_299 = arith.constant 0 : i32
    %dma_start3A_300 = tpu.memref_slice %arg5[%dma_start3A_295, %add3A_287, %dma_start3A_299] : memref<2x4096x768xf32, #tpu.memory_space<hbm>> -> memref<1x16x768xf32, #tpu.memory_space<hbm>>
    %dma_start3A_301 = tpu.memref_squeeze %dma_start3A_300 : memref<1x16x768xf32, #tpu.memory_space<hbm>> -> memref<16x768xf32, #tpu.memory_space<hbm>>
    tpu.enqueue_dma source(%arg11 : memref<16x768xf32, #tpu.memory_space<vmem>>) target(%dma_start3A_301 : memref<16x768xf32, #tpu.memory_space<hbm>>) target_semaphore(%arg27 : memref<!tpu.dma_semaphore, #tpu.memory_space<semaphore_mem>>)
    %dma_wait3A_302 = arith.constant 80 : i32
    %dma_wait3A_303 = tpu.memref_slice %arg6[%dma_wait3A_302] : memref<128xi32, #tpu.memory_space<vmem>> -> memref<16xi32, #tpu.memory_space<vmem>>
    %dma_wait3A_304 = arith.constant 0 : i32
    %dma_wait3A_305 = arith.constant 0 : i32
    %dma_wait3A_306 = tpu.memref_slice %arg3[%dma_wait3A_304, %dma_wait3A_305] : memref<100000x768xf32, #tpu.memory_space<hbm>> -> memref<100000x768xf32, #tpu.memory_space<hbm>>
    tpu.wait_indirect_dma semaphore(%arg16 : memref<!tpu.dma_semaphore, #tpu.memory_space<semaphore_mem>>) src(%dma_wait3A_306 : memref<100000x768xf32, #tpu.memory_space<hbm>>) dst(%arg8 : memref<16x768xf32, #tpu.memory_space<vmem>>)
    %dma_wait3A_307 = arith.constant 80 : i32
    %dma_wait3A_308 = tpu.memref_slice %arg6[%dma_wait3A_307] : memref<128xi32, #tpu.memory_space<vmem>> -> memref<16xi32, #tpu.memory_space<vmem>>
    %dma_wait3A_309 = arith.constant 0 : i32
    %dma_wait3A_310 = arith.constant 0 : i32
    %dma_wait3A_311 = tpu.memref_slice %arg4[%dma_wait3A_309, %dma_wait3A_310] : memref<100000x768xf32, #tpu.memory_space<hbm>> -> memref<100000x768xf32, #tpu.memory_space<hbm>>
    tpu.wait_indirect_dma semaphore(%arg20 : memref<!tpu.dma_semaphore, #tpu.memory_space<semaphore_mem>>) src(%dma_wait3A_311 : memref<100000x768xf32, #tpu.memory_space<hbm>>) dst(%arg12 : memref<16x768xf32, #tpu.memory_space<vmem>>)
    %add3A_312 = arith.constant 80 : i32
    %add3A_313 = arith.addi %mul3A_2, %add3A_312 : i32
    %dma_start3A_314 = arith.constant 0 : i32
    %dma_start3A_315 = arith.constant 0 : i32
    %dma_start3A_316 = tpu.memref_slice %arg5[%dma_start3A_314, %add3A_313, %dma_start3A_315] : memref<2x4096x768xf32, #tpu.memory_space<hbm>> -> memref<1x16x768xf32, #tpu.memory_space<hbm>>
    %dma_start3A_317 = tpu.memref_squeeze %dma_start3A_316 : memref<1x16x768xf32, #tpu.memory_space<hbm>> -> memref<16x768xf32, #tpu.memory_space<hbm>>
    %dma_start3A_318 = arith.constant 0 : i32
    %dma_start3A_319 = tpu.memref_slice %arg5[%dma_start3A_314, %add3A_313, %dma_start3A_318] : memref<2x4096x768xf32, #tpu.memory_space<hbm>> -> memref<1x16x768xf32, #tpu.memory_space<hbm>>
    %dma_start3A_320 = tpu.memref_squeeze %dma_start3A_319 : memref<1x16x768xf32, #tpu.memory_space<hbm>> -> memref<16x768xf32, #tpu.memory_space<hbm>>
    tpu.enqueue_dma source(%arg8 : memref<16x768xf32, #tpu.memory_space<vmem>>) target(%dma_start3A_320 : memref<16x768xf32, #tpu.memory_space<hbm>>) target_semaphore(%arg24 : memref<!tpu.dma_semaphore, #tpu.memory_space<semaphore_mem>>)
    %dma_start3A_321 = arith.constant 1 : i32
    %dma_start3A_322 = arith.constant 0 : i32
    %dma_start3A_323 = tpu.memref_slice %arg5[%dma_start3A_321, %add3A_313, %dma_start3A_322] : memref<2x4096x768xf32, #tpu.memory_space<hbm>> -> memref<1x16x768xf32, #tpu.memory_space<hbm>>
    %dma_start3A_324 = tpu.memref_squeeze %dma_start3A_323 : memref<1x16x768xf32, #tpu.memory_space<hbm>> -> memref<16x768xf32, #tpu.memory_space<hbm>>
    %dma_start3A_325 = arith.constant 0 : i32
    %dma_start3A_326 = tpu.memref_slice %arg5[%dma_start3A_321, %add3A_313, %dma_start3A_325] : memref<2x4096x768xf32, #tpu.memory_space<hbm>> -> memref<1x16x768xf32, #tpu.memory_space<hbm>>
    %dma_start3A_327 = tpu.memref_squeeze %dma_start3A_326 : memref<1x16x768xf32, #tpu.memory_space<hbm>> -> memref<16x768xf32, #tpu.memory_space<hbm>>
    tpu.enqueue_dma source(%arg12 : memref<16x768xf32, #tpu.memory_space<vmem>>) target(%dma_start3A_327 : memref<16x768xf32, #tpu.memory_space<hbm>>) target_semaphore(%arg28 : memref<!tpu.dma_semaphore, #tpu.memory_space<semaphore_mem>>)
    %dma_wait3A_328 = arith.constant 96 : i32
    %dma_wait3A_329 = tpu.memref_slice %arg6[%dma_wait3A_328] : memref<128xi32, #tpu.memory_space<vmem>> -> memref<16xi32, #tpu.memory_space<vmem>>
    %dma_wait3A_330 = arith.constant 0 : i32
    %dma_wait3A_331 = arith.constant 0 : i32
    %dma_wait3A_332 = tpu.memref_slice %arg3[%dma_wait3A_330, %dma_wait3A_331] : memref<100000x768xf32, #tpu.memory_space<hbm>> -> memref<100000x768xf32, #tpu.memory_space<hbm>>
    tpu.wait_indirect_dma semaphore(%arg17 : memref<!tpu.dma_semaphore, #tpu.memory_space<semaphore_mem>>) src(%dma_wait3A_332 : memref<100000x768xf32, #tpu.memory_space<hbm>>) dst(%arg9 : memref<16x768xf32, #tpu.memory_space<vmem>>)
    %dma_wait3A_333 = arith.constant 96 : i32
    %dma_wait3A_334 = tpu.memref_slice %arg6[%dma_wait3A_333] : memref<128xi32, #tpu.memory_space<vmem>> -> memref<16xi32, #tpu.memory_space<vmem>>
    %dma_wait3A_335 = arith.constant 0 : i32
    %dma_wait3A_336 = arith.constant 0 : i32
    %dma_wait3A_337 = tpu.memref_slice %arg4[%dma_wait3A_335, %dma_wait3A_336] : memref<100000x768xf32, #tpu.memory_space<hbm>> -> memref<100000x768xf32, #tpu.memory_space<hbm>>
    tpu.wait_indirect_dma semaphore(%arg21 : memref<!tpu.dma_semaphore, #tpu.memory_space<semaphore_mem>>) src(%dma_wait3A_337 : memref<100000x768xf32, #tpu.memory_space<hbm>>) dst(%arg13 : memref<16x768xf32, #tpu.memory_space<vmem>>)
    %add3A_338 = arith.constant 96 : i32
    %add3A_339 = arith.addi %mul3A_2, %add3A_338 : i32
    %dma_start3A_340 = arith.constant 0 : i32
    %dma_start3A_341 = arith.constant 0 : i32
    %dma_start3A_342 = tpu.memref_slice %arg5[%dma_start3A_340, %add3A_339, %dma_start3A_341] : memref<2x4096x768xf32, #tpu.memory_space<hbm>> -> memref<1x16x768xf32, #tpu.memory_space<hbm>>
    %dma_start3A_343 = tpu.memref_squeeze %dma_start3A_342 : memref<1x16x768xf32, #tpu.memory_space<hbm>> -> memref<16x768xf32, #tpu.memory_space<hbm>>
    %dma_start3A_344 = arith.constant 0 : i32
    %dma_start3A_345 = tpu.memref_slice %arg5[%dma_start3A_340, %add3A_339, %dma_start3A_344] : memref<2x4096x768xf32, #tpu.memory_space<hbm>> -> memref<1x16x768xf32, #tpu.memory_space<hbm>>
    %dma_start3A_346 = tpu.memref_squeeze %dma_start3A_345 : memref<1x16x768xf32, #tpu.memory_space<hbm>> -> memref<16x768xf32, #tpu.memory_space<hbm>>
    tpu.enqueue_dma source(%arg9 : memref<16x768xf32, #tpu.memory_space<vmem>>) target(%dma_start3A_346 : memref<16x768xf32, #tpu.memory_space<hbm>>) target_semaphore(%arg25 : memref<!tpu.dma_semaphore, #tpu.memory_space<semaphore_mem>>)
    %dma_start3A_347 = arith.constant 1 : i32
    %dma_start3A_348 = arith.constant 0 : i32
    %dma_start3A_349 = tpu.memref_slice %arg5[%dma_start3A_347, %add3A_339, %dma_start3A_348] : memref<2x4096x768xf32, #tpu.memory_space<hbm>> -> memref<1x16x768xf32, #tpu.memory_space<hbm>>
    %dma_start3A_350 = tpu.memref_squeeze %dma_start3A_349 : memref<1x16x768xf32, #tpu.memory_space<hbm>> -> memref<16x768xf32, #tpu.memory_space<hbm>>
    %dma_start3A_351 = arith.constant 0 : i32
    %dma_start3A_352 = tpu.memref_slice %arg5[%dma_start3A_347, %add3A_339, %dma_start3A_351] : memref<2x4096x768xf32, #tpu.memory_space<hbm>> -> memref<1x16x768xf32, #tpu.memory_space<hbm>>
    %dma_start3A_353 = tpu.memref_squeeze %dma_start3A_352 : memref<1x16x768xf32, #tpu.memory_space<hbm>> -> memref<16x768xf32, #tpu.memory_space<hbm>>
    tpu.enqueue_dma source(%arg13 : memref<16x768xf32, #tpu.memory_space<vmem>>) target(%dma_start3A_353 : memref<16x768xf32, #tpu.memory_space<hbm>>) target_semaphore(%arg29 : memref<!tpu.dma_semaphore, #tpu.memory_space<semaphore_mem>>)
    %dma_wait3A_354 = arith.constant 112 : i32
    %dma_wait3A_355 = tpu.memref_slice %arg6[%dma_wait3A_354] : memref<128xi32, #tpu.memory_space<vmem>> -> memref<16xi32, #tpu.memory_space<vmem>>
    %dma_wait3A_356 = arith.constant 0 : i32
    %dma_wait3A_357 = arith.constant 0 : i32
    %dma_wait3A_358 = tpu.memref_slice %arg3[%dma_wait3A_356, %dma_wait3A_357] : memref<100000x768xf32, #tpu.memory_space<hbm>> -> memref<100000x768xf32, #tpu.memory_space<hbm>>
    tpu.wait_indirect_dma semaphore(%arg18 : memref<!tpu.dma_semaphore, #tpu.memory_space<semaphore_mem>>) src(%dma_wait3A_358 : memref<100000x768xf32, #tpu.memory_space<hbm>>) dst(%arg10 : memref<16x768xf32, #tpu.memory_space<vmem>>)
    %dma_wait3A_359 = arith.constant 112 : i32
    %dma_wait3A_360 = tpu.memref_slice %arg6[%dma_wait3A_359] : memref<128xi32, #tpu.memory_space<vmem>> -> memref<16xi32, #tpu.memory_space<vmem>>
    %dma_wait3A_361 = arith.constant 0 : i32
    %dma_wait3A_362 = arith.constant 0 : i32
    %dma_wait3A_363 = tpu.memref_slice %arg4[%dma_wait3A_361, %dma_wait3A_362] : memref<100000x768xf32, #tpu.memory_space<hbm>> -> memref<100000x768xf32, #tpu.memory_space<hbm>>
    tpu.wait_indirect_dma semaphore(%arg22 : memref<!tpu.dma_semaphore, #tpu.memory_space<semaphore_mem>>) src(%dma_wait3A_363 : memref<100000x768xf32, #tpu.memory_space<hbm>>) dst(%arg14 : memref<16x768xf32, #tpu.memory_space<vmem>>)
    %add3A_364 = arith.constant 112 : i32
    %add3A_365 = arith.addi %mul3A_2, %add3A_364 : i32
    %dma_start3A_366 = arith.constant 0 : i32
    %dma_start3A_367 = arith.constant 0 : i32
    %dma_start3A_368 = tpu.memref_slice %arg5[%dma_start3A_366, %add3A_365, %dma_start3A_367] : memref<2x4096x768xf32, #tpu.memory_space<hbm>> -> memref<1x16x768xf32, #tpu.memory_space<hbm>>
    %dma_start3A_369 = tpu.memref_squeeze %dma_start3A_368 : memref<1x16x768xf32, #tpu.memory_space<hbm>> -> memref<16x768xf32, #tpu.memory_space<hbm>>
    %dma_start3A_370 = arith.constant 0 : i32
    %dma_start3A_371 = tpu.memref_slice %arg5[%dma_start3A_366, %add3A_365, %dma_start3A_370] : memref<2x4096x768xf32, #tpu.memory_space<hbm>> -> memref<1x16x768xf32, #tpu.memory_space<hbm>>
    %dma_start3A_372 = tpu.memref_squeeze %dma_start3A_371 : memref<1x16x768xf32, #tpu.memory_space<hbm>> -> memref<16x768xf32, #tpu.memory_space<hbm>>
    tpu.enqueue_dma source(%arg10 : memref<16x768xf32, #tpu.memory_space<vmem>>) target(%dma_start3A_372 : memref<16x768xf32, #tpu.memory_space<hbm>>) target_semaphore(%arg26 : memref<!tpu.dma_semaphore, #tpu.memory_space<semaphore_mem>>)
    %dma_start3A_373 = arith.constant 1 : i32
    %dma_start3A_374 = arith.constant 0 : i32
    %dma_start3A_375 = tpu.memref_slice %arg5[%dma_start3A_373, %add3A_365, %dma_start3A_374] : memref<2x4096x768xf32, #tpu.memory_space<hbm>> -> memref<1x16x768xf32, #tpu.memory_space<hbm>>
    %dma_start3A_376 = tpu.memref_squeeze %dma_start3A_375 : memref<1x16x768xf32, #tpu.memory_space<hbm>> -> memref<16x768xf32, #tpu.memory_space<hbm>>
    %dma_start3A_377 = arith.constant 0 : i32
    %dma_start3A_378 = tpu.memref_slice %arg5[%dma_start3A_373, %add3A_365, %dma_start3A_377] : memref<2x4096x768xf32, #tpu.memory_space<hbm>> -> memref<1x16x768xf32, #tpu.memory_space<hbm>>
    %dma_start3A_379 = tpu.memref_squeeze %dma_start3A_378 : memref<1x16x768xf32, #tpu.memory_space<hbm>> -> memref<16x768xf32, #tpu.memory_space<hbm>>
    tpu.enqueue_dma source(%arg14 : memref<16x768xf32, #tpu.memory_space<vmem>>) target(%dma_start3A_379 : memref<16x768xf32, #tpu.memory_space<hbm>>) target_semaphore(%arg30 : memref<!tpu.dma_semaphore, #tpu.memory_space<semaphore_mem>>)
    %dma_wait3A_380 = arith.constant 0 : i32
    %dma_wait3A_381 = arith.constant 0 : i32
    %dma_wait3A_382 = tpu.memref_slice %arg5[%dma_wait3A_380, %add3A_287, %dma_wait3A_381] : memref<2x4096x768xf32, #tpu.memory_space<hbm>> -> memref<1x16x768xf32, #tpu.memory_space<hbm>>
    %dma_wait3A_383 = tpu.memref_squeeze %dma_wait3A_382 : memref<1x16x768xf32, #tpu.memory_space<hbm>> -> memref<16x768xf32, #tpu.memory_space<hbm>>
    %dma_wait3A_384 = arith.constant 0 : i32
    %dma_wait3A_385 = tpu.memref_slice %arg5[%dma_wait3A_380, %add3A_287, %dma_wait3A_384] : memref<2x4096x768xf32, #tpu.memory_space<hbm>> -> memref<1x16x768xf32, #tpu.memory_space<hbm>>
    %dma_wait3A_386 = tpu.memref_squeeze %dma_wait3A_385 : memref<1x16x768xf32, #tpu.memory_space<hbm>> -> memref<16x768xf32, #tpu.memory_space<hbm>>
    tpu.wait_dma2 semaphore(%arg23 : memref<!tpu.dma_semaphore, #tpu.memory_space<semaphore_mem>>) src(%arg7 : memref<16x768xf32, #tpu.memory_space<vmem>>) dst(%dma_wait3A_386 : memref<16x768xf32, #tpu.memory_space<hbm>>)
    %dma_wait3A_387 = arith.constant 1 : i32
    %dma_wait3A_388 = arith.constant 0 : i32
    %dma_wait3A_389 = tpu.memref_slice %arg5[%dma_wait3A_387, %add3A_287, %dma_wait3A_388] : memref<2x4096x768xf32, #tpu.memory_space<hbm>> -> memref<1x16x768xf32, #tpu.memory_space<hbm>>
    %dma_wait3A_390 = tpu.memref_squeeze %dma_wait3A_389 : memref<1x16x768xf32, #tpu.memory_space<hbm>> -> memref<16x768xf32, #tpu.memory_space<hbm>>
    %dma_wait3A_391 = arith.constant 0 : i32
    %dma_wait3A_392 = tpu.memref_slice %arg5[%dma_wait3A_387, %add3A_287, %dma_wait3A_391] : memref<2x4096x768xf32, #tpu.memory_space<hbm>> -> memref<1x16x768xf32, #tpu.memory_space<hbm>>
    %dma_wait3A_393 = tpu.memref_squeeze %dma_wait3A_392 : memref<1x16x768xf32, #tpu.memory_space<hbm>> -> memref<16x768xf32, #tpu.memory_space<hbm>>
    tpu.wait_dma2 semaphore(%arg27 : memref<!tpu.dma_semaphore, #tpu.memory_space<semaphore_mem>>) src(%arg11 : memref<16x768xf32, #tpu.memory_space<vmem>>) dst(%dma_wait3A_393 : memref<16x768xf32, #tpu.memory_space<hbm>>)
    %dma_wait3A_394 = arith.constant 0 : i32
    %dma_wait3A_395 = arith.constant 0 : i32
    %dma_wait3A_396 = tpu.memref_slice %arg5[%dma_wait3A_394, %add3A_313, %dma_wait3A_395] : memref<2x4096x768xf32, #tpu.memory_space<hbm>> -> memref<1x16x768xf32, #tpu.memory_space<hbm>>
    %dma_wait3A_397 = tpu.memref_squeeze %dma_wait3A_396 : memref<1x16x768xf32, #tpu.memory_space<hbm>> -> memref<16x768xf32, #tpu.memory_space<hbm>>
    %dma_wait3A_398 = arith.constant 0 : i32
    %dma_wait3A_399 = tpu.memref_slice %arg5[%dma_wait3A_394, %add3A_313, %dma_wait3A_398] : memref<2x4096x768xf32, #tpu.memory_space<hbm>> -> memref<1x16x768xf32, #tpu.memory_space<hbm>>
    %dma_wait3A_400 = tpu.memref_squeeze %dma_wait3A_399 : memref<1x16x768xf32, #tpu.memory_space<hbm>> -> memref<16x768xf32, #tpu.memory_space<hbm>>
    tpu.wait_dma2 semaphore(%arg24 : memref<!tpu.dma_semaphore, #tpu.memory_space<semaphore_mem>>) src(%arg8 : memref<16x768xf32, #tpu.memory_space<vmem>>) dst(%dma_wait3A_400 : memref<16x768xf32, #tpu.memory_space<hbm>>)
    %dma_wait3A_401 = arith.constant 1 : i32
    %dma_wait3A_402 = arith.constant 0 : i32
    %dma_wait3A_403 = tpu.memref_slice %arg5[%dma_wait3A_401, %add3A_313, %dma_wait3A_402] : memref<2x4096x768xf32, #tpu.memory_space<hbm>> -> memref<1x16x768xf32, #tpu.memory_space<hbm>>
    %dma_wait3A_404 = tpu.memref_squeeze %dma_wait3A_403 : memref<1x16x768xf32, #tpu.memory_space<hbm>> -> memref<16x768xf32, #tpu.memory_space<hbm>>
    %dma_wait3A_405 = arith.constant 0 : i32
    %dma_wait3A_406 = tpu.memref_slice %arg5[%dma_wait3A_401, %add3A_313, %dma_wait3A_405] : memref<2x4096x768xf32, #tpu.memory_space<hbm>> -> memref<1x16x768xf32, #tpu.memory_space<hbm>>
    %dma_wait3A_407 = tpu.memref_squeeze %dma_wait3A_406 : memref<1x16x768xf32, #tpu.memory_space<hbm>> -> memref<16x768xf32, #tpu.memory_space<hbm>>
    tpu.wait_dma2 semaphore(%arg28 : memref<!tpu.dma_semaphore, #tpu.memory_space<semaphore_mem>>) src(%arg12 : memref<16x768xf32, #tpu.memory_space<vmem>>) dst(%dma_wait3A_407 : memref<16x768xf32, #tpu.memory_space<hbm>>)
    %dma_wait3A_408 = arith.constant 0 : i32
    %dma_wait3A_409 = arith.constant 0 : i32
    %dma_wait3A_410 = tpu.memref_slice %arg5[%dma_wait3A_408, %add3A_339, %dma_wait3A_409] : memref<2x4096x768xf32, #tpu.memory_space<hbm>> -> memref<1x16x768xf32, #tpu.memory_space<hbm>>
    %dma_wait3A_411 = tpu.memref_squeeze %dma_wait3A_410 : memref<1x16x768xf32, #tpu.memory_space<hbm>> -> memref<16x768xf32, #tpu.memory_space<hbm>>
    %dma_wait3A_412 = arith.constant 0 : i32
    %dma_wait3A_413 = tpu.memref_slice %arg5[%dma_wait3A_408, %add3A_339, %dma_wait3A_412] : memref<2x4096x768xf32, #tpu.memory_space<hbm>> -> memref<1x16x768xf32, #tpu.memory_space<hbm>>
    %dma_wait3A_414 = tpu.memref_squeeze %dma_wait3A_413 : memref<1x16x768xf32, #tpu.memory_space<hbm>> -> memref<16x768xf32, #tpu.memory_space<hbm>>
    tpu.wait_dma2 semaphore(%arg25 : memref<!tpu.dma_semaphore, #tpu.memory_space<semaphore_mem>>) src(%arg9 : memref<16x768xf32, #tpu.memory_space<vmem>>) dst(%dma_wait3A_414 : memref<16x768xf32, #tpu.memory_space<hbm>>)
    %dma_wait3A_415 = arith.constant 1 : i32
    %dma_wait3A_416 = arith.constant 0 : i32
    %dma_wait3A_417 = tpu.memref_slice %arg5[%dma_wait3A_415, %add3A_339, %dma_wait3A_416] : memref<2x4096x768xf32, #tpu.memory_space<hbm>> -> memref<1x16x768xf32, #tpu.memory_space<hbm>>
    %dma_wait3A_418 = tpu.memref_squeeze %dma_wait3A_417 : memref<1x16x768xf32, #tpu.memory_space<hbm>> -> memref<16x768xf32, #tpu.memory_space<hbm>>
    %dma_wait3A_419 = arith.constant 0 : i32
    %dma_wait3A_420 = tpu.memref_slice %arg5[%dma_wait3A_415, %add3A_339, %dma_wait3A_419] : memref<2x4096x768xf32, #tpu.memory_space<hbm>> -> memref<1x16x768xf32, #tpu.memory_space<hbm>>
    %dma_wait3A_421 = tpu.memref_squeeze %dma_wait3A_420 : memref<1x16x768xf32, #tpu.memory_space<hbm>> -> memref<16x768xf32, #tpu.memory_space<hbm>>
    tpu.wait_dma2 semaphore(%arg29 : memref<!tpu.dma_semaphore, #tpu.memory_space<semaphore_mem>>) src(%arg13 : memref<16x768xf32, #tpu.memory_space<vmem>>) dst(%dma_wait3A_421 : memref<16x768xf32, #tpu.memory_space<hbm>>)
    %dma_wait3A_422 = arith.constant 0 : i32
    %dma_wait3A_423 = arith.constant 0 : i32
    %dma_wait3A_424 = tpu.memref_slice %arg5[%dma_wait3A_422, %add3A_365, %dma_wait3A_423] : memref<2x4096x768xf32, #tpu.memory_space<hbm>> -> memref<1x16x768xf32, #tpu.memory_space<hbm>>
    %dma_wait3A_425 = tpu.memref_squeeze %dma_wait3A_424 : memref<1x16x768xf32, #tpu.memory_space<hbm>> -> memref<16x768xf32, #tpu.memory_space<hbm>>
    %dma_wait3A_426 = arith.constant 0 : i32
    %dma_wait3A_427 = tpu.memref_slice %arg5[%dma_wait3A_422, %add3A_365, %dma_wait3A_426] : memref<2x4096x768xf32, #tpu.memory_space<hbm>> -> memref<1x16x768xf32, #tpu.memory_space<hbm>>
    %dma_wait3A_428 = tpu.memref_squeeze %dma_wait3A_427 : memref<1x16x768xf32, #tpu.memory_space<hbm>> -> memref<16x768xf32, #tpu.memory_space<hbm>>
    tpu.wait_dma2 semaphore(%arg26 : memref<!tpu.dma_semaphore, #tpu.memory_space<semaphore_mem>>) src(%arg10 : memref<16x768xf32, #tpu.memory_space<vmem>>) dst(%dma_wait3A_428 : memref<16x768xf32, #tpu.memory_space<hbm>>)
    %dma_wait3A_429 = arith.constant 1 : i32
    %dma_wait3A_430 = arith.constant 0 : i32
    %dma_wait3A_431 = tpu.memref_slice %arg5[%dma_wait3A_429, %add3A_365, %dma_wait3A_430] : memref<2x4096x768xf32, #tpu.memory_space<hbm>> -> memref<1x16x768xf32, #tpu.memory_space<hbm>>
    %dma_wait3A_432 = tpu.memref_squeeze %dma_wait3A_431 : memref<1x16x768xf32, #tpu.memory_space<hbm>> -> memref<16x768xf32, #tpu.memory_space<hbm>>
    %dma_wait3A_433 = arith.constant 0 : i32
    %dma_wait3A_434 = tpu.memref_slice %arg5[%dma_wait3A_429, %add3A_365, %dma_wait3A_433] : memref<2x4096x768xf32, #tpu.memory_space<hbm>> -> memref<1x16x768xf32, #tpu.memory_space<hbm>>
    %dma_wait3A_435 = tpu.memref_squeeze %dma_wait3A_434 : memref<1x16x768xf32, #tpu.memory_space<hbm>> -> memref<16x768xf32, #tpu.memory_space<hbm>>
    tpu.wait_dma2 semaphore(%arg30 : memref<!tpu.dma_semaphore, #tpu.memory_space<semaphore_mem>>) src(%arg14 : memref<16x768xf32, #tpu.memory_space<vmem>>) dst(%dma_wait3A_435 : memref<16x768xf32, #tpu.memory_space<hbm>>)
    return
  }
}

#map = affine_map<(d0, d1) -> (0)>
#map1 = affine_map<(d0, d1) -> (0, 0)>
#map2 = affine_map<(d0, d1) -> (0, 0, 0)>
module attributes {stable_mosaic.version = 14 : i64} {
  func.func @gather_kernel(%arg0: i32, %arg1: i32, %arg2: memref<8192xi32, #tpu.memory_space<hbm>>, %arg3: memref<100000x768xf32, #tpu.memory_space<hbm>>, %arg4: memref<100000x768xf32, #tpu.memory_space<hbm>>, %arg5: memref<2x4096x768xf32, #tpu.memory_space<hbm>>, %arg6: memref<128xi32, #tpu.memory_space<vmem>>, %arg7: memref<16x768xf32, #tpu.memory_space<vmem>>, %arg8: memref<16x768xf32, #tpu.memory_space<vmem>>, %arg9: memref<16x768xf32, #tpu.memory_space<vmem>>, %arg10: memref<16x768xf32, #tpu.memory_space<vmem>>, %arg11: memref<16x768xf32, #tpu.memory_space<vmem>>, %arg12: memref<16x768xf32, #tpu.memory_space<vmem>>, %arg13: memref<16x768xf32, #tpu.memory_space<vmem>>, %arg14: memref<16x768xf32, #tpu.memory_space<vmem>>, %arg15: memref<!tpu.dma_semaphore, #tpu.memory_space<semaphore_mem>>, %arg16: memref<!tpu.dma_semaphore, #tpu.memory_space<semaphore_mem>>, %arg17: memref<!tpu.dma_semaphore, #tpu.memory_space<semaphore_mem>>, %arg18: memref<!tpu.dma_semaphore, #tpu.memory_space<semaphore_mem>>, %arg19: memref<!tpu.dma_semaphore, #tpu.memory_space<semaphore_mem>>, %arg20: memref<!tpu.dma_semaphore, #tpu.memory_space<semaphore_mem>>, %arg21: memref<!tpu.dma_semaphore, #tpu.memory_space<semaphore_mem>>, %arg22: memref<!tpu.dma_semaphore, #tpu.memory_space<semaphore_mem>>, %arg23: memref<!tpu.dma_semaphore, #tpu.memory_space<semaphore_mem>>, %arg24: memref<!tpu.dma_semaphore, #tpu.memory_space<semaphore_mem>>, %arg25: memref<!tpu.dma_semaphore, #tpu.memory_space<semaphore_mem>>, %arg26: memref<!tpu.dma_semaphore, #tpu.memory_space<semaphore_mem>>, %arg27: memref<!tpu.dma_semaphore, #tpu.memory_space<semaphore_mem>>, %arg28: memref<!tpu.dma_semaphore, #tpu.memory_space<semaphore_mem>>, %arg29: memref<!tpu.dma_semaphore, #tpu.memory_space<semaphore_mem>>, %arg30: memref<!tpu.dma_semaphore, #tpu.memory_space<semaphore_mem>>) attributes {dimension_semantics = [#tpu.dimension_semantics<core_parallel>, #tpu.dimension_semantics<subcore_parallel>], iteration_bounds = array<i64: 2, 16>, scalar_prefetch = 0 : i64, scratch_operands = 25 : i64, tpu.core_type = #tpu.core_type<sc_vector_subcore>, window_params = [{transform_indices = #map}, {transform_indices = #map1}, {transform_indices = #map1}, {transform_indices = #map2}]} {
    %mul3A = arith.constant 2 : i32
    %mul3A_0 = arith.muli %arg1, %mul3A : i32
    %add3A = arith.addi %mul3A_0, %arg0 : i32
    %mul3A_1 = arith.constant 128 : i32
    %mul3A_2 = arith.muli %add3A, %mul3A_1 : i32
    %jit3A = arith.constant 1024 : i32
    %div3A = arith.divsi %mul3A_2, %jit3A : i32
    %sign3A = arith.constant 0 : i32
    %sign3A_3 = arith.cmpi sgt, %mul3A_2, %sign3A : i32
    %sign3A_4 = arith.extui %sign3A_3 : i1 to i32
    %sign3A_5 = arith.constant 0 : i32
    %sign3A_6 = arith.cmpi slt, %mul3A_2, %sign3A_5 : i32
    %sign3A_7 = arith.extui %sign3A_6 : i1 to i32
    %sign3A_8 = arith.subi %sign3A_4, %sign3A_7 : i32
    %sign3A_9 = arith.constant 0 : i32
    %sign3A_10 = arith.cmpi sgt, %jit3A, %sign3A_9 : i32
    %sign3A_11 = arith.extui %sign3A_10 : i1 to i32
    %sign3A_12 = arith.constant 0 : i32
    %sign3A_13 = arith.cmpi slt, %jit3A, %sign3A_12 : i32
    %sign3A_14 = arith.extui %sign3A_13 : i1 to i32
    %sign3A_15 = arith.subi %sign3A_11, %sign3A_14 : i32
    %ne3A = arith.cmpi ne, %sign3A_8, %sign3A_15 : i32
    %rem3A = arith.remsi %mul3A_2, %jit3A : i32
    %ne3A_16 = arith.constant 0 : i32
    %ne3A_17 = arith.cmpi ne, %rem3A, %ne3A_16 : i32
    %and3A = arith.andi %ne3A, %ne3A_17 : i1
    %sub3A = arith.constant 1 : i32
    %sub3A_18 = arith.subi %div3A, %sub3A : i32
    %select_n3A = arith.select %and3A, %sub3A_18, %div3A : i32
    %jit3A_19 = arith.constant 1024 : i32
    %eq3A = arith.constant 0 : i32
    %eq3A_20 = arith.cmpi eq, %jit3A_19, %eq3A : i32
    %jit3A_21 = arith.constant 1 : i32
    %select_n3A_22 = arith.select %eq3A_20, %jit3A_21, %jit3A_19 : i32
    %rem3A_23 = arith.remsi %mul3A_2, %select_n3A_22 : i32
    %ne3A_24 = arith.constant 0 : i32
    %ne3A_25 = arith.cmpi ne, %rem3A_23, %ne3A_24 : i32
    %lt3A = arith.constant 0 : i32
    %lt3A_26 = arith.cmpi slt, %rem3A_23, %lt3A : i32
    %lt3A_27 = arith.constant 0 : i32
    %lt3A_28 = arith.cmpi slt, %select_n3A_22, %lt3A_27 : i32
    %ne3A_29 = arith.xori %lt3A_26, %lt3A_28 : i1
    %and3A_30 = arith.andi %ne3A_29, %ne3A_25 : i1
    %add3A_31 = arith.addi %rem3A_23, %select_n3A_22 : i32
    %select_n3A_32 = arith.select %and3A_30, %add3A_31, %rem3A_23 : i32
    %mul3A_33 = arith.constant 2048 : i32
    %mul3A_34 = arith.muli %select_n3A, %mul3A_33 : i32
    %add3A_35 = arith.constant 0 : i32
    %add3A_36 = arith.addi %mul3A_34, %add3A_35 : i32
    %add3A_37 = arith.addi %add3A_36, %select_n3A_32 : i32
    "tpu.region"() ({
      %run_scoped3A = tpu.sem_alloc : memref<!tpu.dma_semaphore, #tpu.memory_space<semaphore_mem>>
      %dma_start3A_436 = tpu.memref_slice %arg2[%add3A_37] : memref<8192xi32, #tpu.memory_space<hbm>> -> memref<128xi32, #tpu.memory_space<hbm>>
      %dma_start3A_437 = tpu.memref_slice %arg2[%add3A_37] : memref<8192xi32, #tpu.memory_space<hbm>> -> memref<128xi32, #tpu.memory_space<hbm>>
      tpu.enqueue_dma source(%dma_start3A_437 : memref<128xi32, #tpu.memory_space<hbm>>) target(%arg6 : memref<128xi32, #tpu.memory_space<vmem>>) target_semaphore(%run_scoped3A : memref<!tpu.dma_semaphore, #tpu.memory_space<semaphore_mem>>)
      %dma_wait3A_438 = tpu.memref_slice %arg2[%add3A_37] : memref<8192xi32, #tpu.memory_space<hbm>> -> memref<128xi32, #tpu.memory_space<hbm>>
      %dma_wait3A_439 = tpu.memref_slice %arg2[%add3A_37] : memref<8192xi32, #tpu.memory_space<hbm>> -> memref<128xi32, #tpu.memory_space<hbm>>
      tpu.wait_dma2 semaphore(%run_scoped3A : memref<!tpu.dma_semaphore, #tpu.memory_space<semaphore_mem>>) src(%dma_wait3A_439 : memref<128xi32, #tpu.memory_space<hbm>>) dst(%arg6 : memref<128xi32, #tpu.memory_space<vmem>>)
      tpu.yield
    }) : () -> ()
    %dma_start3A = arith.constant 0 : i32
    %dma_start3A_38 = tpu.memref_slice %arg6[%dma_start3A] : memref<128xi32, #tpu.memory_space<vmem>> -> memref<16xi32, #tpu.memory_space<vmem>>
    %dma_start3A_39 = arith.constant 0 : i32
    %dma_start3A_40 = arith.constant 0 : i32
    %dma_start3A_41 = tpu.memref_slice %arg3[%dma_start3A_39, %dma_start3A_40] : memref<100000x768xf32, #tpu.memory_space<hbm>> -> memref<100000x768xf32, #tpu.memory_space<hbm>>
    tpu.enqueue_indirect_dma source(%dma_start3A_41 : memref<100000x768xf32, #tpu.memory_space<hbm>>) target(%arg7 : memref<16x768xf32, #tpu.memory_space<vmem>>) offsets(%dma_start3A_38 : memref<16xi32, #tpu.memory_space<vmem>>) semaphore(%arg15 : memref<!tpu.dma_semaphore, #tpu.memory_space<semaphore_mem>>)
    %dma_start3A_42 = arith.constant 0 : i32
    %dma_start3A_43 = tpu.memref_slice %arg6[%dma_start3A_42] : memref<128xi32, #tpu.memory_space<vmem>> -> memref<16xi32, #tpu.memory_space<vmem>>
    %dma_start3A_44 = arith.constant 0 : i32
    %dma_start3A_45 = arith.constant 0 : i32
    %dma_start3A_46 = tpu.memref_slice %arg4[%dma_start3A_44, %dma_start3A_45] : memref<100000x768xf32, #tpu.memory_space<hbm>> -> memref<100000x768xf32, #tpu.memory_space<hbm>>
    tpu.enqueue_indirect_dma source(%dma_start3A_46 : memref<100000x768xf32, #tpu.memory_space<hbm>>) target(%arg11 : memref<16x768xf32, #tpu.memory_space<vmem>>) offsets(%dma_start3A_43 : memref<16xi32, #tpu.memory_space<vmem>>) semaphore(%arg19 : memref<!tpu.dma_semaphore, #tpu.memory_space<semaphore_mem>>)
    %dma_start3A_47 = arith.constant 16 : i32
    %dma_start3A_48 = tpu.memref_slice %arg6[%dma_start3A_47] : memref<128xi32, #tpu.memory_space<vmem>> -> memref<16xi32, #tpu.memory_space<vmem>>
    %dma_start3A_49 = arith.constant 0 : i32
    %dma_start3A_50 = arith.constant 0 : i32
    %dma_start3A_51 = tpu.memref_slice %arg3[%dma_start3A_49, %dma_start3A_50] : memref<100000x768xf32, #tpu.memory_space<hbm>> -> memref<100000x768xf32, #tpu.memory_space<hbm>>
    tpu.enqueue_indirect_dma source(%dma_start3A_51 : memref<100000x768xf32, #tpu.memory_space<hbm>>) target(%arg8 : memref<16x768xf32, #tpu.memory_space<vmem>>) offsets(%dma_start3A_48 : memref<16xi32, #tpu.memory_space<vmem>>) semaphore(%arg16 : memref<!tpu.dma_semaphore, #tpu.memory_space<semaphore_mem>>)
    %dma_start3A_52 = arith.constant 16 : i32
    %dma_start3A_53 = tpu.memref_slice %arg6[%dma_start3A_52] : memref<128xi32, #tpu.memory_space<vmem>> -> memref<16xi32, #tpu.memory_space<vmem>>
    %dma_start3A_54 = arith.constant 0 : i32
    %dma_start3A_55 = arith.constant 0 : i32
    %dma_start3A_56 = tpu.memref_slice %arg4[%dma_start3A_54, %dma_start3A_55] : memref<100000x768xf32, #tpu.memory_space<hbm>> -> memref<100000x768xf32, #tpu.memory_space<hbm>>
    tpu.enqueue_indirect_dma source(%dma_start3A_56 : memref<100000x768xf32, #tpu.memory_space<hbm>>) target(%arg12 : memref<16x768xf32, #tpu.memory_space<vmem>>) offsets(%dma_start3A_53 : memref<16xi32, #tpu.memory_space<vmem>>) semaphore(%arg20 : memref<!tpu.dma_semaphore, #tpu.memory_space<semaphore_mem>>)
    %dma_start3A_57 = arith.constant 32 : i32
    %dma_start3A_58 = tpu.memref_slice %arg6[%dma_start3A_57] : memref<128xi32, #tpu.memory_space<vmem>> -> memref<16xi32, #tpu.memory_space<vmem>>
    %dma_start3A_59 = arith.constant 0 : i32
    %dma_start3A_60 = arith.constant 0 : i32
    %dma_start3A_61 = tpu.memref_slice %arg3[%dma_start3A_59, %dma_start3A_60] : memref<100000x768xf32, #tpu.memory_space<hbm>> -> memref<100000x768xf32, #tpu.memory_space<hbm>>
    tpu.enqueue_indirect_dma source(%dma_start3A_61 : memref<100000x768xf32, #tpu.memory_space<hbm>>) target(%arg9 : memref<16x768xf32, #tpu.memory_space<vmem>>) offsets(%dma_start3A_58 : memref<16xi32, #tpu.memory_space<vmem>>) semaphore(%arg17 : memref<!tpu.dma_semaphore, #tpu.memory_space<semaphore_mem>>)
    %dma_start3A_62 = arith.constant 32 : i32
    %dma_start3A_63 = tpu.memref_slice %arg6[%dma_start3A_62] : memref<128xi32, #tpu.memory_space<vmem>> -> memref<16xi32, #tpu.memory_space<vmem>>
    %dma_start3A_64 = arith.constant 0 : i32
    %dma_start3A_65 = arith.constant 0 : i32
    %dma_start3A_66 = tpu.memref_slice %arg4[%dma_start3A_64, %dma_start3A_65] : memref<100000x768xf32, #tpu.memory_space<hbm>> -> memref<100000x768xf32, #tpu.memory_space<hbm>>
    tpu.enqueue_indirect_dma source(%dma_start3A_66 : memref<100000x768xf32, #tpu.memory_space<hbm>>) target(%arg13 : memref<16x768xf32, #tpu.memory_space<vmem>>) offsets(%dma_start3A_63 : memref<16xi32, #tpu.memory_space<vmem>>) semaphore(%arg21 : memref<!tpu.dma_semaphore, #tpu.memory_space<semaphore_mem>>)
    %dma_start3A_67 = arith.constant 48 : i32
    %dma_start3A_68 = tpu.memref_slice %arg6[%dma_start3A_67] : memref<128xi32, #tpu.memory_space<vmem>> -> memref<16xi32, #tpu.memory_space<vmem>>
    %dma_start3A_69 = arith.constant 0 : i32
    %dma_start3A_70 = arith.constant 0 : i32
    %dma_start3A_71 = tpu.memref_slice %arg3[%dma_start3A_69, %dma_start3A_70] : memref<100000x768xf32, #tpu.memory_space<hbm>> -> memref<100000x768xf32, #tpu.memory_space<hbm>>
    tpu.enqueue_indirect_dma source(%dma_start3A_71 : memref<100000x768xf32, #tpu.memory_space<hbm>>) target(%arg10 : memref<16x768xf32, #tpu.memory_space<vmem>>) offsets(%dma_start3A_68 : memref<16xi32, #tpu.memory_space<vmem>>) semaphore(%arg18 : memref<!tpu.dma_semaphore, #tpu.memory_space<semaphore_mem>>)
    %dma_start3A_72 = arith.constant 48 : i32
    %dma_start3A_73 = tpu.memref_slice %arg6[%dma_start3A_72] : memref<128xi32, #tpu.memory_space<vmem>> -> memref<16xi32, #tpu.memory_space<vmem>>
    %dma_start3A_74 = arith.constant 0 : i32
    %dma_start3A_75 = arith.constant 0 : i32
    %dma_start3A_76 = tpu.memref_slice %arg4[%dma_start3A_74, %dma_start3A_75] : memref<100000x768xf32, #tpu.memory_space<hbm>> -> memref<100000x768xf32, #tpu.memory_space<hbm>>
    tpu.enqueue_indirect_dma source(%dma_start3A_76 : memref<100000x768xf32, #tpu.memory_space<hbm>>) target(%arg14 : memref<16x768xf32, #tpu.memory_space<vmem>>) offsets(%dma_start3A_73 : memref<16xi32, #tpu.memory_space<vmem>>) semaphore(%arg22 : memref<!tpu.dma_semaphore, #tpu.memory_space<semaphore_mem>>)
    %dma_wait3A = arith.constant 0 : i32
    %dma_wait3A_77 = tpu.memref_slice %arg6[%dma_wait3A] : memref<128xi32, #tpu.memory_space<vmem>> -> memref<16xi32, #tpu.memory_space<vmem>>
    %dma_wait3A_78 = arith.constant 0 : i32
    %dma_wait3A_79 = arith.constant 0 : i32
    %dma_wait3A_80 = tpu.memref_slice %arg3[%dma_wait3A_78, %dma_wait3A_79] : memref<100000x768xf32, #tpu.memory_space<hbm>> -> memref<100000x768xf32, #tpu.memory_space<hbm>>
    tpu.wait_indirect_dma semaphore(%arg15 : memref<!tpu.dma_semaphore, #tpu.memory_space<semaphore_mem>>) src(%dma_wait3A_80 : memref<100000x768xf32, #tpu.memory_space<hbm>>) dst(%arg7 : memref<16x768xf32, #tpu.memory_space<vmem>>)
    %dma_wait3A_81 = arith.constant 0 : i32
    %dma_wait3A_82 = tpu.memref_slice %arg6[%dma_wait3A_81] : memref<128xi32, #tpu.memory_space<vmem>> -> memref<16xi32, #tpu.memory_space<vmem>>
    %dma_wait3A_83 = arith.constant 0 : i32
    %dma_wait3A_84 = arith.constant 0 : i32
    %dma_wait3A_85 = tpu.memref_slice %arg4[%dma_wait3A_83, %dma_wait3A_84] : memref<100000x768xf32, #tpu.memory_space<hbm>> -> memref<100000x768xf32, #tpu.memory_space<hbm>>
    tpu.wait_indirect_dma semaphore(%arg19 : memref<!tpu.dma_semaphore, #tpu.memory_space<semaphore_mem>>) src(%dma_wait3A_85 : memref<100000x768xf32, #tpu.memory_space<hbm>>) dst(%arg11 : memref<16x768xf32, #tpu.memory_space<vmem>>)
    %add3A_86 = arith.constant 0 : i32
    %add3A_87 = arith.addi %mul3A_2, %add3A_86 : i32
    %dma_start3A_88 = arith.constant 0 : i32
    %dma_start3A_89 = arith.constant 0 : i32
    %dma_start3A_90 = tpu.memref_slice %arg5[%dma_start3A_88, %add3A_87, %dma_start3A_89] : memref<2x4096x768xf32, #tpu.memory_space<hbm>> -> memref<1x16x768xf32, #tpu.memory_space<hbm>>
    %dma_start3A_91 = tpu.memref_squeeze %dma_start3A_90 : memref<1x16x768xf32, #tpu.memory_space<hbm>> -> memref<16x768xf32, #tpu.memory_space<hbm>>
    %dma_start3A_92 = arith.constant 0 : i32
    %dma_start3A_93 = tpu.memref_slice %arg5[%dma_start3A_88, %add3A_87, %dma_start3A_92] : memref<2x4096x768xf32, #tpu.memory_space<hbm>> -> memref<1x16x768xf32, #tpu.memory_space<hbm>>
    %dma_start3A_94 = tpu.memref_squeeze %dma_start3A_93 : memref<1x16x768xf32, #tpu.memory_space<hbm>> -> memref<16x768xf32, #tpu.memory_space<hbm>>
    tpu.enqueue_dma source(%arg7 : memref<16x768xf32, #tpu.memory_space<vmem>>) target(%dma_start3A_94 : memref<16x768xf32, #tpu.memory_space<hbm>>) target_semaphore(%arg23 : memref<!tpu.dma_semaphore, #tpu.memory_space<semaphore_mem>>)
    %dma_start3A_95 = arith.constant 1 : i32
    %dma_start3A_96 = arith.constant 0 : i32
    %dma_start3A_97 = tpu.memref_slice %arg5[%dma_start3A_95, %add3A_87, %dma_start3A_96] : memref<2x4096x768xf32, #tpu.memory_space<hbm>> -> memref<1x16x768xf32, #tpu.memory_space<hbm>>
    %dma_start3A_98 = tpu.memref_squeeze %dma_start3A_97 : memref<1x16x768xf32, #tpu.memory_space<hbm>> -> memref<16x768xf32, #tpu.memory_space<hbm>>
    %dma_start3A_99 = arith.constant 0 : i32
    %dma_start3A_100 = tpu.memref_slice %arg5[%dma_start3A_95, %add3A_87, %dma_start3A_99] : memref<2x4096x768xf32, #tpu.memory_space<hbm>> -> memref<1x16x768xf32, #tpu.memory_space<hbm>>
    %dma_start3A_101 = tpu.memref_squeeze %dma_start3A_100 : memref<1x16x768xf32, #tpu.memory_space<hbm>> -> memref<16x768xf32, #tpu.memory_space<hbm>>
    tpu.enqueue_dma source(%arg11 : memref<16x768xf32, #tpu.memory_space<vmem>>) target(%dma_start3A_101 : memref<16x768xf32, #tpu.memory_space<hbm>>) target_semaphore(%arg27 : memref<!tpu.dma_semaphore, #tpu.memory_space<semaphore_mem>>)
    %dma_wait3A_102 = arith.constant 0 : i32
    %dma_wait3A_103 = arith.constant 0 : i32
    %dma_wait3A_104 = tpu.memref_slice %arg5[%dma_wait3A_102, %add3A_87, %dma_wait3A_103] : memref<2x4096x768xf32, #tpu.memory_space<hbm>> -> memref<1x16x768xf32, #tpu.memory_space<hbm>>
    %dma_wait3A_105 = tpu.memref_squeeze %dma_wait3A_104 : memref<1x16x768xf32, #tpu.memory_space<hbm>> -> memref<16x768xf32, #tpu.memory_space<hbm>>
    %dma_wait3A_106 = arith.constant 0 : i32
    %dma_wait3A_107 = tpu.memref_slice %arg5[%dma_wait3A_102, %add3A_87, %dma_wait3A_106] : memref<2x4096x768xf32, #tpu.memory_space<hbm>> -> memref<1x16x768xf32, #tpu.memory_space<hbm>>
    %dma_wait3A_108 = tpu.memref_squeeze %dma_wait3A_107 : memref<1x16x768xf32, #tpu.memory_space<hbm>> -> memref<16x768xf32, #tpu.memory_space<hbm>>
    tpu.wait_dma2 semaphore(%arg23 : memref<!tpu.dma_semaphore, #tpu.memory_space<semaphore_mem>>) src(%arg7 : memref<16x768xf32, #tpu.memory_space<vmem>>) dst(%dma_wait3A_108 : memref<16x768xf32, #tpu.memory_space<hbm>>)
    %dma_wait3A_109 = arith.constant 1 : i32
    %dma_wait3A_110 = arith.constant 0 : i32
    %dma_wait3A_111 = tpu.memref_slice %arg5[%dma_wait3A_109, %add3A_87, %dma_wait3A_110] : memref<2x4096x768xf32, #tpu.memory_space<hbm>> -> memref<1x16x768xf32, #tpu.memory_space<hbm>>
    %dma_wait3A_112 = tpu.memref_squeeze %dma_wait3A_111 : memref<1x16x768xf32, #tpu.memory_space<hbm>> -> memref<16x768xf32, #tpu.memory_space<hbm>>
    %dma_wait3A_113 = arith.constant 0 : i32
    %dma_wait3A_114 = tpu.memref_slice %arg5[%dma_wait3A_109, %add3A_87, %dma_wait3A_113] : memref<2x4096x768xf32, #tpu.memory_space<hbm>> -> memref<1x16x768xf32, #tpu.memory_space<hbm>>
    %dma_wait3A_115 = tpu.memref_squeeze %dma_wait3A_114 : memref<1x16x768xf32, #tpu.memory_space<hbm>> -> memref<16x768xf32, #tpu.memory_space<hbm>>
    tpu.wait_dma2 semaphore(%arg27 : memref<!tpu.dma_semaphore, #tpu.memory_space<semaphore_mem>>) src(%arg11 : memref<16x768xf32, #tpu.memory_space<vmem>>) dst(%dma_wait3A_115 : memref<16x768xf32, #tpu.memory_space<hbm>>)
    %dma_start3A_116 = arith.constant 64 : i32
    %dma_start3A_117 = tpu.memref_slice %arg6[%dma_start3A_116] : memref<128xi32, #tpu.memory_space<vmem>> -> memref<16xi32, #tpu.memory_space<vmem>>
    %dma_start3A_118 = arith.constant 0 : i32
    %dma_start3A_119 = arith.constant 0 : i32
    %dma_start3A_120 = tpu.memref_slice %arg3[%dma_start3A_118, %dma_start3A_119] : memref<100000x768xf32, #tpu.memory_space<hbm>> -> memref<100000x768xf32, #tpu.memory_space<hbm>>
    tpu.enqueue_indirect_dma source(%dma_start3A_120 : memref<100000x768xf32, #tpu.memory_space<hbm>>) target(%arg7 : memref<16x768xf32, #tpu.memory_space<vmem>>) offsets(%dma_start3A_117 : memref<16xi32, #tpu.memory_space<vmem>>) semaphore(%arg15 : memref<!tpu.dma_semaphore, #tpu.memory_space<semaphore_mem>>)
    %dma_start3A_121 = arith.constant 64 : i32
    %dma_start3A_122 = tpu.memref_slice %arg6[%dma_start3A_121] : memref<128xi32, #tpu.memory_space<vmem>> -> memref<16xi32, #tpu.memory_space<vmem>>
    %dma_start3A_123 = arith.constant 0 : i32
    %dma_start3A_124 = arith.constant 0 : i32
    %dma_start3A_125 = tpu.memref_slice %arg4[%dma_start3A_123, %dma_start3A_124] : memref<100000x768xf32, #tpu.memory_space<hbm>> -> memref<100000x768xf32, #tpu.memory_space<hbm>>
    tpu.enqueue_indirect_dma source(%dma_start3A_125 : memref<100000x768xf32, #tpu.memory_space<hbm>>) target(%arg11 : memref<16x768xf32, #tpu.memory_space<vmem>>) offsets(%dma_start3A_122 : memref<16xi32, #tpu.memory_space<vmem>>) semaphore(%arg19 : memref<!tpu.dma_semaphore, #tpu.memory_space<semaphore_mem>>)
    %dma_wait3A_126 = arith.constant 16 : i32
    %dma_wait3A_127 = tpu.memref_slice %arg6[%dma_wait3A_126] : memref<128xi32, #tpu.memory_space<vmem>> -> memref<16xi32, #tpu.memory_space<vmem>>
    %dma_wait3A_128 = arith.constant 0 : i32
    %dma_wait3A_129 = arith.constant 0 : i32
    %dma_wait3A_130 = tpu.memref_slice %arg3[%dma_wait3A_128, %dma_wait3A_129] : memref<100000x768xf32, #tpu.memory_space<hbm>> -> memref<100000x768xf32, #tpu.memory_space<hbm>>
    tpu.wait_indirect_dma semaphore(%arg16 : memref<!tpu.dma_semaphore, #tpu.memory_space<semaphore_mem>>) src(%dma_wait3A_130 : memref<100000x768xf32, #tpu.memory_space<hbm>>) dst(%arg8 : memref<16x768xf32, #tpu.memory_space<vmem>>)
    %dma_wait3A_131 = arith.constant 16 : i32
    %dma_wait3A_132 = tpu.memref_slice %arg6[%dma_wait3A_131] : memref<128xi32, #tpu.memory_space<vmem>> -> memref<16xi32, #tpu.memory_space<vmem>>
    %dma_wait3A_133 = arith.constant 0 : i32
    %dma_wait3A_134 = arith.constant 0 : i32
    %dma_wait3A_135 = tpu.memref_slice %arg4[%dma_wait3A_133, %dma_wait3A_134] : memref<100000x768xf32, #tpu.memory_space<hbm>> -> memref<100000x768xf32, #tpu.memory_space<hbm>>
    tpu.wait_indirect_dma semaphore(%arg20 : memref<!tpu.dma_semaphore, #tpu.memory_space<semaphore_mem>>) src(%dma_wait3A_135 : memref<100000x768xf32, #tpu.memory_space<hbm>>) dst(%arg12 : memref<16x768xf32, #tpu.memory_space<vmem>>)
    %add3A_136 = arith.constant 16 : i32
    %add3A_137 = arith.addi %mul3A_2, %add3A_136 : i32
    %dma_start3A_138 = arith.constant 0 : i32
    %dma_start3A_139 = arith.constant 0 : i32
    %dma_start3A_140 = tpu.memref_slice %arg5[%dma_start3A_138, %add3A_137, %dma_start3A_139] : memref<2x4096x768xf32, #tpu.memory_space<hbm>> -> memref<1x16x768xf32, #tpu.memory_space<hbm>>
    %dma_start3A_141 = tpu.memref_squeeze %dma_start3A_140 : memref<1x16x768xf32, #tpu.memory_space<hbm>> -> memref<16x768xf32, #tpu.memory_space<hbm>>
    %dma_start3A_142 = arith.constant 0 : i32
    %dma_start3A_143 = tpu.memref_slice %arg5[%dma_start3A_138, %add3A_137, %dma_start3A_142] : memref<2x4096x768xf32, #tpu.memory_space<hbm>> -> memref<1x16x768xf32, #tpu.memory_space<hbm>>
    %dma_start3A_144 = tpu.memref_squeeze %dma_start3A_143 : memref<1x16x768xf32, #tpu.memory_space<hbm>> -> memref<16x768xf32, #tpu.memory_space<hbm>>
    tpu.enqueue_dma source(%arg8 : memref<16x768xf32, #tpu.memory_space<vmem>>) target(%dma_start3A_144 : memref<16x768xf32, #tpu.memory_space<hbm>>) target_semaphore(%arg24 : memref<!tpu.dma_semaphore, #tpu.memory_space<semaphore_mem>>)
    %dma_start3A_145 = arith.constant 1 : i32
    %dma_start3A_146 = arith.constant 0 : i32
    %dma_start3A_147 = tpu.memref_slice %arg5[%dma_start3A_145, %add3A_137, %dma_start3A_146] : memref<2x4096x768xf32, #tpu.memory_space<hbm>> -> memref<1x16x768xf32, #tpu.memory_space<hbm>>
    %dma_start3A_148 = tpu.memref_squeeze %dma_start3A_147 : memref<1x16x768xf32, #tpu.memory_space<hbm>> -> memref<16x768xf32, #tpu.memory_space<hbm>>
    %dma_start3A_149 = arith.constant 0 : i32
    %dma_start3A_150 = tpu.memref_slice %arg5[%dma_start3A_145, %add3A_137, %dma_start3A_149] : memref<2x4096x768xf32, #tpu.memory_space<hbm>> -> memref<1x16x768xf32, #tpu.memory_space<hbm>>
    %dma_start3A_151 = tpu.memref_squeeze %dma_start3A_150 : memref<1x16x768xf32, #tpu.memory_space<hbm>> -> memref<16x768xf32, #tpu.memory_space<hbm>>
    tpu.enqueue_dma source(%arg12 : memref<16x768xf32, #tpu.memory_space<vmem>>) target(%dma_start3A_151 : memref<16x768xf32, #tpu.memory_space<hbm>>) target_semaphore(%arg28 : memref<!tpu.dma_semaphore, #tpu.memory_space<semaphore_mem>>)
    %dma_wait3A_152 = arith.constant 0 : i32
    %dma_wait3A_153 = arith.constant 0 : i32
    %dma_wait3A_154 = tpu.memref_slice %arg5[%dma_wait3A_152, %add3A_137, %dma_wait3A_153] : memref<2x4096x768xf32, #tpu.memory_space<hbm>> -> memref<1x16x768xf32, #tpu.memory_space<hbm>>
    %dma_wait3A_155 = tpu.memref_squeeze %dma_wait3A_154 : memref<1x16x768xf32, #tpu.memory_space<hbm>> -> memref<16x768xf32, #tpu.memory_space<hbm>>
    %dma_wait3A_156 = arith.constant 0 : i32
    %dma_wait3A_157 = tpu.memref_slice %arg5[%dma_wait3A_152, %add3A_137, %dma_wait3A_156] : memref<2x4096x768xf32, #tpu.memory_space<hbm>> -> memref<1x16x768xf32, #tpu.memory_space<hbm>>
    %dma_wait3A_158 = tpu.memref_squeeze %dma_wait3A_157 : memref<1x16x768xf32, #tpu.memory_space<hbm>> -> memref<16x768xf32, #tpu.memory_space<hbm>>
    tpu.wait_dma2 semaphore(%arg24 : memref<!tpu.dma_semaphore, #tpu.memory_space<semaphore_mem>>) src(%arg8 : memref<16x768xf32, #tpu.memory_space<vmem>>) dst(%dma_wait3A_158 : memref<16x768xf32, #tpu.memory_space<hbm>>)
    %dma_wait3A_159 = arith.constant 1 : i32
    %dma_wait3A_160 = arith.constant 0 : i32
    %dma_wait3A_161 = tpu.memref_slice %arg5[%dma_wait3A_159, %add3A_137, %dma_wait3A_160] : memref<2x4096x768xf32, #tpu.memory_space<hbm>> -> memref<1x16x768xf32, #tpu.memory_space<hbm>>
    %dma_wait3A_162 = tpu.memref_squeeze %dma_wait3A_161 : memref<1x16x768xf32, #tpu.memory_space<hbm>> -> memref<16x768xf32, #tpu.memory_space<hbm>>
    %dma_wait3A_163 = arith.constant 0 : i32
    %dma_wait3A_164 = tpu.memref_slice %arg5[%dma_wait3A_159, %add3A_137, %dma_wait3A_163] : memref<2x4096x768xf32, #tpu.memory_space<hbm>> -> memref<1x16x768xf32, #tpu.memory_space<hbm>>
    %dma_wait3A_165 = tpu.memref_squeeze %dma_wait3A_164 : memref<1x16x768xf32, #tpu.memory_space<hbm>> -> memref<16x768xf32, #tpu.memory_space<hbm>>
    tpu.wait_dma2 semaphore(%arg28 : memref<!tpu.dma_semaphore, #tpu.memory_space<semaphore_mem>>) src(%arg12 : memref<16x768xf32, #tpu.memory_space<vmem>>) dst(%dma_wait3A_165 : memref<16x768xf32, #tpu.memory_space<hbm>>)
    %dma_start3A_166 = arith.constant 80 : i32
    %dma_start3A_167 = tpu.memref_slice %arg6[%dma_start3A_166] : memref<128xi32, #tpu.memory_space<vmem>> -> memref<16xi32, #tpu.memory_space<vmem>>
    %dma_start3A_168 = arith.constant 0 : i32
    %dma_start3A_169 = arith.constant 0 : i32
    %dma_start3A_170 = tpu.memref_slice %arg3[%dma_start3A_168, %dma_start3A_169] : memref<100000x768xf32, #tpu.memory_space<hbm>> -> memref<100000x768xf32, #tpu.memory_space<hbm>>
    tpu.enqueue_indirect_dma source(%dma_start3A_170 : memref<100000x768xf32, #tpu.memory_space<hbm>>) target(%arg8 : memref<16x768xf32, #tpu.memory_space<vmem>>) offsets(%dma_start3A_167 : memref<16xi32, #tpu.memory_space<vmem>>) semaphore(%arg16 : memref<!tpu.dma_semaphore, #tpu.memory_space<semaphore_mem>>)
    %dma_start3A_171 = arith.constant 80 : i32
    %dma_start3A_172 = tpu.memref_slice %arg6[%dma_start3A_171] : memref<128xi32, #tpu.memory_space<vmem>> -> memref<16xi32, #tpu.memory_space<vmem>>
    %dma_start3A_173 = arith.constant 0 : i32
    %dma_start3A_174 = arith.constant 0 : i32
    %dma_start3A_175 = tpu.memref_slice %arg4[%dma_start3A_173, %dma_start3A_174] : memref<100000x768xf32, #tpu.memory_space<hbm>> -> memref<100000x768xf32, #tpu.memory_space<hbm>>
    tpu.enqueue_indirect_dma source(%dma_start3A_175 : memref<100000x768xf32, #tpu.memory_space<hbm>>) target(%arg12 : memref<16x768xf32, #tpu.memory_space<vmem>>) offsets(%dma_start3A_172 : memref<16xi32, #tpu.memory_space<vmem>>) semaphore(%arg20 : memref<!tpu.dma_semaphore, #tpu.memory_space<semaphore_mem>>)
    %dma_wait3A_176 = arith.constant 32 : i32
    %dma_wait3A_177 = tpu.memref_slice %arg6[%dma_wait3A_176] : memref<128xi32, #tpu.memory_space<vmem>> -> memref<16xi32, #tpu.memory_space<vmem>>
    %dma_wait3A_178 = arith.constant 0 : i32
    %dma_wait3A_179 = arith.constant 0 : i32
    %dma_wait3A_180 = tpu.memref_slice %arg3[%dma_wait3A_178, %dma_wait3A_179] : memref<100000x768xf32, #tpu.memory_space<hbm>> -> memref<100000x768xf32, #tpu.memory_space<hbm>>
    tpu.wait_indirect_dma semaphore(%arg17 : memref<!tpu.dma_semaphore, #tpu.memory_space<semaphore_mem>>) src(%dma_wait3A_180 : memref<100000x768xf32, #tpu.memory_space<hbm>>) dst(%arg9 : memref<16x768xf32, #tpu.memory_space<vmem>>)
    %dma_wait3A_181 = arith.constant 32 : i32
    %dma_wait3A_182 = tpu.memref_slice %arg6[%dma_wait3A_181] : memref<128xi32, #tpu.memory_space<vmem>> -> memref<16xi32, #tpu.memory_space<vmem>>
    %dma_wait3A_183 = arith.constant 0 : i32
    %dma_wait3A_184 = arith.constant 0 : i32
    %dma_wait3A_185 = tpu.memref_slice %arg4[%dma_wait3A_183, %dma_wait3A_184] : memref<100000x768xf32, #tpu.memory_space<hbm>> -> memref<100000x768xf32, #tpu.memory_space<hbm>>
    tpu.wait_indirect_dma semaphore(%arg21 : memref<!tpu.dma_semaphore, #tpu.memory_space<semaphore_mem>>) src(%dma_wait3A_185 : memref<100000x768xf32, #tpu.memory_space<hbm>>) dst(%arg13 : memref<16x768xf32, #tpu.memory_space<vmem>>)
    %add3A_186 = arith.constant 32 : i32
    %add3A_187 = arith.addi %mul3A_2, %add3A_186 : i32
    %dma_start3A_188 = arith.constant 0 : i32
    %dma_start3A_189 = arith.constant 0 : i32
    %dma_start3A_190 = tpu.memref_slice %arg5[%dma_start3A_188, %add3A_187, %dma_start3A_189] : memref<2x4096x768xf32, #tpu.memory_space<hbm>> -> memref<1x16x768xf32, #tpu.memory_space<hbm>>
    %dma_start3A_191 = tpu.memref_squeeze %dma_start3A_190 : memref<1x16x768xf32, #tpu.memory_space<hbm>> -> memref<16x768xf32, #tpu.memory_space<hbm>>
    %dma_start3A_192 = arith.constant 0 : i32
    %dma_start3A_193 = tpu.memref_slice %arg5[%dma_start3A_188, %add3A_187, %dma_start3A_192] : memref<2x4096x768xf32, #tpu.memory_space<hbm>> -> memref<1x16x768xf32, #tpu.memory_space<hbm>>
    %dma_start3A_194 = tpu.memref_squeeze %dma_start3A_193 : memref<1x16x768xf32, #tpu.memory_space<hbm>> -> memref<16x768xf32, #tpu.memory_space<hbm>>
    tpu.enqueue_dma source(%arg9 : memref<16x768xf32, #tpu.memory_space<vmem>>) target(%dma_start3A_194 : memref<16x768xf32, #tpu.memory_space<hbm>>) target_semaphore(%arg25 : memref<!tpu.dma_semaphore, #tpu.memory_space<semaphore_mem>>)
    %dma_start3A_195 = arith.constant 1 : i32
    %dma_start3A_196 = arith.constant 0 : i32
    %dma_start3A_197 = tpu.memref_slice %arg5[%dma_start3A_195, %add3A_187, %dma_start3A_196] : memref<2x4096x768xf32, #tpu.memory_space<hbm>> -> memref<1x16x768xf32, #tpu.memory_space<hbm>>
    %dma_start3A_198 = tpu.memref_squeeze %dma_start3A_197 : memref<1x16x768xf32, #tpu.memory_space<hbm>> -> memref<16x768xf32, #tpu.memory_space<hbm>>
    %dma_start3A_199 = arith.constant 0 : i32
    %dma_start3A_200 = tpu.memref_slice %arg5[%dma_start3A_195, %add3A_187, %dma_start3A_199] : memref<2x4096x768xf32, #tpu.memory_space<hbm>> -> memref<1x16x768xf32, #tpu.memory_space<hbm>>
    %dma_start3A_201 = tpu.memref_squeeze %dma_start3A_200 : memref<1x16x768xf32, #tpu.memory_space<hbm>> -> memref<16x768xf32, #tpu.memory_space<hbm>>
    tpu.enqueue_dma source(%arg13 : memref<16x768xf32, #tpu.memory_space<vmem>>) target(%dma_start3A_201 : memref<16x768xf32, #tpu.memory_space<hbm>>) target_semaphore(%arg29 : memref<!tpu.dma_semaphore, #tpu.memory_space<semaphore_mem>>)
    %dma_wait3A_202 = arith.constant 0 : i32
    %dma_wait3A_203 = arith.constant 0 : i32
    %dma_wait3A_204 = tpu.memref_slice %arg5[%dma_wait3A_202, %add3A_187, %dma_wait3A_203] : memref<2x4096x768xf32, #tpu.memory_space<hbm>> -> memref<1x16x768xf32, #tpu.memory_space<hbm>>
    %dma_wait3A_205 = tpu.memref_squeeze %dma_wait3A_204 : memref<1x16x768xf32, #tpu.memory_space<hbm>> -> memref<16x768xf32, #tpu.memory_space<hbm>>
    %dma_wait3A_206 = arith.constant 0 : i32
    %dma_wait3A_207 = tpu.memref_slice %arg5[%dma_wait3A_202, %add3A_187, %dma_wait3A_206] : memref<2x4096x768xf32, #tpu.memory_space<hbm>> -> memref<1x16x768xf32, #tpu.memory_space<hbm>>
    %dma_wait3A_208 = tpu.memref_squeeze %dma_wait3A_207 : memref<1x16x768xf32, #tpu.memory_space<hbm>> -> memref<16x768xf32, #tpu.memory_space<hbm>>
    tpu.wait_dma2 semaphore(%arg25 : memref<!tpu.dma_semaphore, #tpu.memory_space<semaphore_mem>>) src(%arg9 : memref<16x768xf32, #tpu.memory_space<vmem>>) dst(%dma_wait3A_208 : memref<16x768xf32, #tpu.memory_space<hbm>>)
    %dma_wait3A_209 = arith.constant 1 : i32
    %dma_wait3A_210 = arith.constant 0 : i32
    %dma_wait3A_211 = tpu.memref_slice %arg5[%dma_wait3A_209, %add3A_187, %dma_wait3A_210] : memref<2x4096x768xf32, #tpu.memory_space<hbm>> -> memref<1x16x768xf32, #tpu.memory_space<hbm>>
    %dma_wait3A_212 = tpu.memref_squeeze %dma_wait3A_211 : memref<1x16x768xf32, #tpu.memory_space<hbm>> -> memref<16x768xf32, #tpu.memory_space<hbm>>
    %dma_wait3A_213 = arith.constant 0 : i32
    %dma_wait3A_214 = tpu.memref_slice %arg5[%dma_wait3A_209, %add3A_187, %dma_wait3A_213] : memref<2x4096x768xf32, #tpu.memory_space<hbm>> -> memref<1x16x768xf32, #tpu.memory_space<hbm>>
    %dma_wait3A_215 = tpu.memref_squeeze %dma_wait3A_214 : memref<1x16x768xf32, #tpu.memory_space<hbm>> -> memref<16x768xf32, #tpu.memory_space<hbm>>
    tpu.wait_dma2 semaphore(%arg29 : memref<!tpu.dma_semaphore, #tpu.memory_space<semaphore_mem>>) src(%arg13 : memref<16x768xf32, #tpu.memory_space<vmem>>) dst(%dma_wait3A_215 : memref<16x768xf32, #tpu.memory_space<hbm>>)
    %dma_start3A_216 = arith.constant 96 : i32
    %dma_start3A_217 = tpu.memref_slice %arg6[%dma_start3A_216] : memref<128xi32, #tpu.memory_space<vmem>> -> memref<16xi32, #tpu.memory_space<vmem>>
    %dma_start3A_218 = arith.constant 0 : i32
    %dma_start3A_219 = arith.constant 0 : i32
    %dma_start3A_220 = tpu.memref_slice %arg3[%dma_start3A_218, %dma_start3A_219] : memref<100000x768xf32, #tpu.memory_space<hbm>> -> memref<100000x768xf32, #tpu.memory_space<hbm>>
    tpu.enqueue_indirect_dma source(%dma_start3A_220 : memref<100000x768xf32, #tpu.memory_space<hbm>>) target(%arg9 : memref<16x768xf32, #tpu.memory_space<vmem>>) offsets(%dma_start3A_217 : memref<16xi32, #tpu.memory_space<vmem>>) semaphore(%arg17 : memref<!tpu.dma_semaphore, #tpu.memory_space<semaphore_mem>>)
    %dma_start3A_221 = arith.constant 96 : i32
    %dma_start3A_222 = tpu.memref_slice %arg6[%dma_start3A_221] : memref<128xi32, #tpu.memory_space<vmem>> -> memref<16xi32, #tpu.memory_space<vmem>>
    %dma_start3A_223 = arith.constant 0 : i32
    %dma_start3A_224 = arith.constant 0 : i32
    %dma_start3A_225 = tpu.memref_slice %arg4[%dma_start3A_223, %dma_start3A_224] : memref<100000x768xf32, #tpu.memory_space<hbm>> -> memref<100000x768xf32, #tpu.memory_space<hbm>>
    tpu.enqueue_indirect_dma source(%dma_start3A_225 : memref<100000x768xf32, #tpu.memory_space<hbm>>) target(%arg13 : memref<16x768xf32, #tpu.memory_space<vmem>>) offsets(%dma_start3A_222 : memref<16xi32, #tpu.memory_space<vmem>>) semaphore(%arg21 : memref<!tpu.dma_semaphore, #tpu.memory_space<semaphore_mem>>)
    %dma_wait3A_226 = arith.constant 48 : i32
    %dma_wait3A_227 = tpu.memref_slice %arg6[%dma_wait3A_226] : memref<128xi32, #tpu.memory_space<vmem>> -> memref<16xi32, #tpu.memory_space<vmem>>
    %dma_wait3A_228 = arith.constant 0 : i32
    %dma_wait3A_229 = arith.constant 0 : i32
    %dma_wait3A_230 = tpu.memref_slice %arg3[%dma_wait3A_228, %dma_wait3A_229] : memref<100000x768xf32, #tpu.memory_space<hbm>> -> memref<100000x768xf32, #tpu.memory_space<hbm>>
    tpu.wait_indirect_dma semaphore(%arg18 : memref<!tpu.dma_semaphore, #tpu.memory_space<semaphore_mem>>) src(%dma_wait3A_230 : memref<100000x768xf32, #tpu.memory_space<hbm>>) dst(%arg10 : memref<16x768xf32, #tpu.memory_space<vmem>>)
    %dma_wait3A_231 = arith.constant 48 : i32
    %dma_wait3A_232 = tpu.memref_slice %arg6[%dma_wait3A_231] : memref<128xi32, #tpu.memory_space<vmem>> -> memref<16xi32, #tpu.memory_space<vmem>>
    %dma_wait3A_233 = arith.constant 0 : i32
    %dma_wait3A_234 = arith.constant 0 : i32
    %dma_wait3A_235 = tpu.memref_slice %arg4[%dma_wait3A_233, %dma_wait3A_234] : memref<100000x768xf32, #tpu.memory_space<hbm>> -> memref<100000x768xf32, #tpu.memory_space<hbm>>
    tpu.wait_indirect_dma semaphore(%arg22 : memref<!tpu.dma_semaphore, #tpu.memory_space<semaphore_mem>>) src(%dma_wait3A_235 : memref<100000x768xf32, #tpu.memory_space<hbm>>) dst(%arg14 : memref<16x768xf32, #tpu.memory_space<vmem>>)
    %add3A_236 = arith.constant 48 : i32
    %add3A_237 = arith.addi %mul3A_2, %add3A_236 : i32
    %dma_start3A_238 = arith.constant 0 : i32
    %dma_start3A_239 = arith.constant 0 : i32
    %dma_start3A_240 = tpu.memref_slice %arg5[%dma_start3A_238, %add3A_237, %dma_start3A_239] : memref<2x4096x768xf32, #tpu.memory_space<hbm>> -> memref<1x16x768xf32, #tpu.memory_space<hbm>>
    %dma_start3A_241 = tpu.memref_squeeze %dma_start3A_240 : memref<1x16x768xf32, #tpu.memory_space<hbm>> -> memref<16x768xf32, #tpu.memory_space<hbm>>
    %dma_start3A_242 = arith.constant 0 : i32
    %dma_start3A_243 = tpu.memref_slice %arg5[%dma_start3A_238, %add3A_237, %dma_start3A_242] : memref<2x4096x768xf32, #tpu.memory_space<hbm>> -> memref<1x16x768xf32, #tpu.memory_space<hbm>>
    %dma_start3A_244 = tpu.memref_squeeze %dma_start3A_243 : memref<1x16x768xf32, #tpu.memory_space<hbm>> -> memref<16x768xf32, #tpu.memory_space<hbm>>
    tpu.enqueue_dma source(%arg10 : memref<16x768xf32, #tpu.memory_space<vmem>>) target(%dma_start3A_244 : memref<16x768xf32, #tpu.memory_space<hbm>>) target_semaphore(%arg26 : memref<!tpu.dma_semaphore, #tpu.memory_space<semaphore_mem>>)
    %dma_start3A_245 = arith.constant 1 : i32
    %dma_start3A_246 = arith.constant 0 : i32
    %dma_start3A_247 = tpu.memref_slice %arg5[%dma_start3A_245, %add3A_237, %dma_start3A_246] : memref<2x4096x768xf32, #tpu.memory_space<hbm>> -> memref<1x16x768xf32, #tpu.memory_space<hbm>>
    %dma_start3A_248 = tpu.memref_squeeze %dma_start3A_247 : memref<1x16x768xf32, #tpu.memory_space<hbm>> -> memref<16x768xf32, #tpu.memory_space<hbm>>
    %dma_start3A_249 = arith.constant 0 : i32
    %dma_start3A_250 = tpu.memref_slice %arg5[%dma_start3A_245, %add3A_237, %dma_start3A_249] : memref<2x4096x768xf32, #tpu.memory_space<hbm>> -> memref<1x16x768xf32, #tpu.memory_space<hbm>>
    %dma_start3A_251 = tpu.memref_squeeze %dma_start3A_250 : memref<1x16x768xf32, #tpu.memory_space<hbm>> -> memref<16x768xf32, #tpu.memory_space<hbm>>
    tpu.enqueue_dma source(%arg14 : memref<16x768xf32, #tpu.memory_space<vmem>>) target(%dma_start3A_251 : memref<16x768xf32, #tpu.memory_space<hbm>>) target_semaphore(%arg30 : memref<!tpu.dma_semaphore, #tpu.memory_space<semaphore_mem>>)
    %dma_wait3A_252 = arith.constant 0 : i32
    %dma_wait3A_253 = arith.constant 0 : i32
    %dma_wait3A_254 = tpu.memref_slice %arg5[%dma_wait3A_252, %add3A_237, %dma_wait3A_253] : memref<2x4096x768xf32, #tpu.memory_space<hbm>> -> memref<1x16x768xf32, #tpu.memory_space<hbm>>
    %dma_wait3A_255 = tpu.memref_squeeze %dma_wait3A_254 : memref<1x16x768xf32, #tpu.memory_space<hbm>> -> memref<16x768xf32, #tpu.memory_space<hbm>>
    %dma_wait3A_256 = arith.constant 0 : i32
    %dma_wait3A_257 = tpu.memref_slice %arg5[%dma_wait3A_252, %add3A_237, %dma_wait3A_256] : memref<2x4096x768xf32, #tpu.memory_space<hbm>> -> memref<1x16x768xf32, #tpu.memory_space<hbm>>
    %dma_wait3A_258 = tpu.memref_squeeze %dma_wait3A_257 : memref<1x16x768xf32, #tpu.memory_space<hbm>> -> memref<16x768xf32, #tpu.memory_space<hbm>>
    tpu.wait_dma2 semaphore(%arg26 : memref<!tpu.dma_semaphore, #tpu.memory_space<semaphore_mem>>) src(%arg10 : memref<16x768xf32, #tpu.memory_space<vmem>>) dst(%dma_wait3A_258 : memref<16x768xf32, #tpu.memory_space<hbm>>)
    %dma_wait3A_259 = arith.constant 1 : i32
    %dma_wait3A_260 = arith.constant 0 : i32
    %dma_wait3A_261 = tpu.memref_slice %arg5[%dma_wait3A_259, %add3A_237, %dma_wait3A_260] : memref<2x4096x768xf32, #tpu.memory_space<hbm>> -> memref<1x16x768xf32, #tpu.memory_space<hbm>>
    %dma_wait3A_262 = tpu.memref_squeeze %dma_wait3A_261 : memref<1x16x768xf32, #tpu.memory_space<hbm>> -> memref<16x768xf32, #tpu.memory_space<hbm>>
    %dma_wait3A_263 = arith.constant 0 : i32
    %dma_wait3A_264 = tpu.memref_slice %arg5[%dma_wait3A_259, %add3A_237, %dma_wait3A_263] : memref<2x4096x768xf32, #tpu.memory_space<hbm>> -> memref<1x16x768xf32, #tpu.memory_space<hbm>>
    %dma_wait3A_265 = tpu.memref_squeeze %dma_wait3A_264 : memref<1x16x768xf32, #tpu.memory_space<hbm>> -> memref<16x768xf32, #tpu.memory_space<hbm>>
    tpu.wait_dma2 semaphore(%arg30 : memref<!tpu.dma_semaphore, #tpu.memory_space<semaphore_mem>>) src(%arg14 : memref<16x768xf32, #tpu.memory_space<vmem>>) dst(%dma_wait3A_265 : memref<16x768xf32, #tpu.memory_space<hbm>>)
    %dma_start3A_266 = arith.constant 112 : i32
    %dma_start3A_267 = tpu.memref_slice %arg6[%dma_start3A_266] : memref<128xi32, #tpu.memory_space<vmem>> -> memref<16xi32, #tpu.memory_space<vmem>>
    %dma_start3A_268 = arith.constant 0 : i32
    %dma_start3A_269 = arith.constant 0 : i32
    %dma_start3A_270 = tpu.memref_slice %arg3[%dma_start3A_268, %dma_start3A_269] : memref<100000x768xf32, #tpu.memory_space<hbm>> -> memref<100000x768xf32, #tpu.memory_space<hbm>>
    tpu.enqueue_indirect_dma source(%dma_start3A_270 : memref<100000x768xf32, #tpu.memory_space<hbm>>) target(%arg10 : memref<16x768xf32, #tpu.memory_space<vmem>>) offsets(%dma_start3A_267 : memref<16xi32, #tpu.memory_space<vmem>>) semaphore(%arg18 : memref<!tpu.dma_semaphore, #tpu.memory_space<semaphore_mem>>)
    %dma_start3A_271 = arith.constant 112 : i32
    %dma_start3A_272 = tpu.memref_slice %arg6[%dma_start3A_271] : memref<128xi32, #tpu.memory_space<vmem>> -> memref<16xi32, #tpu.memory_space<vmem>>
    %dma_start3A_273 = arith.constant 0 : i32
    %dma_start3A_274 = arith.constant 0 : i32
    %dma_start3A_275 = tpu.memref_slice %arg4[%dma_start3A_273, %dma_start3A_274] : memref<100000x768xf32, #tpu.memory_space<hbm>> -> memref<100000x768xf32, #tpu.memory_space<hbm>>
    tpu.enqueue_indirect_dma source(%dma_start3A_275 : memref<100000x768xf32, #tpu.memory_space<hbm>>) target(%arg14 : memref<16x768xf32, #tpu.memory_space<vmem>>) offsets(%dma_start3A_272 : memref<16xi32, #tpu.memory_space<vmem>>) semaphore(%arg22 : memref<!tpu.dma_semaphore, #tpu.memory_space<semaphore_mem>>)
    %dma_wait3A_276 = arith.constant 64 : i32
    %dma_wait3A_277 = tpu.memref_slice %arg6[%dma_wait3A_276] : memref<128xi32, #tpu.memory_space<vmem>> -> memref<16xi32, #tpu.memory_space<vmem>>
    %dma_wait3A_278 = arith.constant 0 : i32
    %dma_wait3A_279 = arith.constant 0 : i32
    %dma_wait3A_280 = tpu.memref_slice %arg3[%dma_wait3A_278, %dma_wait3A_279] : memref<100000x768xf32, #tpu.memory_space<hbm>> -> memref<100000x768xf32, #tpu.memory_space<hbm>>
    tpu.wait_indirect_dma semaphore(%arg15 : memref<!tpu.dma_semaphore, #tpu.memory_space<semaphore_mem>>) src(%dma_wait3A_280 : memref<100000x768xf32, #tpu.memory_space<hbm>>) dst(%arg7 : memref<16x768xf32, #tpu.memory_space<vmem>>)
    %dma_wait3A_281 = arith.constant 64 : i32
    %dma_wait3A_282 = tpu.memref_slice %arg6[%dma_wait3A_281] : memref<128xi32, #tpu.memory_space<vmem>> -> memref<16xi32, #tpu.memory_space<vmem>>
    %dma_wait3A_283 = arith.constant 0 : i32
    %dma_wait3A_284 = arith.constant 0 : i32
    %dma_wait3A_285 = tpu.memref_slice %arg4[%dma_wait3A_283, %dma_wait3A_284] : memref<100000x768xf32, #tpu.memory_space<hbm>> -> memref<100000x768xf32, #tpu.memory_space<hbm>>
    tpu.wait_indirect_dma semaphore(%arg19 : memref<!tpu.dma_semaphore, #tpu.memory_space<semaphore_mem>>) src(%dma_wait3A_285 : memref<100000x768xf32, #tpu.memory_space<hbm>>) dst(%arg11 : memref<16x768xf32, #tpu.memory_space<vmem>>)
    %add3A_286 = arith.constant 64 : i32
    %add3A_287 = arith.addi %mul3A_2, %add3A_286 : i32
    %dma_start3A_288 = arith.constant 0 : i32
    %dma_start3A_289 = arith.constant 0 : i32
    %dma_start3A_290 = tpu.memref_slice %arg5[%dma_start3A_288, %add3A_287, %dma_start3A_289] : memref<2x4096x768xf32, #tpu.memory_space<hbm>> -> memref<1x16x768xf32, #tpu.memory_space<hbm>>
    %dma_start3A_291 = tpu.memref_squeeze %dma_start3A_290 : memref<1x16x768xf32, #tpu.memory_space<hbm>> -> memref<16x768xf32, #tpu.memory_space<hbm>>
    %dma_start3A_292 = arith.constant 0 : i32
    %dma_start3A_293 = tpu.memref_slice %arg5[%dma_start3A_288, %add3A_287, %dma_start3A_292] : memref<2x4096x768xf32, #tpu.memory_space<hbm>> -> memref<1x16x768xf32, #tpu.memory_space<hbm>>
    %dma_start3A_294 = tpu.memref_squeeze %dma_start3A_293 : memref<1x16x768xf32, #tpu.memory_space<hbm>> -> memref<16x768xf32, #tpu.memory_space<hbm>>
    tpu.enqueue_dma source(%arg7 : memref<16x768xf32, #tpu.memory_space<vmem>>) target(%dma_start3A_294 : memref<16x768xf32, #tpu.memory_space<hbm>>) target_semaphore(%arg23 : memref<!tpu.dma_semaphore, #tpu.memory_space<semaphore_mem>>)
    %dma_start3A_295 = arith.constant 1 : i32
    %dma_start3A_296 = arith.constant 0 : i32
    %dma_start3A_297 = tpu.memref_slice %arg5[%dma_start3A_295, %add3A_287, %dma_start3A_296] : memref<2x4096x768xf32, #tpu.memory_space<hbm>> -> memref<1x16x768xf32, #tpu.memory_space<hbm>>
    %dma_start3A_298 = tpu.memref_squeeze %dma_start3A_297 : memref<1x16x768xf32, #tpu.memory_space<hbm>> -> memref<16x768xf32, #tpu.memory_space<hbm>>
    %dma_start3A_299 = arith.constant 0 : i32
    %dma_start3A_300 = tpu.memref_slice %arg5[%dma_start3A_295, %add3A_287, %dma_start3A_299] : memref<2x4096x768xf32, #tpu.memory_space<hbm>> -> memref<1x16x768xf32, #tpu.memory_space<hbm>>
    %dma_start3A_301 = tpu.memref_squeeze %dma_start3A_300 : memref<1x16x768xf32, #tpu.memory_space<hbm>> -> memref<16x768xf32, #tpu.memory_space<hbm>>
    tpu.enqueue_dma source(%arg11 : memref<16x768xf32, #tpu.memory_space<vmem>>) target(%dma_start3A_301 : memref<16x768xf32, #tpu.memory_space<hbm>>) target_semaphore(%arg27 : memref<!tpu.dma_semaphore, #tpu.memory_space<semaphore_mem>>)
    %dma_wait3A_302 = arith.constant 80 : i32
    %dma_wait3A_303 = tpu.memref_slice %arg6[%dma_wait3A_302] : memref<128xi32, #tpu.memory_space<vmem>> -> memref<16xi32, #tpu.memory_space<vmem>>
    %dma_wait3A_304 = arith.constant 0 : i32
    %dma_wait3A_305 = arith.constant 0 : i32
    %dma_wait3A_306 = tpu.memref_slice %arg3[%dma_wait3A_304, %dma_wait3A_305] : memref<100000x768xf32, #tpu.memory_space<hbm>> -> memref<100000x768xf32, #tpu.memory_space<hbm>>
    tpu.wait_indirect_dma semaphore(%arg16 : memref<!tpu.dma_semaphore, #tpu.memory_space<semaphore_mem>>) src(%dma_wait3A_306 : memref<100000x768xf32, #tpu.memory_space<hbm>>) dst(%arg8 : memref<16x768xf32, #tpu.memory_space<vmem>>)
    %dma_wait3A_307 = arith.constant 80 : i32
    %dma_wait3A_308 = tpu.memref_slice %arg6[%dma_wait3A_307] : memref<128xi32, #tpu.memory_space<vmem>> -> memref<16xi32, #tpu.memory_space<vmem>>
    %dma_wait3A_309 = arith.constant 0 : i32
    %dma_wait3A_310 = arith.constant 0 : i32
    %dma_wait3A_311 = tpu.memref_slice %arg4[%dma_wait3A_309, %dma_wait3A_310] : memref<100000x768xf32, #tpu.memory_space<hbm>> -> memref<100000x768xf32, #tpu.memory_space<hbm>>
    tpu.wait_indirect_dma semaphore(%arg20 : memref<!tpu.dma_semaphore, #tpu.memory_space<semaphore_mem>>) src(%dma_wait3A_311 : memref<100000x768xf32, #tpu.memory_space<hbm>>) dst(%arg12 : memref<16x768xf32, #tpu.memory_space<vmem>>)
    %add3A_312 = arith.constant 80 : i32
    %add3A_313 = arith.addi %mul3A_2, %add3A_312 : i32
    %dma_start3A_314 = arith.constant 0 : i32
    %dma_start3A_315 = arith.constant 0 : i32
    %dma_start3A_316 = tpu.memref_slice %arg5[%dma_start3A_314, %add3A_313, %dma_start3A_315] : memref<2x4096x768xf32, #tpu.memory_space<hbm>> -> memref<1x16x768xf32, #tpu.memory_space<hbm>>
    %dma_start3A_317 = tpu.memref_squeeze %dma_start3A_316 : memref<1x16x768xf32, #tpu.memory_space<hbm>> -> memref<16x768xf32, #tpu.memory_space<hbm>>
    %dma_start3A_318 = arith.constant 0 : i32
    %dma_start3A_319 = tpu.memref_slice %arg5[%dma_start3A_314, %add3A_313, %dma_start3A_318] : memref<2x4096x768xf32, #tpu.memory_space<hbm>> -> memref<1x16x768xf32, #tpu.memory_space<hbm>>
    %dma_start3A_320 = tpu.memref_squeeze %dma_start3A_319 : memref<1x16x768xf32, #tpu.memory_space<hbm>> -> memref<16x768xf32, #tpu.memory_space<hbm>>
    tpu.enqueue_dma source(%arg8 : memref<16x768xf32, #tpu.memory_space<vmem>>) target(%dma_start3A_320 : memref<16x768xf32, #tpu.memory_space<hbm>>) target_semaphore(%arg24 : memref<!tpu.dma_semaphore, #tpu.memory_space<semaphore_mem>>)
    %dma_start3A_321 = arith.constant 1 : i32
    %dma_start3A_322 = arith.constant 0 : i32
    %dma_start3A_323 = tpu.memref_slice %arg5[%dma_start3A_321, %add3A_313, %dma_start3A_322] : memref<2x4096x768xf32, #tpu.memory_space<hbm>> -> memref<1x16x768xf32, #tpu.memory_space<hbm>>
    %dma_start3A_324 = tpu.memref_squeeze %dma_start3A_323 : memref<1x16x768xf32, #tpu.memory_space<hbm>> -> memref<16x768xf32, #tpu.memory_space<hbm>>
    %dma_start3A_325 = arith.constant 0 : i32
    %dma_start3A_326 = tpu.memref_slice %arg5[%dma_start3A_321, %add3A_313, %dma_start3A_325] : memref<2x4096x768xf32, #tpu.memory_space<hbm>> -> memref<1x16x768xf32, #tpu.memory_space<hbm>>
    %dma_start3A_327 = tpu.memref_squeeze %dma_start3A_326 : memref<1x16x768xf32, #tpu.memory_space<hbm>> -> memref<16x768xf32, #tpu.memory_space<hbm>>
    tpu.enqueue_dma source(%arg12 : memref<16x768xf32, #tpu.memory_space<vmem>>) target(%dma_start3A_327 : memref<16x768xf32, #tpu.memory_space<hbm>>) target_semaphore(%arg28 : memref<!tpu.dma_semaphore, #tpu.memory_space<semaphore_mem>>)
    %dma_wait3A_328 = arith.constant 96 : i32
    %dma_wait3A_329 = tpu.memref_slice %arg6[%dma_wait3A_328] : memref<128xi32, #tpu.memory_space<vmem>> -> memref<16xi32, #tpu.memory_space<vmem>>
    %dma_wait3A_330 = arith.constant 0 : i32
    %dma_wait3A_331 = arith.constant 0 : i32
    %dma_wait3A_332 = tpu.memref_slice %arg3[%dma_wait3A_330, %dma_wait3A_331] : memref<100000x768xf32, #tpu.memory_space<hbm>> -> memref<100000x768xf32, #tpu.memory_space<hbm>>
    tpu.wait_indirect_dma semaphore(%arg17 : memref<!tpu.dma_semaphore, #tpu.memory_space<semaphore_mem>>) src(%dma_wait3A_332 : memref<100000x768xf32, #tpu.memory_space<hbm>>) dst(%arg9 : memref<16x768xf32, #tpu.memory_space<vmem>>)
    %dma_wait3A_333 = arith.constant 96 : i32
    %dma_wait3A_334 = tpu.memref_slice %arg6[%dma_wait3A_333] : memref<128xi32, #tpu.memory_space<vmem>> -> memref<16xi32, #tpu.memory_space<vmem>>
    %dma_wait3A_335 = arith.constant 0 : i32
    %dma_wait3A_336 = arith.constant 0 : i32
    %dma_wait3A_337 = tpu.memref_slice %arg4[%dma_wait3A_335, %dma_wait3A_336] : memref<100000x768xf32, #tpu.memory_space<hbm>> -> memref<100000x768xf32, #tpu.memory_space<hbm>>
    tpu.wait_indirect_dma semaphore(%arg21 : memref<!tpu.dma_semaphore, #tpu.memory_space<semaphore_mem>>) src(%dma_wait3A_337 : memref<100000x768xf32, #tpu.memory_space<hbm>>) dst(%arg13 : memref<16x768xf32, #tpu.memory_space<vmem>>)
    %add3A_338 = arith.constant 96 : i32
    %add3A_339 = arith.addi %mul3A_2, %add3A_338 : i32
    %dma_start3A_340 = arith.constant 0 : i32
    %dma_start3A_341 = arith.constant 0 : i32
    %dma_start3A_342 = tpu.memref_slice %arg5[%dma_start3A_340, %add3A_339, %dma_start3A_341] : memref<2x4096x768xf32, #tpu.memory_space<hbm>> -> memref<1x16x768xf32, #tpu.memory_space<hbm>>
    %dma_start3A_343 = tpu.memref_squeeze %dma_start3A_342 : memref<1x16x768xf32, #tpu.memory_space<hbm>> -> memref<16x768xf32, #tpu.memory_space<hbm>>
    %dma_start3A_344 = arith.constant 0 : i32
    %dma_start3A_345 = tpu.memref_slice %arg5[%dma_start3A_340, %add3A_339, %dma_start3A_344] : memref<2x4096x768xf32, #tpu.memory_space<hbm>> -> memref<1x16x768xf32, #tpu.memory_space<hbm>>
    %dma_start3A_346 = tpu.memref_squeeze %dma_start3A_345 : memref<1x16x768xf32, #tpu.memory_space<hbm>> -> memref<16x768xf32, #tpu.memory_space<hbm>>
    tpu.enqueue_dma source(%arg9 : memref<16x768xf32, #tpu.memory_space<vmem>>) target(%dma_start3A_346 : memref<16x768xf32, #tpu.memory_space<hbm>>) target_semaphore(%arg25 : memref<!tpu.dma_semaphore, #tpu.memory_space<semaphore_mem>>)
    %dma_start3A_347 = arith.constant 1 : i32
    %dma_start3A_348 = arith.constant 0 : i32
    %dma_start3A_349 = tpu.memref_slice %arg5[%dma_start3A_347, %add3A_339, %dma_start3A_348] : memref<2x4096x768xf32, #tpu.memory_space<hbm>> -> memref<1x16x768xf32, #tpu.memory_space<hbm>>
    %dma_start3A_350 = tpu.memref_squeeze %dma_start3A_349 : memref<1x16x768xf32, #tpu.memory_space<hbm>> -> memref<16x768xf32, #tpu.memory_space<hbm>>
    %dma_start3A_351 = arith.constant 0 : i32
    %dma_start3A_352 = tpu.memref_slice %arg5[%dma_start3A_347, %add3A_339, %dma_start3A_351] : memref<2x4096x768xf32, #tpu.memory_space<hbm>> -> memref<1x16x768xf32, #tpu.memory_space<hbm>>
    %dma_start3A_353 = tpu.memref_squeeze %dma_start3A_352 : memref<1x16x768xf32, #tpu.memory_space<hbm>> -> memref<16x768xf32, #tpu.memory_space<hbm>>
    tpu.enqueue_dma source(%arg13 : memref<16x768xf32, #tpu.memory_space<vmem>>) target(%dma_start3A_353 : memref<16x768xf32, #tpu.memory_space<hbm>>) target_semaphore(%arg29 : memref<!tpu.dma_semaphore, #tpu.memory_space<semaphore_mem>>)
    %dma_wait3A_354 = arith.constant 112 : i32
    %dma_wait3A_355 = tpu.memref_slice %arg6[%dma_wait3A_354] : memref<128xi32, #tpu.memory_space<vmem>> -> memref<16xi32, #tpu.memory_space<vmem>>
    %dma_wait3A_356 = arith.constant 0 : i32
    %dma_wait3A_357 = arith.constant 0 : i32
    %dma_wait3A_358 = tpu.memref_slice %arg3[%dma_wait3A_356, %dma_wait3A_357] : memref<100000x768xf32, #tpu.memory_space<hbm>> -> memref<100000x768xf32, #tpu.memory_space<hbm>>
    tpu.wait_indirect_dma semaphore(%arg18 : memref<!tpu.dma_semaphore, #tpu.memory_space<semaphore_mem>>) src(%dma_wait3A_358 : memref<100000x768xf32, #tpu.memory_space<hbm>>) dst(%arg10 : memref<16x768xf32, #tpu.memory_space<vmem>>)
    %dma_wait3A_359 = arith.constant 112 : i32
    %dma_wait3A_360 = tpu.memref_slice %arg6[%dma_wait3A_359] : memref<128xi32, #tpu.memory_space<vmem>> -> memref<16xi32, #tpu.memory_space<vmem>>
    %dma_wait3A_361 = arith.constant 0 : i32
    %dma_wait3A_362 = arith.constant 0 : i32
    %dma_wait3A_363 = tpu.memref_slice %arg4[%dma_wait3A_361, %dma_wait3A_362] : memref<100000x768xf32, #tpu.memory_space<hbm>> -> memref<100000x768xf32, #tpu.memory_space<hbm>>
    tpu.wait_indirect_dma semaphore(%arg22 : memref<!tpu.dma_semaphore, #tpu.memory_space<semaphore_mem>>) src(%dma_wait3A_363 : memref<100000x768xf32, #tpu.memory_space<hbm>>) dst(%arg14 : memref<16x768xf32, #tpu.memory_space<vmem>>)
    %add3A_364 = arith.constant 112 : i32
    %add3A_365 = arith.addi %mul3A_2, %add3A_364 : i32
    %dma_start3A_366 = arith.constant 0 : i32
    %dma_start3A_367 = arith.constant 0 : i32
    %dma_start3A_368 = tpu.memref_slice %arg5[%dma_start3A_366, %add3A_365, %dma_start3A_367] : memref<2x4096x768xf32, #tpu.memory_space<hbm>> -> memref<1x16x768xf32, #tpu.memory_space<hbm>>
    %dma_start3A_369 = tpu.memref_squeeze %dma_start3A_368 : memref<1x16x768xf32, #tpu.memory_space<hbm>> -> memref<16x768xf32, #tpu.memory_space<hbm>>
    %dma_start3A_370 = arith.constant 0 : i32
    %dma_start3A_371 = tpu.memref_slice %arg5[%dma_start3A_366, %add3A_365, %dma_start3A_370] : memref<2x4096x768xf32, #tpu.memory_space<hbm>> -> memref<1x16x768xf32, #tpu.memory_space<hbm>>
    %dma_start3A_372 = tpu.memref_squeeze %dma_start3A_371 : memref<1x16x768xf32, #tpu.memory_space<hbm>> -> memref<16x768xf32, #tpu.memory_space<hbm>>
    tpu.enqueue_dma source(%arg10 : memref<16x768xf32, #tpu.memory_space<vmem>>) target(%dma_start3A_372 : memref<16x768xf32, #tpu.memory_space<hbm>>) target_semaphore(%arg26 : memref<!tpu.dma_semaphore, #tpu.memory_space<semaphore_mem>>)
    %dma_start3A_373 = arith.constant 1 : i32
    %dma_start3A_374 = arith.constant 0 : i32
    %dma_start3A_375 = tpu.memref_slice %arg5[%dma_start3A_373, %add3A_365, %dma_start3A_374] : memref<2x4096x768xf32, #tpu.memory_space<hbm>> -> memref<1x16x768xf32, #tpu.memory_space<hbm>>
    %dma_start3A_376 = tpu.memref_squeeze %dma_start3A_375 : memref<1x16x768xf32, #tpu.memory_space<hbm>> -> memref<16x768xf32, #tpu.memory_space<hbm>>
    %dma_start3A_377 = arith.constant 0 : i32
    %dma_start3A_378 = tpu.memref_slice %arg5[%dma_start3A_373, %add3A_365, %dma_start3A_377] : memref<2x4096x768xf32, #tpu.memory_space<hbm>> -> memref<1x16x768xf32, #tpu.memory_space<hbm>>
    %dma_start3A_379 = tpu.memref_squeeze %dma_start3A_378 : memref<1x16x768xf32, #tpu.memory_space<hbm>> -> memref<16x768xf32, #tpu.memory_space<hbm>>
    tpu.enqueue_dma source(%arg14 : memref<16x768xf32, #tpu.memory_space<vmem>>) target(%dma_start3A_379 : memref<16x768xf32, #tpu.memory_space<hbm>>) target_semaphore(%arg30 : memref<!tpu.dma_semaphore, #tpu.memory_space<semaphore_mem>>)
    %dma_wait3A_380 = arith.constant 0 : i32
    %dma_wait3A_381 = arith.constant 0 : i32
    %dma_wait3A_382 = tpu.memref_slice %arg5[%dma_wait3A_380, %add3A_287, %dma_wait3A_381] : memref<2x4096x768xf32, #tpu.memory_space<hbm>> -> memref<1x16x768xf32, #tpu.memory_space<hbm>>
    %dma_wait3A_383 = tpu.memref_squeeze %dma_wait3A_382 : memref<1x16x768xf32, #tpu.memory_space<hbm>> -> memref<16x768xf32, #tpu.memory_space<hbm>>
    %dma_wait3A_384 = arith.constant 0 : i32
    %dma_wait3A_385 = tpu.memref_slice %arg5[%dma_wait3A_380, %add3A_287, %dma_wait3A_384] : memref<2x4096x768xf32, #tpu.memory_space<hbm>> -> memref<1x16x768xf32, #tpu.memory_space<hbm>>
    %dma_wait3A_386 = tpu.memref_squeeze %dma_wait3A_385 : memref<1x16x768xf32, #tpu.memory_space<hbm>> -> memref<16x768xf32, #tpu.memory_space<hbm>>
    tpu.wait_dma2 semaphore(%arg23 : memref<!tpu.dma_semaphore, #tpu.memory_space<semaphore_mem>>) src(%arg7 : memref<16x768xf32, #tpu.memory_space<vmem>>) dst(%dma_wait3A_386 : memref<16x768xf32, #tpu.memory_space<hbm>>)
    %dma_wait3A_387 = arith.constant 1 : i32
    %dma_wait3A_388 = arith.constant 0 : i32
    %dma_wait3A_389 = tpu.memref_slice %arg5[%dma_wait3A_387, %add3A_287, %dma_wait3A_388] : memref<2x4096x768xf32, #tpu.memory_space<hbm>> -> memref<1x16x768xf32, #tpu.memory_space<hbm>>
    %dma_wait3A_390 = tpu.memref_squeeze %dma_wait3A_389 : memref<1x16x768xf32, #tpu.memory_space<hbm>> -> memref<16x768xf32, #tpu.memory_space<hbm>>
    %dma_wait3A_391 = arith.constant 0 : i32
    %dma_wait3A_392 = tpu.memref_slice %arg5[%dma_wait3A_387, %add3A_287, %dma_wait3A_391] : memref<2x4096x768xf32, #tpu.memory_space<hbm>> -> memref<1x16x768xf32, #tpu.memory_space<hbm>>
    %dma_wait3A_393 = tpu.memref_squeeze %dma_wait3A_392 : memref<1x16x768xf32, #tpu.memory_space<hbm>> -> memref<16x768xf32, #tpu.memory_space<hbm>>
    tpu.wait_dma2 semaphore(%arg27 : memref<!tpu.dma_semaphore, #tpu.memory_space<semaphore_mem>>) src(%arg11 : memref<16x768xf32, #tpu.memory_space<vmem>>) dst(%dma_wait3A_393 : memref<16x768xf32, #tpu.memory_space<hbm>>)
    %dma_wait3A_394 = arith.constant 0 : i32
    %dma_wait3A_395 = arith.constant 0 : i32
    %dma_wait3A_396 = tpu.memref_slice %arg5[%dma_wait3A_394, %add3A_313, %dma_wait3A_395] : memref<2x4096x768xf32, #tpu.memory_space<hbm>> -> memref<1x16x768xf32, #tpu.memory_space<hbm>>
    %dma_wait3A_397 = tpu.memref_squeeze %dma_wait3A_396 : memref<1x16x768xf32, #tpu.memory_space<hbm>> -> memref<16x768xf32, #tpu.memory_space<hbm>>
    %dma_wait3A_398 = arith.constant 0 : i32
    %dma_wait3A_399 = tpu.memref_slice %arg5[%dma_wait3A_394, %add3A_313, %dma_wait3A_398] : memref<2x4096x768xf32, #tpu.memory_space<hbm>> -> memref<1x16x768xf32, #tpu.memory_space<hbm>>
    %dma_wait3A_400 = tpu.memref_squeeze %dma_wait3A_399 : memref<1x16x768xf32, #tpu.memory_space<hbm>> -> memref<16x768xf32, #tpu.memory_space<hbm>>
    tpu.wait_dma2 semaphore(%arg24 : memref<!tpu.dma_semaphore, #tpu.memory_space<semaphore_mem>>) src(%arg8 : memref<16x768xf32, #tpu.memory_space<vmem>>) dst(%dma_wait3A_400 : memref<16x768xf32, #tpu.memory_space<hbm>>)
    %dma_wait3A_401 = arith.constant 1 : i32
    %dma_wait3A_402 = arith.constant 0 : i32
    %dma_wait3A_403 = tpu.memref_slice %arg5[%dma_wait3A_401, %add3A_313, %dma_wait3A_402] : memref<2x4096x768xf32, #tpu.memory_space<hbm>> -> memref<1x16x768xf32, #tpu.memory_space<hbm>>
    %dma_wait3A_404 = tpu.memref_squeeze %dma_wait3A_403 : memref<1x16x768xf32, #tpu.memory_space<hbm>> -> memref<16x768xf32, #tpu.memory_space<hbm>>
    %dma_wait3A_405 = arith.constant 0 : i32
    %dma_wait3A_406 = tpu.memref_slice %arg5[%dma_wait3A_401, %add3A_313, %dma_wait3A_405] : memref<2x4096x768xf32, #tpu.memory_space<hbm>> -> memref<1x16x768xf32, #tpu.memory_space<hbm>>
    %dma_wait3A_407 = tpu.memref_squeeze %dma_wait3A_406 : memref<1x16x768xf32, #tpu.memory_space<hbm>> -> memref<16x768xf32, #tpu.memory_space<hbm>>
    tpu.wait_dma2 semaphore(%arg28 : memref<!tpu.dma_semaphore, #tpu.memory_space<semaphore_mem>>) src(%arg12 : memref<16x768xf32, #tpu.memory_space<vmem>>) dst(%dma_wait3A_407 : memref<16x768xf32, #tpu.memory_space<hbm>>)
    %dma_wait3A_408 = arith.constant 0 : i32
    %dma_wait3A_409 = arith.constant 0 : i32
    %dma_wait3A_410 = tpu.memref_slice %arg5[%dma_wait3A_408, %add3A_339, %dma_wait3A_409] : memref<2x4096x768xf32, #tpu.memory_space<hbm>> -> memref<1x16x768xf32, #tpu.memory_space<hbm>>
    %dma_wait3A_411 = tpu.memref_squeeze %dma_wait3A_410 : memref<1x16x768xf32, #tpu.memory_space<hbm>> -> memref<16x768xf32, #tpu.memory_space<hbm>>
    %dma_wait3A_412 = arith.constant 0 : i32
    %dma_wait3A_413 = tpu.memref_slice %arg5[%dma_wait3A_408, %add3A_339, %dma_wait3A_412] : memref<2x4096x768xf32, #tpu.memory_space<hbm>> -> memref<1x16x768xf32, #tpu.memory_space<hbm>>
    %dma_wait3A_414 = tpu.memref_squeeze %dma_wait3A_413 : memref<1x16x768xf32, #tpu.memory_space<hbm>> -> memref<16x768xf32, #tpu.memory_space<hbm>>
    tpu.wait_dma2 semaphore(%arg25 : memref<!tpu.dma_semaphore, #tpu.memory_space<semaphore_mem>>) src(%arg9 : memref<16x768xf32, #tpu.memory_space<vmem>>) dst(%dma_wait3A_414 : memref<16x768xf32, #tpu.memory_space<hbm>>)
    %dma_wait3A_415 = arith.constant 1 : i32
    %dma_wait3A_416 = arith.constant 0 : i32
    %dma_wait3A_417 = tpu.memref_slice %arg5[%dma_wait3A_415, %add3A_339, %dma_wait3A_416] : memref<2x4096x768xf32, #tpu.memory_space<hbm>> -> memref<1x16x768xf32, #tpu.memory_space<hbm>>
    %dma_wait3A_418 = tpu.memref_squeeze %dma_wait3A_417 : memref<1x16x768xf32, #tpu.memory_space<hbm>> -> memref<16x768xf32, #tpu.memory_space<hbm>>
    %dma_wait3A_419 = arith.constant 0 : i32
    %dma_wait3A_420 = tpu.memref_slice %arg5[%dma_wait3A_415, %add3A_339, %dma_wait3A_419] : memref<2x4096x768xf32, #tpu.memory_space<hbm>> -> memref<1x16x768xf32, #tpu.memory_space<hbm>>
    %dma_wait3A_421 = tpu.memref_squeeze %dma_wait3A_420 : memref<1x16x768xf32, #tpu.memory_space<hbm>> -> memref<16x768xf32, #tpu.memory_space<hbm>>
    tpu.wait_dma2 semaphore(%arg29 : memref<!tpu.dma_semaphore, #tpu.memory_space<semaphore_mem>>) src(%arg13 : memref<16x768xf32, #tpu.memory_space<vmem>>) dst(%dma_wait3A_421 : memref<16x768xf32, #tpu.memory_space<hbm>>)
    %dma_wait3A_422 = arith.constant 0 : i32
    %dma_wait3A_423 = arith.constant 0 : i32
    %dma_wait3A_424 = tpu.memref_slice %arg5[%dma_wait3A_422, %add3A_365, %dma_wait3A_423] : memref<2x4096x768xf32, #tpu.memory_space<hbm>> -> memref<1x16x768xf32, #tpu.memory_space<hbm>>
    %dma_wait3A_425 = tpu.memref_squeeze %dma_wait3A_424 : memref<1x16x768xf32, #tpu.memory_space<hbm>> -> memref<16x768xf32, #tpu.memory_space<hbm>>
    %dma_wait3A_426 = arith.constant 0 : i32
    %dma_wait3A_427 = tpu.memref_slice %arg5[%dma_wait3A_422, %add3A_365, %dma_wait3A_426] : memref<2x4096x768xf32, #tpu.memory_space<hbm>> -> memref<1x16x768xf32, #tpu.memory_space<hbm>>
    %dma_wait3A_428 = tpu.memref_squeeze %dma_wait3A_427 : memref<1x16x768xf32, #tpu.memory_space<hbm>> -> memref<16x768xf32, #tpu.memory_space<hbm>>
    tpu.wait_dma2 semaphore(%arg26 : memref<!tpu.dma_semaphore, #tpu.memory_space<semaphore_mem>>) src(%arg10 : memref<16x768xf32, #tpu.memory_space<vmem>>) dst(%dma_wait3A_428 : memref<16x768xf32, #tpu.memory_space<hbm>>)
    %dma_wait3A_429 = arith.constant 1 : i32
    %dma_wait3A_430 = arith.constant 0 : i32
    %dma_wait3A_431 = tpu.memref_slice %arg5[%dma_wait3A_429, %add3A_365, %dma_wait3A_430] : memref<2x4096x768xf32, #tpu.memory_space<hbm>> -> memref<1x16x768xf32, #tpu.memory_space<hbm>>
    %dma_wait3A_432 = tpu.memref_squeeze %dma_wait3A_431 : memref<1x16x768xf32, #tpu.memory_space<hbm>> -> memref<16x768xf32, #tpu.memory_space<hbm>>
    %dma_wait3A_433 = arith.constant 0 : i32
    %dma_wait3A_434 = tpu.memref_slice %arg5[%dma_wait3A_429, %add3A_365, %dma_wait3A_433] : memref<2x4096x768xf32, #tpu.memory_space<hbm>> -> memref<1x16x768xf32, #tpu.memory_space<hbm>>
    %dma_wait3A_435 = tpu.memref_squeeze %dma_wait3A_434 : memref<1x16x768xf32, #tpu.memory_space<hbm>> -> memref<16x768xf32, #tpu.memory_space<hbm>>
    tpu.wait_dma2 semaphore(%arg30 : memref<!tpu.dma_semaphore, #tpu.memory_space<semaphore_mem>>) src(%arg14 : memref<16x768xf32, #tpu.memory_space<vmem>>) dst(%dma_wait3A_435 : memref<16x768xf32, #tpu.memory_space<hbm>>)
    return
  }
}

module attributes {stable_mosaic.version = 14 : i64} {
  func.func @_rotate_body(%arg0: i32, %arg1: memref<4x1024xf32, #tpu.memory_space<vmem>>, %arg2: memref<2x1024x768xf32, #tpu.memory_space<vmem>>, %arg3: memref<1024x768xf32, #tpu.memory_space<vmem>>, %arg4: memref<2x1x1024x768xf32, #tpu.memory_space<vmem>>) attributes {dimension_semantics = [#tpu.dimension_semantics<arbitrary>], iteration_bounds = array<i64: 4>, scalar_prefetch = 0 : i64, scratch_operands = 0 : i64, tpu.core_type = #tpu.core_type<tc>, window_params = [{transform_indices = @transform_0, window_bounds = array<i64: 4, 1024>}, {transform_indices = @transform_1, window_bounds = array<i64: 2, 1024, 768>}, {transform_indices = @transform_2, window_bounds = array<i64: 1024, 768>}, {transform_indices = @transform_3, window_bounds = array<i64: 2, 1, 1024, 768>}]} {
    %get3A = arith.index_cast %arg0 : i32 to index
    %get3A_0 = arith.constant 0 : index
    %get3A_1 = vector.load %arg1[%get3A, %get3A_0] : memref<4x1024xf32, #tpu.memory_space<vmem>>, vector<1x1024xf32>
    %transpose3A = tpu.transpose %get3A_1, [1, 0] : vector<1x1024xf32> -> vector<1024x1xf32>
    %cos3A = math.cos %transpose3A : vector<1024x1xf32>
    %sin3A = math.sin %transpose3A : vector<1024x1xf32>
    %get3A_2 = arith.constant 0 : index
    %get3A_3 = arith.constant 0 : index
    %get3A_4 = arith.constant 0 : index
    %get3A_5 = vector.load %arg2[%get3A_2, %get3A_3, %get3A_4] : memref<2x1024x768xf32, #tpu.memory_space<vmem>>, vector<1x1024x768xf32>
    %get3A_6 = vector.shape_cast %get3A_5 : vector<1x1024x768xf32> to vector<1024x768xf32>
    %get3A_7 = arith.constant 0 : index
    %get3A_8 = arith.constant 0 : index
    %get3A_9 = vector.load %arg3[%get3A_7, %get3A_8] : memref<1024x768xf32, #tpu.memory_space<vmem>>, vector<1024x768xf32>
    %add3A = arith.addf %get3A_6, %get3A_9 : vector<1024x768xf32>
    %get3A_10 = arith.constant 1 : index
    %get3A_11 = arith.constant 0 : index
    %get3A_12 = arith.constant 0 : index
    %get3A_13 = vector.load %arg2[%get3A_10, %get3A_11, %get3A_12] : memref<2x1024x768xf32, #tpu.memory_space<vmem>>, vector<1x1024x768xf32>
    %get3A_14 = vector.shape_cast %get3A_13 : vector<1x1024x768xf32> to vector<1024x768xf32>
    %mul3A = vector.broadcast %cos3A : vector<1024x1xf32> to vector<1024x768xf32>
    %mul3A_15 = arith.mulf %add3A, %mul3A : vector<1024x768xf32>
    %mul3A_16 = vector.broadcast %sin3A : vector<1024x1xf32> to vector<1024x768xf32>
    %mul3A_17 = arith.mulf %get3A_14, %mul3A_16 : vector<1024x768xf32>
    %sub3A = arith.subf %mul3A_15, %mul3A_17 : vector<1024x768xf32>
    %swap3A = arith.constant 0 : index
    %swap3A_18 = arith.constant 0 : index
    %swap3A_19 = arith.constant 0 : index
    %swap3A_20 = arith.constant 0 : index
    %swap3A_21 = vector.load %arg4[%swap3A, %swap3A_18, %swap3A_19, %swap3A_20] : memref<2x1x1024x768xf32, #tpu.memory_space<vmem>>, vector<1x1x1024x768xf32>
    %swap3A_22 = vector.shape_cast %swap3A_21 : vector<1x1x1024x768xf32> to vector<1024x768xf32>
    %swap3A_23 = vector.shape_cast %sub3A : vector<1024x768xf32> to vector<1x1x1024x768xf32>
    tpu.vector_store %arg4[%swap3A, %swap3A_18, %swap3A_19, %swap3A_20], %swap3A_23 {strides = array<i32>} : memref<2x1x1024x768xf32, #tpu.memory_space<vmem>>, vector<1x1x1024x768xf32>,
    %mul3A_24 = vector.broadcast %sin3A : vector<1024x1xf32> to vector<1024x768xf32>
    %mul3A_25 = arith.mulf %add3A, %mul3A_24 : vector<1024x768xf32>
    %mul3A_26 = vector.broadcast %cos3A : vector<1024x1xf32> to vector<1024x768xf32>
    %mul3A_27 = arith.mulf %get3A_14, %mul3A_26 : vector<1024x768xf32>
    %add3A_28 = arith.addf %mul3A_25, %mul3A_27 : vector<1024x768xf32>
    %swap3A_29 = arith.constant 1 : index
    %swap3A_30 = arith.constant 0 : index
    %swap3A_31 = arith.constant 0 : index
    %swap3A_32 = arith.constant 0 : index
    %swap3A_33 = vector.load %arg4[%swap3A_29, %swap3A_30, %swap3A_31, %swap3A_32] : memref<2x1x1024x768xf32, #tpu.memory_space<vmem>>, vector<1x1x1024x768xf32>
    %swap3A_34 = vector.shape_cast %swap3A_33 : vector<1x1x1024x768xf32> to vector<1024x768xf32>
    %swap3A_35 = vector.shape_cast %add3A_28 : vector<1024x768xf32> to vector<1x1x1024x768xf32>
    tpu.vector_store %arg4[%swap3A_29, %swap3A_30, %swap3A_31, %swap3A_32], %swap3A_35 {strides = array<i32>} : memref<2x1x1024x768xf32, #tpu.memory_space<vmem>>, vector<1x1x1024x768xf32>,
    return
  }
  func.func @transform_0(%arg0: i32) -> (i32, i32) {
    %c0_i32 = arith.constant 0 : i32
    %c0_i32_0 = arith.constant 0 : i32
    %c0_i32_1 = arith.constant 0 : i32
    return %c0_i32, %c0_i32_0 : i32, i32
  }
  func.func @transform_1(%arg0: i32) -> (i32, i32, i32) {
    %c0_i32 = arith.constant 0 : i32
    %c0_i32_0 = arith.constant 0 : i32
    %c0_i32_1 = arith.constant 0 : i32
    return %c0_i32, %arg0, %c0_i32_0 : i32, i32, i32
  }
  func.func @transform_2(%arg0: i32) -> (i32, i32) {
    %c0_i32 = arith.constant 0 : i32
    %c0_i32_0 = arith.constant 0 : i32
    %c0_i32_1 = arith.constant 0 : i32
    return %c0_i32, %c0_i32_0 : i32, i32
  }
  func.func @transform_3(%arg0: i32) -> (i32, i32, i32, i32) {
    %c0_i32 = arith.constant 0 : i32
    %c0_i32_0 = arith.constant 0 : i32
    %c0_i32_1 = arith.constant 0 : i32
    %c0_i32_2 = arith.constant 0 : i32
    return %c0_i32, %arg0, %c0_i32_0, %c0_i32_1 : i32, i32, i32, i32
  }
}

module attributes {stable_mosaic.version = 14 : i64} {
  func.func @_rotate_body_aliased(%arg0: i32, %arg1: memref<4x1024xf32, #tpu.memory_space<vmem>>, %arg2: memref<2x1024x768xf32, #tpu.memory_space<vmem>>, %arg3: memref<1024x768xf32, #tpu.memory_space<vmem>>, %arg4: memref<2x4x2048x768xf32, #tpu.memory_space<any>>, %arg5: memref<2x1x1024x768xf32, #tpu.memory_space<vmem>>) attributes {dimension_semantics = [#tpu.dimension_semantics<arbitrary>], iteration_bounds = array<i64: 4>, scalar_prefetch = 0 : i64, scratch_operands = 0 : i64, tpu.core_type = #tpu.core_type<tc>, window_params = [{transform_indices = @transform_0, window_bounds = array<i64: 4, 1024>}, {transform_indices = @transform_1, window_bounds = array<i64: 2, 1024, 768>}, {transform_indices = @transform_2, window_bounds = array<i64: 1024, 768>}, {}, {transform_indices = @transform_4, window_bounds = array<i64: 2, 1, 1024, 768>}]} {
    %get3A = arith.index_cast %arg0 : i32 to index
    %get3A_0 = arith.constant 0 : index
    %get3A_1 = vector.load %arg1[%get3A, %get3A_0] : memref<4x1024xf32, #tpu.memory_space<vmem>>, vector<1x1024xf32>
    %transpose3A = tpu.transpose %get3A_1, [1, 0] : vector<1x1024xf32> -> vector<1024x1xf32>
    %cos3A = math.cos %transpose3A : vector<1024x1xf32>
    %sin3A = math.sin %transpose3A : vector<1024x1xf32>
    %get3A_2 = arith.constant 0 : index
    %get3A_3 = arith.constant 0 : index
    %get3A_4 = arith.constant 0 : index
    %get3A_5 = vector.load %arg2[%get3A_2, %get3A_3, %get3A_4] : memref<2x1024x768xf32, #tpu.memory_space<vmem>>, vector<1x1024x768xf32>
    %get3A_6 = vector.shape_cast %get3A_5 : vector<1x1024x768xf32> to vector<1024x768xf32>
    %get3A_7 = arith.constant 0 : index
    %get3A_8 = arith.constant 0 : index
    %get3A_9 = vector.load %arg3[%get3A_7, %get3A_8] : memref<1024x768xf32, #tpu.memory_space<vmem>>, vector<1024x768xf32>
    %add3A = arith.addf %get3A_6, %get3A_9 : vector<1024x768xf32>
    %get3A_10 = arith.constant 1 : index
    %get3A_11 = arith.constant 0 : index
    %get3A_12 = arith.constant 0 : index
    %get3A_13 = vector.load %arg2[%get3A_10, %get3A_11, %get3A_12] : memref<2x1024x768xf32, #tpu.memory_space<vmem>>, vector<1x1024x768xf32>
    %get3A_14 = vector.shape_cast %get3A_13 : vector<1x1024x768xf32> to vector<1024x768xf32>
    %mul3A = vector.broadcast %cos3A : vector<1024x1xf32> to vector<1024x768xf32>
    %mul3A_15 = arith.mulf %add3A, %mul3A : vector<1024x768xf32>
    %mul3A_16 = vector.broadcast %sin3A : vector<1024x1xf32> to vector<1024x768xf32>
    %mul3A_17 = arith.mulf %get3A_14, %mul3A_16 : vector<1024x768xf32>
    %sub3A = arith.subf %mul3A_15, %mul3A_17 : vector<1024x768xf32>
    %swap3A = arith.constant 0 : index
    %swap3A_18 = arith.constant 0 : index
    %swap3A_19 = arith.constant 0 : index
    %swap3A_20 = arith.constant 0 : index
    %swap3A_21 = vector.load %arg5[%swap3A, %swap3A_18, %swap3A_19, %swap3A_20] : memref<2x1x1024x768xf32, #tpu.memory_space<vmem>>, vector<1x1x1024x768xf32>
    %swap3A_22 = vector.shape_cast %swap3A_21 : vector<1x1x1024x768xf32> to vector<1024x768xf32>
    %swap3A_23 = vector.shape_cast %sub3A : vector<1024x768xf32> to vector<1x1x1024x768xf32>
    tpu.vector_store %arg5[%swap3A, %swap3A_18, %swap3A_19, %swap3A_20], %swap3A_23 {strides = array<i32>} : memref<2x1x1024x768xf32, #tpu.memory_space<vmem>>, vector<1x1x1024x768xf32>,
    %mul3A_24 = vector.broadcast %sin3A : vector<1024x1xf32> to vector<1024x768xf32>
    %mul3A_25 = arith.mulf %add3A, %mul3A_24 : vector<1024x768xf32>
    %mul3A_26 = vector.broadcast %cos3A : vector<1024x1xf32> to vector<1024x768xf32>
    %mul3A_27 = arith.mulf %get3A_14, %mul3A_26 : vector<1024x768xf32>
    %add3A_28 = arith.addf %mul3A_25, %mul3A_27 : vector<1024x768xf32>
    %swap3A_29 = arith.constant 1 : index
    %swap3A_30 = arith.constant 0 : index
    %swap3A_31 = arith.constant 0 : index
    %swap3A_32 = arith.constant 0 : index
    %swap3A_33 = vector.load %arg5[%swap3A_29, %swap3A_30, %swap3A_31, %swap3A_32] : memref<2x1x1024x768xf32, #tpu.memory_space<vmem>>, vector<1x1x1024x768xf32>
    %swap3A_34 = vector.shape_cast %swap3A_33 : vector<1x1x1024x768xf32> to vector<1024x768xf32>
    %swap3A_35 = vector.shape_cast %add3A_28 : vector<1024x768xf32> to vector<1x1x1024x768xf32>
    tpu.vector_store %arg5[%swap3A_29, %swap3A_30, %swap3A_31, %swap3A_32], %swap3A_35 {strides = array<i32>} : memref<2x1x1024x768xf32, #tpu.memory_space<vmem>>, vector<1x1x1024x768xf32>,
    return
  }
  func.func @transform_0(%arg0: i32) -> (i32, i32) {
    %c0_i32 = arith.constant 0 : i32
    %c1_i32 = arith.constant 1 : i32
    %c0_i32_0 = arith.constant 0 : i32
    return %c0_i32, %c1_i32 : i32, i32
  }
  func.func @transform_1(%arg0: i32) -> (i32, i32, i32) {
    %c0_i32 = arith.constant 0 : i32
    %c0_i32_0 = arith.constant 0 : i32
    %c0_i32_1 = arith.constant 0 : i32
    return %c0_i32, %arg0, %c0_i32_0 : i32, i32, i32
  }
  func.func @transform_2(%arg0: i32) -> (i32, i32) {
    %c1_i32 = arith.constant 1 : i32
    %c0_i32 = arith.constant 0 : i32
    %c0_i32_0 = arith.constant 0 : i32
    return %c1_i32, %c0_i32 : i32, i32
  }
  func.func @transform_4(%arg0: i32) -> (i32, i32, i32, i32) {
    %c0_i32 = arith.constant 0 : i32
    %c1_i32 = arith.constant 1 : i32
    %c0_i32_0 = arith.constant 0 : i32
    %c0_i32_1 = arith.constant 0 : i32
    return %c0_i32, %arg0, %c1_i32, %c0_i32_0 : i32, i32, i32, i32
  }
}

</mosaic_0001>

<sc_bundles>
// kernel: kernel.6.cloned.1.call-start
scs
__scs_entry_jumppad:
0x0: {  	(pc) =	sbr.rel $0x88, $3  }
0x1: {  	(tag) =	ssettag $0x0;
	lr =	simm.s32 $0x1  }
0x2: {  	[smem:$0x3F9C] =	sst lr;
	_ =	strace $0xD0000000  }
0x3: {  	_ = 	snop  }
0x4: {  	_ = 	snop  }
0x5: {  	_ = 	snop  }
0x6: {  	_ = 	snop  }
0x7: {  	_ = 	snop  }
__scs_overlays_trampoline_lowered:
0x8: {  	[smem:$0x3FAB] =	sst s0  }
0x9: {  	[smem:$0x3FAC] =	sst s1  }
0xa: {  	[smem:$0x3FAD] =	sst s2  }
0xb: {  	[smem:$0x3FAE] =	sst s3  }
0xc: {  	[smem:$0x3FAF] =	sst s4  }
0xd: {  	[smem:$0x3FB0] =	sst s5  }
0xe: {  	[smem:$0x3FB1] =	sst s6  }
0xf: {  	[smem:$0x3FB2] =	sst s7  }
0x10: {  	[smem:$0x3FB3] =	sst s8  }
0x11: {  	[smem:$0x3FB4] =	sst s9;
	s0 =	simm.s32 @!p0 $0x0  }
0x12: {  	s1 =	sld [smem:$0x3F9A];
	s0 =	simm.s32 @p0 $0x1  }
0x13: {  	[smem:$0x3FB5] =	sst s0;
	s0 =	simm.s32 @!p1 $0x0  }
0x14: {  	s2 =	sld [smem:$0x3F99];
	s0 =	simm.s32 @p1 $0x1  }
0x15: {  	[smem:$0x3FB6] =	sst s0;
	s0 =	simm.s32 @!p2 $0x0  }
0x16: {  	s3 =	sld [smem:$0x3FDB];
	s0 =	simm.s32 @p2 $0x1  }
0x17: {  	s4 =	simm.s32 $0x1BF5;
	[smem:$0x3FB8] =	sst s0  }
0x18: {  	s0 =	sld [smem:$0x3F9B];
	_ =	swait.ge [sflag:s4], $0x0  }
0x19: {  	s7 =	sld [smem:$0x3F9C]  }
0x1a: {  	s8 =	sadd.s32 $0xFFFFE003, lr  }
0x1b: {  	s9 =	sadd.s32 $0xFFFFFEF7, lr;
	s5 =	simm.s32 $0xFFFFFFFF;
	p2 =	slt.u32 s8, $0xFFFFF086  }
0x1c: {  	p1 =	slt.u32 s9, $0xF7A;
	s5 =	simm.s32 @!p2 $0x0  }
0x1d: {  	s5 =	simm.s32 @p1 $0x1;
	p0 =	seq.s32 s7, s2  }
0x1e: {  	s7 =	smul.u32 @!p0 $0xF7A, s2;
	p2 =	seq.s32 @!p0 s5, $0x0  }
0x1f: {  	s9 =	smul.u32 $0xF7A, s1;
	s8 =	simm.s32 @!p0 $0x1BF5;
	p2 =	por !p2, p0  }
0x20: {  	[sflag:s8] =	ssyncset.s32 @!p0 $0xFFFFF086;
	s6 =	sadd.s32 @!p0 s3, s7;
	s7 =	simm.s32 @!p0 $0x108  }
0x21: {  	s3 =	sadd.s32 s3, s9;
	s6 =	sadd.s32 @!p0 $0x88, s6;
	s7 =	simm.s32 @p2 $0x1082  }
0x22: {  	[simem:s7], [sflag:s8] =	dma.local @!p0 [hbm:s6], $0xF7A  }
0x23: {  	s9 =	sor.u32 $0xD0000000, s2;
	s6 =	simm.s32 $0x108;
	_ =	swait.ge @!p0 [sflag:s8], $0x0  }
0x24: {  	s3 =	sadd.s32 $0x88, s3;
	s6 =	simm.s32 @!p1 $0x1082;
	[sflag:s4] =	ssyncset.s32 $0xFFFFF086  }
0x25: {  	[simem:s6], [sflag:s4] =	dma.local [hbm:s3], $0xF7A  }
0x26: {  	[smem:$0x3F9C] =	sst s1;
	(tag) =	ssettag s2;
	_ =	strace s9  }
0x27: {  	s1 =	sld [smem:$0x3FAC]  }
0x28: {  	s2 =	sld [smem:$0x3FAD]  }
0x29: {  	s4 =	sld [smem:$0x3FAF]  }
0x2a: {  	p0 =	seq.s32 s5, $0x0;
	s5 =	sld [smem:$0x3FB0]  }
0x2b: {  	s6 =	sld [smem:$0x3FB1]  }
0x2c: {  	s7 =	sld [smem:$0x3FB2]  }
0x2d: {  	s3 =	simm.s32 $0x108;
	s8 =	sld [smem:$0x3FB3]  }
0x2e: {  	s3 =	simm.s32 @!p0 $0x1082;
	s9 =	sld [smem:$0x3FB4]  }
0x2f: {  	lr =	sadd.s32 s0, s3;
	s0 =	sld [smem:$0x3FAB]  }
0x30: {  	s3 =	sld [smem:$0x3FAE]  }
0x31: {  	[smem:$0x3FB7] =	sst s10  }
0x32: {  	s10 =	sld [smem:$0x3FB5];
	_ =	sdelay $0x3  }
0x33: {  	p0 =	seq.s32 s10, $0x1;
	s10 =	sld [smem:$0x3FB7];
	_ =	sdelay $0x3  }
0x34: {  	[smem:$0x3FB7] =	sst s10  }
0x35: {  	s10 =	sld [smem:$0x3FB6];
	_ =	sdelay $0x3  }
0x36: {  	p1 =	seq.s32 s10, $0x1;
	s10 =	sld [smem:$0x3FB7];
	_ =	sdelay $0x3  }
0x37: {  	[smem:$0x3FB7] =	sst s10  }
0x38: {  	s10 =	sld [smem:$0x3FB8]  }
0x39: {  	_ = 	snop;
	(pc) =	sbr.ind lr, $3  }
0x3a: {  	_ = 	snop  }
0x3b: {  	_ = 	snop  }
0x3c: {  	p2 =	seq.s32 s10, $0x1;
	s10 =	sld [smem:$0x3FB7]  }
0x3d: {  	_ =	shalt  }
0x3e: {  	_ =	shalt  }
0x3f: {  	_ =	shalt  }
0x40: {  	_ =	shalt  }
0x41: {  	_ =	shalt  }
0x42: {  	_ =	shalt  }
0x43: {  	_ =	shalt  }
0x44: {  	_ =	shalt  }
0x45: {  	_ =	shalt  }
0x46: {  	_ =	shalt  }
0x47: {  	_ =	shalt  }
0x48: {  	_ =	shalt  }
0x49: {  	_ =	shalt  }
0x4a: {  	_ =	shalt  }
0x4b: {  	_ =	shalt  }
0x4c: {  	_ =	shalt  }
0x4d: {  	_ =	shalt  }
0x4e: {  	_ =	shalt  }
0x4f: {  	_ =	shalt  }
0x50: {  	_ =	shalt  }
0x51: {  	_ =	shalt  }
0x52: {  	_ =	shalt  }
0x53: {  	_ =	shalt  }
0x54: {  	_ =	shalt  }
0x55: {  	_ =	shalt  }
0x56: {  	_ =	shalt  }
0x57: {  	_ =	shalt  }
0x58: {  	_ =	shalt  }
0x59: {  	_ =	shalt  }
0x5a: {  	_ =	shalt  }
0x5b: {  	_ =	shalt  }
0x5c: {  	_ =	shalt  }
0x5d: {  	_ =	shalt  }
0x5e: {  	_ =	shalt  }
0x5f: {  	_ =	shalt  }
0x60: {  	_ =	shalt  }
0x61: {  	_ =	shalt  }
0x62: {  	_ =	shalt  }
0x63: {  	_ =	shalt  }
0x64: {  	_ =	shalt  }
0x65: {  	_ =	shalt  }
0x66: {  	_ =	shalt  }
0x67: {  	_ =	shalt  }
0x68: {  	_ =	shalt  }
0x69: {  	_ =	shalt  }
0x6a: {  	_ =	shalt  }
0x6b: {  	_ =	shalt  }
0x6c: {  	_ =	shalt  }
0x6d: {  	_ =	shalt  }
0x6e: {  	_ =	shalt  }
0x6f: {  	_ =	shalt  }
0x70: {  	_ =	shalt  }
0x71: {  	_ =	shalt  }
0x72: {  	_ =	shalt  }
0x73: {  	_ =	shalt  }
0x74: {  	_ =	shalt  }
0x75: {  	_ =	shalt  }
0x76: {  	_ =	shalt  }
0x77: {  	_ =	shalt  }
0x78: {  	_ =	shalt  }
0x79: {  	_ =	shalt  }
0x7a: {  	_ =	shalt  }
0x7b: {  	_ =	shalt  }
0x7c: {  	_ =	shalt  }
0x7d: {  	_ =	shalt  }
0x7e: {  	_ =	shalt  }
0x7f: {  	_ =	shalt  }
0x80: {  	_ =	shalt  }
0x81: {  	_ =	shalt  }
0x82: {  	_ =	shalt  }
0x83: {  	_ =	shalt  }
0x84: {  	_ =	shalt  }
0x85: {  	_ =	shalt  }
0x86: {  	_ =	shalt  }
0x87: {  	_ =	shalt  }
.Lfunc_end0:
.L_simem_size_0:
called_computation_lowered:
.L_overlay_start_0:
0x88: {  	s2 =	sld [smem:$0x3FD9]  }
0x89: {  	s3 =	sld [smem:$0x3FFE];
	_ =	sdelay $0x1  }
0x8a: {  	s1 =	srdreg.scid  }
0x8b: {  	s0 =	sand.u32 $0x1, s1  }
0x8c: {  	s17 =	sshll.u32 s0, $0xA;
	s2 =	sadd.s32 s3, s2  }
0x8d: {  	s2 =	sadd.s32 s2, s17  }
0x8e: {  	[smem:$0x3FC3] =	sst s2  }
0x8f: {  	_ = 	snop  }
0x90: {  	s2 =	sld [smem:$0x3FC7]  }
0x91: {  	s18 =	sld [smem:$0x3FC6];
	(tm) =	ssettm $0x1  }
0x92: {  	s4 =	sld [smem:$0x3FFB];
	_ =	sdelay $0x3  }
0x93: {  	_ =	strace s4  }
0x94: {  	s4 =	sld [smem:$0x3FFC];
	_ =	sdelay $0x3  }
0x95: {  	_ =	strace s4  }
0x96: {  	s4 =	sld [smem:$0x3FFD];
	_ =	sdelay $0x3  }
0x97: {  	_ =	strace s4  }
0x98: {  	_ =	strace $0x8FFFFFFF  }
0x99: {  	s19 =	sld [smem:$0x3FDB];
	_ =	sdelay $0x1  }
0x9a: {  	s5 =	simm.s32 $_scs_section_size  }
0x9b: {  	s6 =	simm.s32 $_size__tile_overlayer_lowered;
	s7 =	simm.s32 $_tile_overlayer_lowered  }
0x9c: {  	s22 =	simm.s32 $0x1BFF;
	s21 =	sshll.u32 s7, $0x1;
	s4 =	sadd.s32 s5, s19  }
0x9d: {  	s8 =	simm.s32 $0x0;
	s20 =	sshll.u32 s6, $0x1;
	s6 =	sadd.s32 s21, s4  }
0x9e: {  	[timem:s8], [sflag:s22] =	dma.local [hbm:s6], s20  }
0x9f: {  	_ =	swait.ge [sflag:s22], s20  }
0xa0: {  	s5 =	ssub.s32 $0x0, s20;
	[sflag:s22] =	ssyncset.done $0x0  }
0xa1: {  	[sflag:s22] =	ssyncadd.s32 s5;
	_ =	sdelay $0x1  }
0xa2: {  	s23 =	simm.s32 $0x1B8B  }
0xa3: {  	_ =	swait.ge [sflag:s23], $0x1  }
0xa4: {  	[sflag:s23] =	ssyncset.done $0x0  }
0xa5: {  	s25 =	simm.s32 $0x1B8E;
	s24 =	sld [smem:$0x3FFE];
	[sflag:s23] =	ssyncadd.s32 $0xFFFFFFFF  }
0xa6: {  	s26 =	simm.s32 $execute0_lowered;
	[smem:$0x3FD2] =	sst s25  }
0xa7: {  	s6 =	sshll.u32 s26, $0x1;
	_ =	strace $0x80000046;
	[dreg:$0x1] =	wrdreg $0xFFFFFFFF  }
0xa8: {  	s28 =	simm.s32 $_size_execute0_lowered;
	s4 =	sadd.s32 s4, s6;
	[dreg:$0x0] =	wrdreg $0x0  }
0xa9: {  	s6 =	sshll.u32 s28, $0x1;
	[dreg:$0x2] =	wrdreg s4  }
0xaa: {  	[dreg:$0x3] =	wrdreg s6  }
0xab: {  	[dreg:$0x4] =	wrdreg $0xC0  }
0xac: {  	_ =	task [dreg:s8], $0x5FFFF  }
0xad: {  	[dreg:$0x1] =	wrdreg $0xFFFFFFFF  }
0xae: {  	[dreg:$0x0] =	wrdreg $0x60  }
0xaf: {  	[dreg:$0x2] =	wrdreg s24  }
0xb0: {  	[dreg:$0x3] =	wrdreg s2  }
0xb1: {  	[dreg:$0x4] =	wrdreg s18  }
0xb2: {  	[dreg:$0x5] =	wrdreg $0x9  }
0xb3: {  	_ =	task.clear_ibuf [dreg:s8], $0x6FFFF;
	_ =	strace $0x90000046  }
0xb4: {  	s29 =	simm.s32 $0x9;
	_ =	strace $0x80000048  }
0xb5: {  	_ =	swait.ge [sflag:s29], $0x1  }
0xb6: {  	[sflag:s29] =	ssyncadd.s32 $0xFFFFFFFF  }
0xb7: {  	_ =	strace $0x90000048  }
0xb8: {  	_ =	sfence  }
0xb9: {  	s30 =	sld [smem:$0x0];
	_ =	sdelay $0x2  }
0xba: {  	s31 =	sshll.u32 s1, $0xD;
	s1 =	sshrl.u32 s1, $0x2  }
0xbb: {  	s3 =	sand.u32 $0x4000, s31;
	s1 =	sadd.s32 s1, s30  }
0xbc: {  	s0 =	sor.u32 s3, s0;
	s1 =	sshll.u32 s1, $0x11  }
0xbd: {  	s0 =	sor.u32 s1, s0  }
0xbe: {  	s0 =	sadd.s32 $0x8F2B, s0  }
0xbf: {  	[sflag:s0] =	ssyncadd.remote.s32 $0x1  }
0xc0: {  	_ =	sfence.sel $0xFFFF  }
0xc1: {  	[dreg:$0x0] =	wrdreg $0xFFFFFFFF;
	(pc) =	sbr.abs _section_cstart, $3  }
0xc2: {  	[dreg:$0x1] =	wrdreg $0xFFFFFFFF  }
0xc3: {  	_ =	task.clear_ibuf [dreg:s8], $0x2FFFF;
	_ =	strace $0x9FFFFFFF  }
0xc4: {  	(tm) =	ssettm $0x7FFFFFFF  }
0xc5: {  	_ =	shalt  }
tec
execute0_lowered:
.L_overlay_start_1:
0x0: {  	(tag) =	ssettag $0x1  }
0x1: {  	s0 =	srdreg.scid  }
0x2: {  	s5 =	stileid.u32;
	s0 =	sand.u32 $0x1, s0  }
0x3: {  	s3 =	sshll.u32 s5, $0x8;
	s4 =	sshll.u32 s0, $0x7  }
0x4: {  	s2 =	rddreg [dreg:$0x0];
	s14 =	sshll.u32 s5, $0x9;
	s3 =	sor.u32 s4, s3  }
0x5: {  	s4 =	sand.u32 $0x1800, s14;
	s15 =	sand.u32 $0x380, s3;
	s6 =	sshrl.u32 s3, $0x3  }
0x6: {  	s1 =	rddreg [dreg:$0x1];
	s5 =	sor.u32 s4, s15;
	s6 =	smul.u32 $0x1800, s6  }
0x7: {  	s3 =	rddreg [dreg:$0x2];
	s5 =	sshrl.u32 s5, $0x3  }
0x8: {  	s4 =	simm.s32 $0x0;
	s5 =	sadd.s32 s5, s2;
	s6 =	sshrl.u32 s6, $0x3  }
0x9: {  	[smem:$0x7FF] =	sst s4;
	s2 =	sadd.s32 s6, s2;
	s5 =	sadd.s32 $0xC00, s5  }
0xa: {  	_ =	strace $0x80000047;
	[dreg:$0x4] =	wrdreg s5;
	s16 =	sadd.s32 $0x1000, s2  }
0xb: {  	s17 =	sadd.s32 $0x61000, s2;
	[dreg:$0x5] =	wrdreg s16  }
0xc: {  	s18 =	sadd.s32 $0x1600, s2;
	[dreg:$0x6] =	wrdreg s17  }
0xd: {  	s19 =	sadd.s32 $0x61600, s2;
	[dreg:$0x7] =	wrdreg s18  }
0xe: {  	s20 =	sadd.s32 $0x1C00, s2;
	[dreg:$0x8] =	wrdreg s19  }
0xf: {  	s21 =	sadd.s32 $0x61C00, s2;
	[dreg:$0x9] =	wrdreg s20  }
0x10: {  	s11 =	simm.s32 $0x15080;
	s22 =	sadd.s32 $0x2200, s2;
	[dreg:$0xa] =	wrdreg s21  }
0x11: {  	s9 =	simm.s32 $0x5;
	s23 =	sadd.s32 $0x62200, s2;
	[dreg:$0xb] =	wrdreg s22  }
0x12: {  	s10 =	simm.s32 $0xD;
	s24 =	sadd.s32 $0x2800, s2;
	[dreg:$0xc] =	wrdreg s23  }
0x13: {  	s0 =	ssub.s32 $0x2, s0;
	s25 =	sadd.s32 $0x62800, s2;
	[dreg:$0xd] =	wrdreg s24  }
0x14: {  	s29 =	sshrl.u32 s0, $0x1;
	s26 =	sadd.s32 $0x2E00, s2;
	[dreg:$0xe] =	wrdreg s25  }
0x15: {  	s0 =	ssub.s32 s0, s29;
	s28 =	sadd.s32 $0x62E00, s2;
	[dreg:$0xf] =	wrdreg s26  }
0x16: {  	s8 =	sadd.s32 $0x200, s3;
	s30 =	sadd.s32 $0x3400, s2;
	[dreg:$0x10] =	wrdreg s28  }
0x17: {  	s6 =	sadd.s32 $0x200, s1;
	s31 =	sadd.s32 $0x63400, s2;
	[dreg:$0x11] =	wrdreg s30  }
0x18: {  	s5 =	sadd.s32 $0x100, s1;
	s7 =	sadd.s32 $0x3A00, s2;
	[dreg:$0x12] =	wrdreg s31  }
0x19: {  	v2 =	vlaneseq.u32;
	s2 =	sadd.s32 $0x63A00, s2;
	[dreg:$0x13] =	wrdreg s7;
	s7 =	sadd.s32 $0x100, s3  }
0x1a: {  	vm0 =	vmmov $0xffff;
	v1 =	vshrl.u32 v2, $0x3;
	[dreg:$0x14] =	wrdreg s2;
	s22 =	smax.u32 s0, $0x1;
	s20 =	simm.s32 $0x6080  }
0x1b: {  	v0 =	vand.u32 $0x7, v2;
	v2 =	vor.u32 $0x8, v2;
	v1 =	vmul.u32 $0x8, v1;
	s19 =	simm.s32 $0x12080;
	s16 =	simm.s32 $0x9080;
	s2 =	simm.s32 $0x9  }
.LBB2_1:
0x1c: {  	s17 =	rddreg [dreg:$0x4];
	s15 =	simm.s32 $0x11  }
0x1d: {  	[tilespmem:s4], [sflag:$0x11] =	stream.linear.gather [hbm4b:s17+s4], $0x80, $0x38;
	[tilespmem:$0x18080] =	vst v63  }
0x1e: {  	_ =	swait.ge [sflag:s15], $0x80  }
0x1f: {  	[sflag:s15] =	ssyncset.done $0x0  }
0x20: {  	[sflag:s15] =	ssyncadd.s32 $0xFFFFFF80  }
0x21: {  	v3 =	vld [tilespmem:$0x0];
	_ =	sdelay $0x4  }
0x22: {  	v4 =	vshrl.u32 v3, $0x3  }
0x23: {  	v4 =	vmul.u32 $0x30, v4  }
0x24: {  	v3 =	vand.u32 $0x7, v3  }
0x25: {  	v3 =	vor.u32 v3, v4  }
0x26: {  	v4 =	vperm.xlane v3, v0;
	_ =	sdelay $0x1  }
0x27: {  	v4 =	vadd.s32 v1, v4;
	_ =	sdelay $0x3  }
0x28: {  	s0 =	simm.s32 $0x80;
	v3 =	vperm.xlane v3, v2  }
0x29: {  	[tilespmem:s0], [sflag:$0x1] =	stream.indirect_vreg.gather [hbm4b:s1+s4], $0x80, v4, vm0, $0xb8;
	[tilespmem:$0x18080] =	vst v63  }
0x2a: {  	s14 =	simm.s32 $0x880;
	v3 =	vadd.s32 v1, v3  }
0x2b: {  	[tilespmem:s14], [sflag:$0x1] =	stream.indirect_vreg.gather [hbm4b:s5+s4], $0x80, v4, vm0, $0xb8;
	[tilespmem:$0x18080] =	vst v63  }
0x2c: {  	s21 =	simm.s32 $0x1080  }
0x2d: {  	[tilespmem:s21], [sflag:$0x1] =	stream.indirect_vreg.gather [hbm4b:s6+s4], $0x80, v4, vm0, $0xb8;
	[tilespmem:$0x18080] =	vst v63  }
0x2e: {  	s29 =	simm.s32 $0x1880  }
0x2f: {  	[tilespmem:s29], [sflag:$0x1] =	stream.indirect_vreg.gather [hbm4b:s1+s4], $0x80, v3, vm0, $0xb8;
	[tilespmem:$0x18080] =	vst v63  }
0x30: {  	s15 =	simm.s32 $0x2080  }
0x31: {  	[tilespmem:s15], [sflag:$0x1] =	stream.indirect_vreg.gather [hbm4b:s5+s4], $0x80, v3, vm0, $0xb8;
	[tilespmem:$0x18080] =	vst v63  }
0x32: {  	s24 =	simm.s32 $0x2880  }
0x33: {  	[tilespmem:s24], [sflag:$0x1] =	stream.indirect_vreg.gather [hbm4b:s6+s4], $0x80, v3, vm0, $0xb8;
	[tilespmem:$0x18080] =	vst v63  }
0x34: {  	v3 =	vld [tilespmem:$0x0];
	_ =	sdelay $0x4  }
0x35: {  	v49 =	vshrl.u32 v3, $0x3  }
0x36: {  	v4 =	vmul.u32 $0x30, v49  }
0x37: {  	v3 =	vand.u32 $0x7, v3  }
0x38: {  	v3 =	vor.u32 v3, v4  }
0x39: {  	v4 =	vperm.xlane v3, v0;
	_ =	sdelay $0x1  }
0x3a: {  	v4 =	vadd.s32 v1, v4;
	_ =	sdelay $0x3  }
0x3b: {  	s17 =	simm.s32 $0xC080;
	v3 =	vperm.xlane v3, v2  }
0x3c: {  	[tilespmem:s17], [sflag:$0x5] =	stream.indirect_vreg.gather [hbm4b:s3+s4], $0x80, v4, vm0, $0xb8;
	[tilespmem:$0x18080] =	vst v63  }
0x3d: {  	s26 =	simm.s32 $0xC880;
	v3 =	vadd.s32 v1, v3  }
0x3e: {  	[tilespmem:s26], [sflag:$0x5] =	stream.indirect_vreg.gather [hbm4b:s7+s4], $0x80, v4, vm0, $0xb8;
	[tilespmem:$0x18080] =	vst v63  }
0x3f: {  	s28 =	simm.s32 $0xD080  }
0x40: {  	[tilespmem:s28], [sflag:$0x5] =	stream.indirect_vreg.gather [hbm4b:s8+s4], $0x80, v4, vm0, $0xb8;
	[tilespmem:$0x18080] =	vst v63  }
0x41: {  	s31 =	simm.s32 $0xD880  }
0x42: {  	[tilespmem:s31], [sflag:$0x5] =	stream.indirect_vreg.gather [hbm4b:s3+s4], $0x80, v3, vm0, $0xb8;
	[tilespmem:$0x18080] =	vst v63  }
0x43: {  	s13 =	simm.s32 $0xE080  }
0x44: {  	[tilespmem:s13], [sflag:$0x5] =	stream.indirect_vreg.gather [hbm4b:s7+s4], $0x80, v3, vm0, $0xb8;
	[tilespmem:$0x18080] =	vst v63  }
0x45: {  	s12 =	simm.s32 $0xE880  }
0x46: {  	[tilespmem:s12], [sflag:$0x5] =	stream.indirect_vreg.gather [hbm4b:s8+s4], $0x80, v3, vm0, $0xb8;
	[tilespmem:$0x18080] =	vst v63  }
0x47: {  	v3 =	vld [tilespmem:$0x10];
	_ =	sdelay $0x4  }
0x48: {  	v50 =	vshrl.u32 v3, $0x3  }
0x49: {  	v4 =	vmul.u32 $0x30, v50  }
0x4a: {  	v3 =	vand.u32 $0x7, v3  }
0x4b: {  	v3 =	vor.u32 v3, v4  }
0x4c: {  	v4 =	vperm.xlane v3, v0;
	_ =	sdelay $0x1  }
0x4d: {  	v4 =	vadd.s32 v1, v4;
	_ =	sdelay $0x3  }
0x4e: {  	s18 =	simm.s32 $0x3080;
	v3 =	vperm.xlane v3, v2  }
0x4f: {  	[tilespmem:s18], [sflag:$0x2] =	stream.indirect_vreg.gather [hbm4b:s1+s4], $0x80, v4, vm0, $0xb8;
	[tilespmem:$0x18080] =	vst v63  }
0x50: {  	s23 =	simm.s32 $0x3880;
	v3 =	vadd.s32 v1, v3  }
0x51: {  	[tilespmem:s23], [sflag:$0x2] =	stream.indirect_vreg.gather [hbm4b:s5+s4], $0x80, v4, vm0, $0xb8;
	[tilespmem:$0x18080] =	vst v63  }
0x52: {  	s25 =	simm.s32 $0x4080  }
0x53: {  	[tilespmem:s25], [sflag:$0x2] =	stream.indirect_vreg.gather [hbm4b:s6+s4], $0x80, v4, vm0, $0xb8;
	[tilespmem:$0x18080] =	vst v63  }
0x54: {  	s30 =	simm.s32 $0x4880  }
0x55: {  	[tilespmem:s30], [sflag:$0x2] =	stream.indirect_vreg.gather [hbm4b:s1+s4], $0x80, v3, vm0, $0xb8;
	[tilespmem:$0x18080] =	vst v63  }
0x56: {  	s17 =	simm.s32 $0x5080  }
0x57: {  	[tilespmem:s17], [sflag:$0x2] =	stream.indirect_vreg.gather [hbm4b:s5+s4], $0x80, v3, vm0, $0xb8;
	[tilespmem:$0x18080] =	vst v63  }
0x58: {  	s18 =	simm.s32 $0x5880  }
0x59: {  	[tilespmem:s18], [sflag:$0x2] =	stream.indirect_vreg.gather [hbm4b:s6+s4], $0x80, v3, vm0, $0xb8;
	[tilespmem:$0x18080] =	vst v63  }
0x5a: {  	v3 =	vld [tilespmem:$0x10];
	_ =	sdelay $0x4  }
0x5b: {  	v51 =	vshrl.u32 v3, $0x3  }
0x5c: {  	v4 =	vmul.u32 $0x30, v51  }
0x5d: {  	v3 =	vand.u32 $0x7, v3  }
0x5e: {  	v3 =	vor.u32 v3, v4  }
0x5f: {  	v4 =	vperm.xlane v3, v0;
	_ =	sdelay $0x1  }
0x60: {  	v4 =	vadd.s32 v1, v4;
	_ =	sdelay $0x3  }
0x61: {  	s23 =	simm.s32 $0xF080;
	v3 =	vperm.xlane v3, v2  }
0x62: {  	[tilespmem:s23], [sflag:$0x6] =	stream.indirect_vreg.gather [hbm4b:s3+s4], $0x80, v4, vm0, $0xb8;
	[tilespmem:$0x18080] =	vst v63  }
0x63: {  	s25 =	simm.s32 $0xF880;
	v3 =	vadd.s32 v1, v3  }
0x64: {  	[tilespmem:s25], [sflag:$0x6] =	stream.indirect_vreg.gather [hbm4b:s7+s4], $0x80, v4, vm0, $0xb8;
	[tilespmem:$0x18080] =	vst v63  }
0x65: {  	s30 =	simm.s32 $0x10080  }
0x66: {  	[tilespmem:s30], [sflag:$0x6] =	stream.indirect_vreg.gather [hbm4b:s8+s4], $0x80, v4, vm0, $0xb8;
	[tilespmem:$0x18080] =	vst v63  }
0x67: {  	s17 =	simm.s32 $0x10880  }
0x68: {  	[tilespmem:s17], [sflag:$0x6] =	stream.indirect_vreg.gather [hbm4b:s3+s4], $0x80, v3, vm0, $0xb8;
	[tilespmem:$0x18080] =	vst v63  }
0x69: {  	s25 =	simm.s32 $0x11080  }
0x6a: {  	[tilespmem:s25], [sflag:$0x6] =	stream.indirect_vreg.gather [hbm4b:s7+s4], $0x80, v3, vm0, $0xb8;
	[tilespmem:$0x18080] =	vst v63  }
0x6b: {  	s30 =	simm.s32 $0x11880  }
0x6c: {  	[tilespmem:s30], [sflag:$0x6] =	stream.indirect_vreg.gather [hbm4b:s8+s4], $0x80, v3, vm0, $0xb8;
	[tilespmem:$0x18080] =	vst v63  }
0x6d: {  	v3 =	vld [tilespmem:$0x20];
	_ =	sdelay $0x4  }
0x6e: {  	v52 =	vshrl.u32 v3, $0x3  }
0x6f: {  	v4 =	vmul.u32 $0x30, v52  }
0x70: {  	v3 =	vand.u32 $0x7, v3  }
0x71: {  	v3 =	vor.u32 v3, v4  }
0x72: {  	v4 =	vperm.xlane v3, v0;
	_ =	sdelay $0x1  }
0x73: {  	v4 =	vadd.s32 v1, v4;
	_ =	sdelay $0x3  }
0x74: {  	v3 =	vperm.xlane v3, v2  }
0x75: {  	[tilespmem:s20], [sflag:$0x3] =	stream.indirect_vreg.gather [hbm4b:s1+s4], $0x80, v4, vm0, $0xb8;
	[tilespmem:$0x18080] =	vst v63  }
0x76: {  	s18 =	simm.s32 $0x6880;
	v3 =	vadd.s32 v1, v3  }
0x77: {  	[tilespmem:s18], [sflag:$0x3] =	stream.indirect_vreg.gather [hbm4b:s5+s4], $0x80, v4, vm0, $0xb8;
	[tilespmem:$0x18080] =	vst v63  }
0x78: {  	s23 =	simm.s32 $0x7080  }
0x79: {  	[tilespmem:s23], [sflag:$0x3] =	stream.indirect_vreg.gather [hbm4b:s6+s4], $0x80, v4, vm0, $0xb8;
	[tilespmem:$0x18080] =	vst v63  }
0x7a: {  	s17 =	simm.s32 $0x7880  }
0x7b: {  	[tilespmem:s17], [sflag:$0x3] =	stream.indirect_vreg.gather [hbm4b:s1+s4], $0x80, v3, vm0, $0xb8;
	[tilespmem:$0x18080] =	vst v63  }
0x7c: {  	s18 =	simm.s32 $0x8080  }
0x7d: {  	[tilespmem:s18], [sflag:$0x3] =	stream.indirect_vreg.gather [hbm4b:s5+s4], $0x80, v3, vm0, $0xb8;
	[tilespmem:$0x18080] =	vst v63  }
0x7e: {  	s23 =	simm.s32 $0x8880  }
0x7f: {  	[tilespmem:s23], [sflag:$0x3] =	stream.indirect_vreg.gather [hbm4b:s6+s4], $0x80, v3, vm0, $0xb8;
	[tilespmem:$0x18080] =	vst v63  }
0x80: {  	v3 =	vld [tilespmem:$0x20];
	_ =	sdelay $0x4  }
0x81: {  	v53 =	vshrl.u32 v3, $0x3  }
0x82: {  	v4 =	vmul.u32 $0x30, v53  }
0x83: {  	v3 =	vand.u32 $0x7, v3  }
0x84: {  	v3 =	vor.u32 v3, v4  }
0x85: {  	v4 =	vperm.xlane v3, v0;
	_ =	sdelay $0x1  }
0x86: {  	v4 =	vadd.s32 v1, v4;
	_ =	sdelay $0x3  }
0x87: {  	v3 =	vperm.xlane v3, v2  }
0x88: {  	[tilespmem:s19], [sflag:$0x7] =	stream.indirect_vreg.gather [hbm4b:s3+s4], $0x80, v4, vm0, $0xb8;
	[tilespmem:$0x18080] =	vst v63  }
0x89: {  	s17 =	simm.s32 $0x12880;
	v3 =	vadd.s32 v1, v3  }
0x8a: {  	[tilespmem:s17], [sflag:$0x7] =	stream.indirect_vreg.gather [hbm4b:s7+s4], $0x80, v4, vm0, $0xb8;
	[tilespmem:$0x18080] =	vst v63  }
0x8b: {  	s18 =	simm.s32 $0x13080  }
0x8c: {  	[tilespmem:s18], [sflag:$0x7] =	stream.indirect_vreg.gather [hbm4b:s8+s4], $0x80, v4, vm0, $0xb8;
	[tilespmem:$0x18080] =	vst v63  }
0x8d: {  	s23 =	simm.s32 $0x13880  }
0x8e: {  	[tilespmem:s23], [sflag:$0x7] =	stream.indirect_vreg.gather [hbm4b:s3+s4], $0x80, v3, vm0, $0xb8;
	[tilespmem:$0x18080] =	vst v63  }
0x8f: {  	s17 =	simm.s32 $0x14080  }
0x90: {  	[tilespmem:s17], [sflag:$0x7] =	stream.indirect_vreg.gather [hbm4b:s7+s4], $0x80, v3, vm0, $0xb8;
	[tilespmem:$0x18080] =	vst v63  }
0x91: {  	s18 =	simm.s32 $0x14880  }
0x92: {  	[tilespmem:s18], [sflag:$0x7] =	stream.indirect_vreg.gather [hbm4b:s8+s4], $0x80, v3, vm0, $0xb8;
	[tilespmem:$0x18080] =	vst v63  }
0x93: {  	v3 =	vld [tilespmem:$0x30];
	_ =	sdelay $0x4  }
0x94: {  	v54 =	vshrl.u32 v3, $0x3  }
0x95: {  	v4 =	vmul.u32 $0x30, v54  }
0x96: {  	v3 =	vand.u32 $0x7, v3  }
0x97: {  	v3 =	vor.u32 v3, v4  }
0x98: {  	v4 =	vperm.xlane v3, v0;
	_ =	sdelay $0x1  }
0x99: {  	v4 =	vadd.s32 v1, v4;
	_ =	sdelay $0x3  }
0x9a: {  	v3 =	vperm.xlane v3, v2  }
0x9b: {  	[tilespmem:s16], [sflag:$0x4] =	stream.indirect_vreg.gather [hbm4b:s1+s4], $0x80, v4, vm0, $0xb8;
	[tilespmem:$0x18080] =	vst v63  }
0x9c: {  	s23 =	simm.s32 $0x9880;
	v3 =	vadd.s32 v1, v3  }
0x9d: {  	[tilespmem:s23], [sflag:$0x4] =	stream.indirect_vreg.gather [hbm4b:s5+s4], $0x80, v4, vm0, $0xb8;
	[tilespmem:$0x18080] =	vst v63  }
0x9e: {  	s17 =	simm.s32 $0xA080  }
0x9f: {  	[tilespmem:s17], [sflag:$0x4] =	stream.indirect_vreg.gather [hbm4b:s6+s4], $0x80, v4, vm0, $0xb8;
	[tilespmem:$0x18080] =	vst v63  }
0xa0: {  	s18 =	simm.s32 $0xA880  }
0xa1: {  	[tilespmem:s18], [sflag:$0x4] =	stream.indirect_vreg.gather [hbm4b:s1+s4], $0x80, v3, vm0, $0xb8;
	[tilespmem:$0x18080] =	vst v63  }
0xa2: {  	s23 =	simm.s32 $0xB080  }
0xa3: {  	[tilespmem:s23], [sflag:$0x4] =	stream.indirect_vreg.gather [hbm4b:s5+s4], $0x80, v3, vm0, $0xb8;
	[tilespmem:$0x18080] =	vst v63  }
0xa4: {  	s17 =	simm.s32 $0xB880  }
0xa5: {  	[tilespmem:s17], [sflag:$0x4] =	stream.indirect_vreg.gather [hbm4b:s6+s4], $0x80, v3, vm0, $0xb8;
	[tilespmem:$0x18080] =	vst v63  }
0xa6: {  	v3 =	vld [tilespmem:$0x30];
	_ =	sdelay $0x4  }
0xa7: {  	v55 =	vshrl.u32 v3, $0x3  }
0xa8: {  	v4 =	vmul.u32 $0x30, v55  }
0xa9: {  	v3 =	vand.u32 $0x7, v3  }
0xaa: {  	v3 =	vor.u32 v3, v4  }
0xab: {  	v4 =	vperm.xlane v3, v0;
	_ =	sdelay $0x1  }
0xac: {  	v4 =	vadd.s32 v1, v4;
	_ =	sdelay $0x3  }
0xad: {  	v3 =	vperm.xlane v3, v2  }
0xae: {  	[tilespmem:s11], [sflag:$0x8] =	stream.indirect_vreg.gather [hbm4b:s3+s4], $0x80, v4, vm0, $0xb8;
	[tilespmem:$0x18080] =	vst v63  }
0xaf: {  	s18 =	simm.s32 $0x15880;
	v3 =	vadd.s32 v1, v3  }
0xb0: {  	[tilespmem:s18], [sflag:$0x8] =	stream.indirect_vreg.gather [hbm4b:s7+s4], $0x80, v4, vm0, $0xb8;
	[tilespmem:$0x18080] =	vst v63  }
0xb1: {  	s23 =	simm.s32 $0x16080  }
0xb2: {  	[tilespmem:s23], [sflag:$0x8] =	stream.indirect_vreg.gather [hbm4b:s8+s4], $0x80, v4, vm0, $0xb8;
	[tilespmem:$0x18080] =	vst v63  }
0xb3: {  	s17 =	simm.s32 $0x16880  }
0xb4: {  	[tilespmem:s17], [sflag:$0x8] =	stream.indirect_vreg.gather [hbm4b:s3+s4], $0x80, v3, vm0, $0xb8;
	[tilespmem:$0x18080] =	vst v63  }
0xb5: {  	s18 =	simm.s32 $0x17080  }
0xb6: {  	[tilespmem:s18], [sflag:$0x8] =	stream.indirect_vreg.gather [hbm4b:s7+s4], $0x80, v3, vm0, $0xb8;
	[tilespmem:$0x18080] =	vst v63  }
0xb7: {  	s0 =	simm.s32 $0x1;
	s23 =	simm.s32 $0x17880  }
0xb8: {  	[tilespmem:s23], [sflag:$0x8] =	stream.indirect_vreg.gather [hbm4b:s8+s4], $0x80, v3, vm0, $0xb8;
	[tilespmem:$0x18080] =	vst v63  }
0xb9: {  	_ =	swait.ge [sflag:s0], $0x3000  }
0xba: {  	[sflag:s0] =	ssyncset.done $0x0  }
0xbb: {  	[sflag:s0] =	ssyncadd.s32 $0xFFFFD000  }
0xbc: {  	_ =	swait.ge [sflag:s9], $0x3000  }
0xbd: {  	[sflag:s9] =	ssyncset.done $0x0  }
0xbe: {  	s18 =	simm.s32 $0x80;
	s17 =	rddreg [dreg:$0x5];
	[sflag:s9] =	ssyncadd.s32 $0xFFFFD000  }
0xbf: {  	[hbm4b:s17+s4] =	stream.linear.scatter [tilespmem:s18], [sflag:$0x9], $0x3000, $0x38;
	[tilespmem:$0x18080] =	vst v63  }
0xc0: {  	s23 =	rddreg [dreg:$0x6];
	s17 =	simm.s32 $0xC080  }
0xc1: {  	[hbm4b:s23+s4] =	stream.linear.scatter [tilespmem:s17], [sflag:$0xD], $0x3000, $0x38;
	[tilespmem:$0x18080] =	vst v63  }
0xc2: {  	_ =	swait.ge [sflag:s2], $0x3000  }
0xc3: {  	[sflag:s2] =	ssyncset.done $0x0  }
0xc4: {  	[sflag:s2] =	ssyncadd.s32 $0xFFFFD000  }
0xc5: {  	_ =	swait.ge [sflag:s10], $0x3000  }
0xc6: {  	[sflag:s10] =	ssyncset.done $0x0  }
0xc7: {  	[sflag:s10] =	ssyncadd.s32 $0xFFFFD000  }
0xc8: {  	v3 =	vld [tilespmem:$0x40];
	_ =	sdelay $0x4  }
0xc9: {  	v56 =	vshrl.u32 v3, $0x3  }
0xca: {  	v4 =	vmul.u32 $0x30, v56  }
0xcb: {  	v3 =	vand.u32 $0x7, v3  }
0xcc: {  	v3 =	vor.u32 v3, v4  }
0xcd: {  	v4 =	vperm.xlane v3, v0;
	_ =	sdelay $0x1  }
0xce: {  	v4 =	vadd.s32 v1, v4;
	_ =	sdelay $0x3  }
0xcf: {  	v3 =	vperm.xlane v3, v2  }
0xd0: {  	[tilespmem:s18], [sflag:$0x1] =	stream.indirect_vreg.gather [hbm4b:s1+s4], $0x80, v4, vm0, $0xb8;
	[tilespmem:$0x18080] =	vst v63  }
0xd1: {  	v3 =	vadd.s32 v1, v3  }
0xd2: {  	[tilespmem:s14], [sflag:$0x1] =	stream.indirect_vreg.gather [hbm4b:s5+s4], $0x80, v4, vm0, $0xb8;
	[tilespmem:$0x18080] =	vst v63  }
0xd3: {  	_ = 	snop  }
0xd4: {  	[tilespmem:s21], [sflag:$0x1] =	stream.indirect_vreg.gather [hbm4b:s6+s4], $0x80, v4, vm0, $0xb8;
	[tilespmem:$0x18080] =	vst v63  }
0xd5: {  	_ = 	snop  }
0xd6: {  	[tilespmem:s29], [sflag:$0x1] =	stream.indirect_vreg.gather [hbm4b:s1+s4], $0x80, v3, vm0, $0xb8;
	[tilespmem:$0x18080] =	vst v63  }
0xd7: {  	_ = 	snop  }
0xd8: {  	[tilespmem:s15], [sflag:$0x1] =	stream.indirect_vreg.gather [hbm4b:s5+s4], $0x80, v3, vm0, $0xb8;
	[tilespmem:$0x18080] =	vst v63  }
0xd9: {  	_ = 	snop  }
0xda: {  	[tilespmem:s24], [sflag:$0x1] =	stream.indirect_vreg.gather [hbm4b:s6+s4], $0x80, v3, vm0, $0xb8;
	[tilespmem:$0x18080] =	vst v63  }
0xdb: {  	v3 =	vld [tilespmem:$0x40];
	_ =	sdelay $0x4  }
0xdc: {  	v57 =	vshrl.u32 v3, $0x3  }
0xdd: {  	v4 =	vmul.u32 $0x30, v57  }
0xde: {  	v3 =	vand.u32 $0x7, v3  }
0xdf: {  	v3 =	vor.u32 v3, v4  }
0xe0: {  	v4 =	vperm.xlane v3, v0;
	_ =	sdelay $0x1  }
0xe1: {  	v4 =	vadd.s32 v1, v4;
	_ =	sdelay $0x3  }
0xe2: {  	v3 =	vperm.xlane v3, v2  }
0xe3: {  	[tilespmem:s17], [sflag:$0x5] =	stream.indirect_vreg.gather [hbm4b:s3+s4], $0x80, v4, vm0, $0xb8;
	[tilespmem:$0x18080] =	vst v63  }
0xe4: {  	v3 =	vadd.s32 v1, v3  }
0xe5: {  	[tilespmem:s26], [sflag:$0x5] =	stream.indirect_vreg.gather [hbm4b:s7+s4], $0x80, v4, vm0, $0xb8;
	[tilespmem:$0x18080] =	vst v63  }
0xe6: {  	_ = 	snop  }
0xe7: {  	[tilespmem:s28], [sflag:$0x5] =	stream.indirect_vreg.gather [hbm4b:s8+s4], $0x80, v4, vm0, $0xb8;
	[tilespmem:$0x18080] =	vst v63  }
0xe8: {  	_ = 	snop  }
0xe9: {  	[tilespmem:s31], [sflag:$0x5] =	stream.indirect_vreg.gather [hbm4b:s3+s4], $0x80, v3, vm0, $0xb8;
	[tilespmem:$0x18080] =	vst v63  }
0xea: {  	_ = 	snop  }
0xeb: {  	[tilespmem:s13], [sflag:$0x5] =	stream.indirect_vreg.gather [hbm4b:s7+s4], $0x80, v3, vm0, $0xb8;
	[tilespmem:$0x18080] =	vst v63  }
0xec: {  	_ = 	snop  }
0xed: {  	[tilespmem:s12], [sflag:$0x5] =	stream.indirect_vreg.gather [hbm4b:s8+s4], $0x80, v3, vm0, $0xb8;
	[tilespmem:$0x18080] =	vst v63  }
0xee: {  	s12 =	simm.s32 $0x2  }
0xef: {  	_ =	swait.ge [sflag:s12], $0x3000  }
0xf0: {  	[sflag:s12] =	ssyncset.done $0x0  }
0xf1: {  	s13 =	simm.s32 $0x6;
	[sflag:s12] =	ssyncadd.s32 $0xFFFFD000  }
0xf2: {  	_ =	swait.ge [sflag:s13], $0x3000  }
0xf3: {  	[sflag:s13] =	ssyncset.done $0x0  }
0xf4: {  	s21 =	simm.s32 $0x3080;
	s15 =	rddreg [dreg:$0x7];
	[sflag:s13] =	ssyncadd.s32 $0xFFFFD000  }
0xf5: {  	[hbm4b:s15+s4] =	stream.linear.scatter [tilespmem:s21], [sflag:$0xA], $0x3000, $0x38;
	[tilespmem:$0x18080] =	vst v63  }
0xf6: {  	s14 =	simm.s32 $0xA;
	s24 =	simm.s32 $0xF080;
	s18 =	rddreg [dreg:$0x8]  }
0xf7: {  	[hbm4b:s18+s4] =	stream.linear.scatter [tilespmem:s24], [sflag:$0xE], $0x3000, $0x38;
	[tilespmem:$0x18080] =	vst v63  }
0xf8: {  	_ =	swait.ge [sflag:s14], $0x3000  }
0xf9: {  	[sflag:s14] =	ssyncset.done $0x0  }
0xfa: {  	s15 =	simm.s32 $0xE;
	[sflag:s14] =	ssyncadd.s32 $0xFFFFD000  }
0xfb: {  	_ =	swait.ge [sflag:s15], $0x3000  }
0xfc: {  	[sflag:s15] =	ssyncset.done $0x0  }
0xfd: {  	[sflag:s15] =	ssyncadd.s32 $0xFFFFD000  }
0xfe: {  	v3 =	vld [tilespmem:$0x50];
	_ =	sdelay $0x4  }
0xff: {  	v58 =	vshrl.u32 v3, $0x3  }
0x100: {  	v4 =	vmul.u32 $0x30, v58  }
0x101: {  	v3 =	vand.u32 $0x7, v3  }
0x102: {  	v3 =	vor.u32 v3, v4  }
0x103: {  	v4 =	vperm.xlane v3, v0;
	_ =	sdelay $0x1  }
0x104: {  	v4 =	vadd.s32 v1, v4;
	_ =	sdelay $0x3  }
0x105: {  	v3 =	vperm.xlane v3, v2  }
0x106: {  	[tilespmem:s21], [sflag:$0x2] =	stream.indirect_vreg.gather [hbm4b:s1+s4], $0x80, v4, vm0, $0xb8;
	[tilespmem:$0x18080] =	vst v63  }
0x107: {  	s26 =	simm.s32 $0x3880;
	v3 =	vadd.s32 v1, v3  }
0x108: {  	[tilespmem:s26], [sflag:$0x2] =	stream.indirect_vreg.gather [hbm4b:s5+s4], $0x80, v4, vm0, $0xb8;
	[tilespmem:$0x18080] =	vst v63  }
0x109: {  	s28 =	simm.s32 $0x4080  }
0x10a: {  	[tilespmem:s28], [sflag:$0x2] =	stream.indirect_vreg.gather [hbm4b:s6+s4], $0x80, v4, vm0, $0xb8;
	[tilespmem:$0x18080] =	vst v63  }
0x10b: {  	s29 =	simm.s32 $0x4880  }
0x10c: {  	[tilespmem:s29], [sflag:$0x2] =	stream.indirect_vreg.gather [hbm4b:s1+s4], $0x80, v3, vm0, $0xb8;
	[tilespmem:$0x18080] =	vst v63  }
0x10d: {  	s31 =	simm.s32 $0x5080  }
0x10e: {  	[tilespmem:s31], [sflag:$0x2] =	stream.indirect_vreg.gather [hbm4b:s5+s4], $0x80, v3, vm0, $0xb8;
	[tilespmem:$0x18080] =	vst v63  }
0x10f: {  	s21 =	simm.s32 $0x5880  }
0x110: {  	[tilespmem:s21], [sflag:$0x2] =	stream.indirect_vreg.gather [hbm4b:s6+s4], $0x80, v3, vm0, $0xb8;
	[tilespmem:$0x18080] =	vst v63  }
0x111: {  	v3 =	vld [tilespmem:$0x50];
	_ =	sdelay $0x4  }
0x112: {  	v59 =	vshrl.u32 v3, $0x3  }
0x113: {  	v4 =	vmul.u32 $0x30, v59  }
0x114: {  	v3 =	vand.u32 $0x7, v3  }
0x115: {  	v3 =	vor.u32 v3, v4  }
0x116: {  	v4 =	vperm.xlane v3, v0;
	_ =	sdelay $0x1  }
0x117: {  	v4 =	vadd.s32 v1, v4;
	_ =	sdelay $0x3  }
0x118: {  	v3 =	vperm.xlane v3, v2  }
0x119: {  	[tilespmem:s24], [sflag:$0x6] =	stream.indirect_vreg.gather [hbm4b:s3+s4], $0x80, v4, vm0, $0xb8;
	[tilespmem:$0x18080] =	vst v63  }
0x11a: {  	s23 =	simm.s32 $0xF880;
	v3 =	vadd.s32 v1, v3  }
0x11b: {  	[tilespmem:s23], [sflag:$0x6] =	stream.indirect_vreg.gather [hbm4b:s7+s4], $0x80, v4, vm0, $0xb8;
	[tilespmem:$0x18080] =	vst v63  }
0x11c: {  	s24 =	simm.s32 $0x10080  }
0x11d: {  	[tilespmem:s24], [sflag:$0x6] =	stream.indirect_vreg.gather [hbm4b:s8+s4], $0x80, v4, vm0, $0xb8;
	[tilespmem:$0x18080] =	vst v63  }
0x11e: {  	s26 =	simm.s32 $0x10880  }
0x11f: {  	[tilespmem:s26], [sflag:$0x6] =	stream.indirect_vreg.gather [hbm4b:s3+s4], $0x80, v3, vm0, $0xb8;
	[tilespmem:$0x18080] =	vst v63  }
0x120: {  	_ = 	snop  }
0x121: {  	[tilespmem:s25], [sflag:$0x6] =	stream.indirect_vreg.gather [hbm4b:s7+s4], $0x80, v3, vm0, $0xb8;
	[tilespmem:$0x18080] =	vst v63  }
0x122: {  	s21 =	simm.s32 $0x3  }
0x123: {  	[tilespmem:s30], [sflag:$0x6] =	stream.indirect_vreg.gather [hbm4b:s8+s4], $0x80, v3, vm0, $0xb8;
	[tilespmem:$0x18080] =	vst v63  }
0x124: {  	_ =	swait.ge [sflag:s21], $0x3000  }
0x125: {  	[sflag:s21] =	ssyncset.done $0x0  }
0x126: {  	s24 =	simm.s32 $0x7;
	[sflag:s21] =	ssyncadd.s32 $0xFFFFD000  }
0x127: {  	_ =	swait.ge [sflag:s24], $0x3000  }
0x128: {  	[sflag:s24] =	ssyncset.done $0x0  }
0x129: {  	s28 =	rddreg [dreg:$0x9];
	[sflag:s24] =	ssyncadd.s32 $0xFFFFD000  }
0x12a: {  	[hbm4b:s28+s4] =	stream.linear.scatter [tilespmem:s20], [sflag:$0xB], $0x3000, $0x38;
	[tilespmem:$0x18080] =	vst v63  }
0x12b: {  	s25 =	simm.s32 $0xB;
	s29 =	rddreg [dreg:$0xa]  }
0x12c: {  	[hbm4b:s29+s4] =	stream.linear.scatter [tilespmem:s19], [sflag:$0xF], $0x3000, $0x38;
	[tilespmem:$0x18080] =	vst v63  }
0x12d: {  	_ =	swait.ge [sflag:s25], $0x3000  }
0x12e: {  	[sflag:s25] =	ssyncset.done $0x0  }
0x12f: {  	s26 =	simm.s32 $0xF;
	[sflag:s25] =	ssyncadd.s32 $0xFFFFD000  }
0x130: {  	_ =	swait.ge [sflag:s26], $0x3000  }
0x131: {  	[sflag:s26] =	ssyncset.done $0x0  }
0x132: {  	[sflag:s26] =	ssyncadd.s32 $0xFFFFD000  }
0x133: {  	v3 =	vld [tilespmem:$0x60];
	_ =	sdelay $0x4  }
0x134: {  	v60 =	vshrl.u32 v3, $0x3  }
0x135: {  	v4 =	vmul.u32 $0x30, v60  }
0x136: {  	v3 =	vand.u32 $0x7, v3  }
0x137: {  	v3 =	vor.u32 v3, v4  }
0x138: {  	v4 =	vperm.xlane v3, v0;
	_ =	sdelay $0x1  }
0x139: {  	v4 =	vadd.s32 v1, v4;
	_ =	sdelay $0x3  }
0x13a: {  	v3 =	vperm.xlane v3, v2  }
0x13b: {  	[tilespmem:s20], [sflag:$0x3] =	stream.indirect_vreg.gather [hbm4b:s1+s4], $0x80, v4, vm0, $0xb8;
	[tilespmem:$0x18080] =	vst v63  }
0x13c: {  	s30 =	simm.s32 $0x6880;
	v3 =	vadd.s32 v1, v3  }
0x13d: {  	[tilespmem:s30], [sflag:$0x3] =	stream.indirect_vreg.gather [hbm4b:s5+s4], $0x80, v4, vm0, $0xb8;
	[tilespmem:$0x18080] =	vst v63  }
0x13e: {  	s31 =	simm.s32 $0x7080  }
0x13f: {  	[tilespmem:s31], [sflag:$0x3] =	stream.indirect_vreg.gather [hbm4b:s6+s4], $0x80, v4, vm0, $0xb8;
	[tilespmem:$0x18080] =	vst v63  }
0x140: {  	s23 =	simm.s32 $0x7880  }
0x141: {  	[tilespmem:s23], [sflag:$0x3] =	stream.indirect_vreg.gather [hbm4b:s1+s4], $0x80, v3, vm0, $0xb8;
	[tilespmem:$0x18080] =	vst v63  }
0x142: {  	s28 =	simm.s32 $0x8080  }
0x143: {  	[tilespmem:s28], [sflag:$0x3] =	stream.indirect_vreg.gather [hbm4b:s5+s4], $0x80, v3, vm0, $0xb8;
	[tilespmem:$0x18080] =	vst v63  }
0x144: {  	s29 =	simm.s32 $0x8880  }
0x145: {  	[tilespmem:s29], [sflag:$0x3] =	stream.indirect_vreg.gather [hbm4b:s6+s4], $0x80, v3, vm0, $0xb8;
	[tilespmem:$0x18080] =	vst v63  }
0x146: {  	v3 =	vld [tilespmem:$0x60];
	_ =	sdelay $0x4  }
0x147: {  	v61 =	vshrl.u32 v3, $0x3  }
0x148: {  	v4 =	vmul.u32 $0x30, v61  }
0x149: {  	v3 =	vand.u32 $0x7, v3  }
0x14a: {  	v3 =	vor.u32 v3, v4  }
0x14b: {  	v4 =	vperm.xlane v3, v0;
	_ =	sdelay $0x1  }
0x14c: {  	v4 =	vadd.s32 v1, v4;
	_ =	sdelay $0x3  }
0x14d: {  	v3 =	vperm.xlane v3, v2  }
0x14e: {  	[tilespmem:s19], [sflag:$0x7] =	stream.indirect_vreg.gather [hbm4b:s3+s4], $0x80, v4, vm0, $0xb8;
	[tilespmem:$0x18080] =	vst v63  }
0x14f: {  	s30 =	simm.s32 $0x12880;
	v3 =	vadd.s32 v1, v3  }
0x150: {  	[tilespmem:s30], [sflag:$0x7] =	stream.indirect_vreg.gather [hbm4b:s7+s4], $0x80, v4, vm0, $0xb8;
	[tilespmem:$0x18080] =	vst v63  }
0x151: {  	s31 =	simm.s32 $0x13080  }
0x152: {  	[tilespmem:s31], [sflag:$0x7] =	stream.indirect_vreg.gather [hbm4b:s8+s4], $0x80, v4, vm0, $0xb8;
	[tilespmem:$0x18080] =	vst v63  }
0x153: {  	s23 =	simm.s32 $0x13880  }
0x154: {  	[tilespmem:s23], [sflag:$0x7] =	stream.indirect_vreg.gather [hbm4b:s3+s4], $0x80, v3, vm0, $0xb8;
	[tilespmem:$0x18080] =	vst v63  }
0x155: {  	s28 =	simm.s32 $0x14080  }
0x156: {  	[tilespmem:s28], [sflag:$0x7] =	stream.indirect_vreg.gather [hbm4b:s7+s4], $0x80, v3, vm0, $0xb8;
	[tilespmem:$0x18080] =	vst v63  }
0x157: {  	s29 =	simm.s32 $0x14880;
	s28 =	simm.s32 $0x4  }
0x158: {  	[tilespmem:s29], [sflag:$0x7] =	stream.indirect_vreg.gather [hbm4b:s8+s4], $0x80, v3, vm0, $0xb8;
	[tilespmem:$0x18080] =	vst v63  }
0x159: {  	_ =	swait.ge [sflag:s28], $0x3000  }
0x15a: {  	[sflag:s28] =	ssyncset.done $0x0  }
0x15b: {  	s29 =	simm.s32 $0x8;
	[sflag:s28] =	ssyncadd.s32 $0xFFFFD000  }
0x15c: {  	_ =	swait.ge [sflag:s29], $0x3000  }
0x15d: {  	[sflag:s29] =	ssyncset.done $0x0  }
0x15e: {  	s30 =	rddreg [dreg:$0xb];
	[sflag:s29] =	ssyncadd.s32 $0xFFFFD000  }
0x15f: {  	[hbm4b:s30+s4] =	stream.linear.scatter [tilespmem:s16], [sflag:$0xC], $0x3000, $0x38;
	[tilespmem:$0x18080] =	vst v63  }
0x160: {  	s31 =	rddreg [dreg:$0xc];
	s30 =	simm.s32 $0xC  }
0x161: {  	[hbm4b:s31+s4] =	stream.linear.scatter [tilespmem:s11], [sflag:$0x10], $0x3000, $0x38;
	[tilespmem:$0x18080] =	vst v63  }
0x162: {  	_ =	swait.ge [sflag:s30], $0x3000  }
0x163: {  	[sflag:s30] =	ssyncset.done $0x0  }
0x164: {  	s31 =	simm.s32 $0x10;
	[sflag:s30] =	ssyncadd.s32 $0xFFFFD000  }
0x165: {  	_ =	swait.ge [sflag:s31], $0x3000  }
0x166: {  	[sflag:s31] =	ssyncset.done $0x0  }
0x167: {  	[sflag:s31] =	ssyncadd.s32 $0xFFFFD000  }
0x168: {  	v3 =	vld [tilespmem:$0x70];
	_ =	sdelay $0x4  }
0x169: {  	v62 =	vshrl.u32 v3, $0x3  }
0x16a: {  	v4 =	vmul.u32 $0x30, v62  }
0x16b: {  	v3 =	vand.u32 $0x7, v3  }
0x16c: {  	v3 =	vor.u32 v3, v4  }
0x16d: {  	v4 =	vperm.xlane v3, v0;
	_ =	sdelay $0x1  }
0x16e: {  	v4 =	vadd.s32 v1, v4;
	_ =	sdelay $0x3  }
0x16f: {  	v3 =	vperm.xlane v3, v2  }
0x170: {  	[tilespmem:s16], [sflag:$0x4] =	stream.indirect_vreg.gather [hbm4b:s1+s4], $0x80, v4, vm0, $0xb8;
	[tilespmem:$0x18080] =	vst v63  }
0x171: {  	s23 =	simm.s32 $0x9880;
	v3 =	vadd.s32 v1, v3  }
0x172: {  	[tilespmem:s23], [sflag:$0x4] =	stream.indirect_vreg.gather [hbm4b:s5+s4], $0x80, v4, vm0, $0xb8;
	[tilespmem:$0x18080] =	vst v63  }
0x173: {  	s23 =	simm.s32 $0xA080  }
0x174: {  	[tilespmem:s23], [sflag:$0x4] =	stream.indirect_vreg.gather [hbm4b:s6+s4], $0x80, v4, vm0, $0xb8;
	[tilespmem:$0x18080] =	vst v63  }
0x175: {  	s23 =	simm.s32 $0xA880  }
0x176: {  	[tilespmem:s23], [sflag:$0x4] =	stream.indirect_vreg.gather [hbm4b:s1+s4], $0x80, v3, vm0, $0xb8;
	[tilespmem:$0x18080] =	vst v63  }
0x177: {  	s23 =	simm.s32 $0xB080  }
0x178: {  	[tilespmem:s23], [sflag:$0x4] =	stream.indirect_vreg.gather [hbm4b:s5+s4], $0x80, v3, vm0, $0xb8;
	[tilespmem:$0x18080] =	vst v63  }
0x179: {  	s23 =	simm.s32 $0xB880  }
0x17a: {  	[tilespmem:s23], [sflag:$0x4] =	stream.indirect_vreg.gather [hbm4b:s6+s4], $0x80, v3, vm0, $0xb8;
	[tilespmem:$0x18080] =	vst v63  }
0x17b: {  	v3 =	vld [tilespmem:$0x70];
	_ =	sdelay $0x4  }
0x17c: {  	v63 =	vshrl.u32 v3, $0x3  }
0x17d: {  	v4 =	vmul.u32 $0x30, v63  }
0x17e: {  	v3 =	vand.u32 $0x7, v3  }
0x17f: {  	v3 =	vor.u32 v3, v4  }
0x180: {  	v4 =	vperm.xlane v3, v0;
	_ =	sdelay $0x1  }
0x181: {  	v4 =	vadd.s32 v1, v4;
	_ =	sdelay $0x3  }
0x182: {  	v3 =	vperm.xlane v3, v2  }
0x183: {  	[tilespmem:s11], [sflag:$0x8] =	stream.indirect_vreg.gather [hbm4b:s3+s4], $0x80, v4, vm0, $0xb8;
	[tilespmem:$0x18080] =	vst v63  }
0x184: {  	s23 =	simm.s32 $0x15880;
	v3 =	vadd.s32 v1, v3  }
0x185: {  	[tilespmem:s23], [sflag:$0x8] =	stream.indirect_vreg.gather [hbm4b:s7+s4], $0x80, v4, vm0, $0xb8;
	[tilespmem:$0x18080] =	vst v63  }
0x186: {  	s23 =	simm.s32 $0x16080  }
0x187: {  	[tilespmem:s23], [sflag:$0x8] =	stream.indirect_vreg.gather [hbm4b:s8+s4], $0x80, v4, vm0, $0xb8;
	[tilespmem:$0x18080] =	vst v63  }
0x188: {  	s23 =	simm.s32 $0x16880  }
0x189: {  	[tilespmem:s23], [sflag:$0x8] =	stream.indirect_vreg.gather [hbm4b:s3+s4], $0x80, v3, vm0, $0xb8;
	[tilespmem:$0x18080] =	vst v63  }
0x18a: {  	s23 =	simm.s32 $0x17080  }
0x18b: {  	[tilespmem:s23], [sflag:$0x8] =	stream.indirect_vreg.gather [hbm4b:s7+s4], $0x80, v3, vm0, $0xb8;
	[tilespmem:$0x18080] =	vst v63  }
0x18c: {  	s23 =	simm.s32 $0x17880  }
0x18d: {  	[tilespmem:s23], [sflag:$0x8] =	stream.indirect_vreg.gather [hbm4b:s8+s4], $0x80, v3, vm0, $0xb8;
	[tilespmem:$0x18080] =	vst v63  }
0x18e: {  	_ =	swait.ge [sflag:s0], $0x3000  }
0x18f: {  	[sflag:s0] =	ssyncset.done $0x0  }
0x190: {  	[sflag:s0] =	ssyncadd.s32 $0xFFFFD000  }
0x191: {  	_ =	swait.ge [sflag:s9], $0x3000  }
0x192: {  	[sflag:s9] =	ssyncset.done $0x0  }
0x193: {  	s0 =	simm.s32 $0x80;
	s17 =	rddreg [dreg:$0xd];
	[sflag:s9] =	ssyncadd.s32 $0xFFFFD000  }
0x194: {  	[hbm4b:s17+s4] =	stream.linear.scatter [tilespmem:s0], [sflag:$0x9], $0x3000, $0x38;
	[tilespmem:$0x18080] =	vst v63  }
0x195: {  	s23 =	rddreg [dreg:$0xe];
	s17 =	simm.s32 $0xC080  }
0x196: {  	[hbm4b:s23+s4] =	stream.linear.scatter [tilespmem:s17], [sflag:$0xD], $0x3000, $0x38;
	[tilespmem:$0x18080] =	vst v63  }
0x197: {  	_ =	swait.ge [sflag:s12], $0x3000  }
0x198: {  	[sflag:s12] =	ssyncset.done $0x0  }
0x199: {  	[sflag:s12] =	ssyncadd.s32 $0xFFFFD000  }
0x19a: {  	_ =	swait.ge [sflag:s13], $0x3000  }
0x19b: {  	[sflag:s13] =	ssyncset.done $0x0  }
0x19c: {  	s0 =	rddreg [dreg:$0xf];
	[sflag:s13] =	ssyncadd.s32 $0xFFFFD000;
	s13 =	simm.s32 $0x3080  }
0x19d: {  	[hbm4b:s0+s4] =	stream.linear.scatter [tilespmem:s13], [sflag:$0xA], $0x3000, $0x38;
	[tilespmem:$0x18080] =	vst v63  }
0x19e: {  	s18 =	simm.s32 $0xF080;
	s12 =	rddreg [dreg:$0x10]  }
0x19f: {  	[hbm4b:s12+s4] =	stream.linear.scatter [tilespmem:s18], [sflag:$0xE], $0x3000, $0x38;
	[tilespmem:$0x18080] =	vst v63  }
0x1a0: {  	_ =	swait.ge [sflag:s21], $0x3000  }
0x1a1: {  	[sflag:s21] =	ssyncset.done $0x0  }
0x1a2: {  	[sflag:s21] =	ssyncadd.s32 $0xFFFFD000  }
0x1a3: {  	_ =	swait.ge [sflag:s24], $0x3000  }
0x1a4: {  	[sflag:s24] =	ssyncset.done $0x0  }
0x1a5: {  	s23 =	rddreg [dreg:$0x11];
	[sflag:s24] =	ssyncadd.s32 $0xFFFFD000  }
0x1a6: {  	[hbm4b:s23+s4] =	stream.linear.scatter [tilespmem:s20], [sflag:$0xB], $0x3000, $0x38;
	[tilespmem:$0x18080] =	vst v63  }
0x1a7: {  	s24 =	rddreg [dreg:$0x12]  }
0x1a8: {  	[hbm4b:s24+s4] =	stream.linear.scatter [tilespmem:s19], [sflag:$0xF], $0x3000, $0x38;
	[tilespmem:$0x18080] =	vst v63  }
0x1a9: {  	_ =	swait.ge [sflag:s28], $0x3000  }
0x1aa: {  	[sflag:s28] =	ssyncset.done $0x0  }
0x1ab: {  	[sflag:s28] =	ssyncadd.s32 $0xFFFFD000  }
0x1ac: {  	_ =	swait.ge [sflag:s29], $0x3000  }
0x1ad: {  	[sflag:s29] =	ssyncset.done $0x0  }
0x1ae: {  	s28 =	rddreg [dreg:$0x13];
	[sflag:s29] =	ssyncadd.s32 $0xFFFFD000  }
0x1af: {  	[hbm4b:s28+s4] =	stream.linear.scatter [tilespmem:s16], [sflag:$0xC], $0x3000, $0x38;
	[tilespmem:$0x18080] =	vst v63  }
0x1b0: {  	s29 =	rddreg [dreg:$0x14]  }
0x1b1: {  	[hbm4b:s29+s4] =	stream.linear.scatter [tilespmem:s11], [sflag:$0x10], $0x3000, $0x38;
	[tilespmem:$0x18080] =	vst v63  }
0x1b2: {  	_ =	swait.ge [sflag:s2], $0x3000  }
0x1b3: {  	[sflag:s2] =	ssyncset.done $0x0  }
0x1b4: {  	[sflag:s2] =	ssyncadd.s32 $0xFFFFD000  }
0x1b5: {  	_ =	swait.ge [sflag:s10], $0x3000  }
0x1b6: {  	[sflag:s10] =	ssyncset.done $0x0  }
0x1b7: {  	[sflag:s10] =	ssyncadd.s32 $0xFFFFD000  }
0x1b8: {  	_ =	swait.ge [sflag:s14], $0x3000  }
0x1b9: {  	[sflag:s14] =	ssyncset.done $0x0  }
0x1ba: {  	[sflag:s14] =	ssyncadd.s32 $0xFFFFD000  }
0x1bb: {  	_ =	swait.ge [sflag:s15], $0x3000  }
0x1bc: {  	[sflag:s15] =	ssyncset.done $0x0  }
0x1bd: {  	[sflag:s15] =	ssyncadd.s32 $0xFFFFD000  }
0x1be: {  	_ =	swait.ge [sflag:s25], $0x3000  }
0x1bf: {  	[sflag:s25] =	ssyncset.done $0x0  }
0x1c0: {  	[sflag:s25] =	ssyncadd.s32 $0xFFFFD000  }
0x1c1: {  	_ =	swait.ge [sflag:s26], $0x3000  }
0x1c2: {  	[sflag:s26] =	ssyncset.done $0x0  }
0x1c3: {  	[sflag:s26] =	ssyncadd.s32 $0xFFFFD000  }
0x1c4: {  	p0 =	sne.s32 s22, $0x1;
	_ =	swait.ge [sflag:s30], $0x3000  }
.Ltmp0:
0x1c5: {  	[sflag:s30] =	ssyncset.done $0x0;
	(pc) =	sbr.rel @p0 .LBB2_1-.Ltmp0, $4  }
0x1c6: {  	[sflag:s30] =	ssyncadd.s32 $0xFFFFD000  }
0x1c7: {  	_ =	swait.ge [sflag:s31], $0x3000  }
0x1c8: {  	[sflag:s31] =	ssyncset.done $0x0  }
0x1c9: {  	s22 =	sadd.s32 $0xFFFFFFFF, s22;
	[sflag:s31] =	ssyncadd.s32 $0xFFFFD000  }
0x1ca: {  	_ =	sfence.sel $0x180000  }
0x1cb: {  	[bflag:$0x0] =	sbarrier.arrive $0xFFFF  }
0x1cc: {  	_ =	strace $0x90000047  }
0x1cd: {  	s0 =	stileid.u32;
	[bflag:$0x2] =	sbarrier.arrive $0xFFFF  }
0x1ce: {  	p0 =	sne.s32 s0, $0x0;
	s0 =	rddreg [dreg:$0x3]  }
0x1cf: {  	s0 =	sadd.s32 @!p0 $0x100000, s0  }
0x1d0: {  	[sflag:s0] =	ssyncadd.tile.s32 @!p0 $0x1;
	_ =	shalt  }
.Lfunc_end2:
_tile_overlayer_lowered:
.L_overlay_start_2:
0x1d1: {  	(tag) =	ssettag $0x2  }
0x1d2: {  	s0 =	rddreg [dreg:$0x0];
	s2 =	stileid.u32  }
0x1d3: {  	s1 =	rddreg [dreg:$0x1];
	p0 =	sne.s32 s2, $0x0  }
0x1d4: {  	s3 =	rddreg [dreg:$0x2];
	[bflag:$0x3] =	sbarrier.arrive $0xFFFF;
	s2 =	simm.s32 @!p0 $0x1C11  }
0x1d5: {  	[timem:s3], [sflag:s2] =	dma.local @!p0 [hbm:s0], s1  }
0x1d6: {  	s0 =	simm.s32 @!p0 $0x11  }
0x1d7: {  	_ =	swait.ge @!p0 [sflag:s0], s1  }
0x1d8: {  	s1 =	ssub.s32 @!p0 $0x0, s1;
	[sflag:s0] =	ssyncset.done @!p0 $0x0  }
0x1d9: {  	[sflag:s0] =	ssyncadd.s32 @!p0 s1  }
0x1da: {  	[bflag:$0x3] =	sbarrier.arrive $0xFFFF  }
0x1db: {  	_ =	shalt  }

// kernel: kernel.9.cloned.1.call-start
scs
__scs_entry_jumppad:
0x0: {  	(pc) =	sbr.rel $0x88, $3  }
0x1: {  	(tag) =	ssettag $0x0;
	lr =	simm.s32 $0x1  }
0x2: {  	[smem:$0x3F9C] =	sst lr;
	_ =	strace $0xD0000000  }
0x3: {  	_ = 	snop  }
0x4: {  	_ = 	snop  }
0x5: {  	_ = 	snop  }
0x6: {  	_ = 	snop  }
0x7: {  	_ = 	snop  }
__scs_overlays_trampoline_lowered:
0x8: {  	[smem:$0x3FAB] =	sst s0  }
0x9: {  	[smem:$0x3FAC] =	sst s1  }
0xa: {  	[smem:$0x3FAD] =	sst s2  }
0xb: {  	[smem:$0x3FAE] =	sst s3  }
0xc: {  	[smem:$0x3FAF] =	sst s4  }
0xd: {  	[smem:$0x3FB0] =	sst s5  }
0xe: {  	[smem:$0x3FB1] =	sst s6  }
0xf: {  	[smem:$0x3FB2] =	sst s7  }
0x10: {  	[smem:$0x3FB3] =	sst s8  }
0x11: {  	[smem:$0x3FB4] =	sst s9;
	s0 =	simm.s32 @!p0 $0x0  }
0x12: {  	s1 =	sld [smem:$0x3F9A];
	s0 =	simm.s32 @p0 $0x1  }
0x13: {  	[smem:$0x3FB5] =	sst s0;
	s0 =	simm.s32 @!p1 $0x0  }
0x14: {  	s2 =	sld [smem:$0x3F99];
	s0 =	simm.s32 @p1 $0x1  }
0x15: {  	[smem:$0x3FB6] =	sst s0;
	s0 =	simm.s32 @!p2 $0x0  }
0x16: {  	s3 =	sld [smem:$0x3FDB];
	s0 =	simm.s32 @p2 $0x1  }
0x17: {  	s4 =	simm.s32 $0x1BF5;
	[smem:$0x3FB8] =	sst s0  }
0x18: {  	s0 =	sld [smem:$0x3F9B];
	_ =	swait.ge [sflag:s4], $0x0  }
0x19: {  	s7 =	sld [smem:$0x3F9C]  }
0x1a: {  	s8 =	sadd.s32 $0xFFFFE003, lr  }
0x1b: {  	s9 =	sadd.s32 $0xFFFFFEF7, lr;
	s5 =	simm.s32 $0xFFFFFFFF;
	p2 =	slt.u32 s8, $0xFFFFF086  }
0x1c: {  	p1 =	slt.u32 s9, $0xF7A;
	s5 =	simm.s32 @!p2 $0x0  }
0x1d: {  	s5 =	simm.s32 @p1 $0x1;
	p0 =	seq.s32 s7, s2  }
0x1e: {  	s7 =	smul.u32 @!p0 $0xF7A, s2;
	p2 =	seq.s32 @!p0 s5, $0x0  }
0x1f: {  	s9 =	smul.u32 $0xF7A, s1;
	s8 =	simm.s32 @!p0 $0x1BF5;
	p2 =	por !p2, p0  }
0x20: {  	[sflag:s8] =	ssyncset.s32 @!p0 $0xFFFFF086;
	s6 =	sadd.s32 @!p0 s3, s7;
	s7 =	simm.s32 @!p0 $0x108  }
0x21: {  	s3 =	sadd.s32 s3, s9;
	s6 =	sadd.s32 @!p0 $0x88, s6;
	s7 =	simm.s32 @p2 $0x1082  }
0x22: {  	[simem:s7], [sflag:s8] =	dma.local @!p0 [hbm:s6], $0xF7A  }
0x23: {  	s9 =	sor.u32 $0xD0000000, s2;
	s6 =	simm.s32 $0x108;
	_ =	swait.ge @!p0 [sflag:s8], $0x0  }
0x24: {  	s3 =	sadd.s32 $0x88, s3;
	s6 =	simm.s32 @!p1 $0x1082;
	[sflag:s4] =	ssyncset.s32 $0xFFFFF086  }
0x25: {  	[simem:s6], [sflag:s4] =	dma.local [hbm:s3], $0xF7A  }
0x26: {  	[smem:$0x3F9C] =	sst s1;
	(tag) =	ssettag s2;
	_ =	strace s9  }
0x27: {  	s1 =	sld [smem:$0x3FAC]  }
0x28: {  	s2 =	sld [smem:$0x3FAD]  }
0x29: {  	s4 =	sld [smem:$0x3FAF]  }
0x2a: {  	p0 =	seq.s32 s5, $0x0;
	s5 =	sld [smem:$0x3FB0]  }
0x2b: {  	s6 =	sld [smem:$0x3FB1]  }
0x2c: {  	s7 =	sld [smem:$0x3FB2]  }
0x2d: {  	s3 =	simm.s32 $0x108;
	s8 =	sld [smem:$0x3FB3]  }
0x2e: {  	s3 =	simm.s32 @!p0 $0x1082;
	s9 =	sld [smem:$0x3FB4]  }
0x2f: {  	lr =	sadd.s32 s0, s3;
	s0 =	sld [smem:$0x3FAB]  }
0x30: {  	s3 =	sld [smem:$0x3FAE]  }
0x31: {  	[smem:$0x3FB7] =	sst s10  }
0x32: {  	s10 =	sld [smem:$0x3FB5];
	_ =	sdelay $0x3  }
0x33: {  	p0 =	seq.s32 s10, $0x1;
	s10 =	sld [smem:$0x3FB7];
	_ =	sdelay $0x3  }
0x34: {  	[smem:$0x3FB7] =	sst s10  }
0x35: {  	s10 =	sld [smem:$0x3FB6];
	_ =	sdelay $0x3  }
0x36: {  	p1 =	seq.s32 s10, $0x1;
	s10 =	sld [smem:$0x3FB7];
	_ =	sdelay $0x3  }
0x37: {  	[smem:$0x3FB7] =	sst s10  }
0x38: {  	s10 =	sld [smem:$0x3FB8]  }
0x39: {  	_ = 	snop;
	(pc) =	sbr.ind lr, $3  }
0x3a: {  	_ = 	snop  }
0x3b: {  	_ = 	snop  }
0x3c: {  	p2 =	seq.s32 s10, $0x1;
	s10 =	sld [smem:$0x3FB7]  }
0x3d: {  	_ =	shalt  }
0x3e: {  	_ =	shalt  }
0x3f: {  	_ =	shalt  }
0x40: {  	_ =	shalt  }
0x41: {  	_ =	shalt  }
0x42: {  	_ =	shalt  }
0x43: {  	_ =	shalt  }
0x44: {  	_ =	shalt  }
0x45: {  	_ =	shalt  }
0x46: {  	_ =	shalt  }
0x47: {  	_ =	shalt  }
0x48: {  	_ =	shalt  }
0x49: {  	_ =	shalt  }
0x4a: {  	_ =	shalt  }
0x4b: {  	_ =	shalt  }
0x4c: {  	_ =	shalt  }
0x4d: {  	_ =	shalt  }
0x4e: {  	_ =	shalt  }
0x4f: {  	_ =	shalt  }
0x50: {  	_ =	shalt  }
0x51: {  	_ =	shalt  }
0x52: {  	_ =	shalt  }
0x53: {  	_ =	shalt  }
0x54: {  	_ =	shalt  }
0x55: {  	_ =	shalt  }
0x56: {  	_ =	shalt  }
0x57: {  	_ =	shalt  }
0x58: {  	_ =	shalt  }
0x59: {  	_ =	shalt  }
0x5a: {  	_ =	shalt  }
0x5b: {  	_ =	shalt  }
0x5c: {  	_ =	shalt  }
0x5d: {  	_ =	shalt  }
0x5e: {  	_ =	shalt  }
0x5f: {  	_ =	shalt  }
0x60: {  	_ =	shalt  }
0x61: {  	_ =	shalt  }
0x62: {  	_ =	shalt  }
0x63: {  	_ =	shalt  }
0x64: {  	_ =	shalt  }
0x65: {  	_ =	shalt  }
0x66: {  	_ =	shalt  }
0x67: {  	_ =	shalt  }
0x68: {  	_ =	shalt  }
0x69: {  	_ =	shalt  }
0x6a: {  	_ =	shalt  }
0x6b: {  	_ =	shalt  }
0x6c: {  	_ =	shalt  }
0x6d: {  	_ =	shalt  }
0x6e: {  	_ =	shalt  }
0x6f: {  	_ =	shalt  }
0x70: {  	_ =	shalt  }
0x71: {  	_ =	shalt  }
0x72: {  	_ =	shalt  }
0x73: {  	_ =	shalt  }
0x74: {  	_ =	shalt  }
0x75: {  	_ =	shalt  }
0x76: {  	_ =	shalt  }
0x77: {  	_ =	shalt  }
0x78: {  	_ =	shalt  }
0x79: {  	_ =	shalt  }
0x7a: {  	_ =	shalt  }
0x7b: {  	_ =	shalt  }
0x7c: {  	_ =	shalt  }
0x7d: {  	_ =	shalt  }
0x7e: {  	_ =	shalt  }
0x7f: {  	_ =	shalt  }
0x80: {  	_ =	shalt  }
0x81: {  	_ =	shalt  }
0x82: {  	_ =	shalt  }
0x83: {  	_ =	shalt  }
0x84: {  	_ =	shalt  }
0x85: {  	_ =	shalt  }
0x86: {  	_ =	shalt  }
0x87: {  	_ =	shalt  }
.Lfunc_end0:
.L_simem_size_0:
called_computation.1_lowered:
.L_overlay_start_0:
0x88: {  	s2 =	sld [smem:$0x3FD9]  }
0x89: {  	s3 =	sld [smem:$0x3FFE];
	_ =	sdelay $0x1  }
0x8a: {  	s1 =	srdreg.scid  }
0x8b: {  	s0 =	sand.u32 $0x1, s1  }
0x8c: {  	s17 =	sshll.u32 s0, $0xA;
	s2 =	sadd.s32 s3, s2  }
0x8d: {  	s2 =	sadd.s32 s2, s17  }
0x8e: {  	[smem:$0x3FC3] =	sst s2  }
0x8f: {  	_ = 	snop  }
0x90: {  	s18 =	sld [smem:$0x3FC7]  }
0x91: {  	s4 =	sld [smem:$0x3FC6];
	(tm) =	ssettm $0x1  }
0x92: {  	s19 =	sld [smem:$0x3FFB];
	_ =	sdelay $0x3  }
0x93: {  	_ =	strace s19  }
0x94: {  	s2 =	sld [smem:$0x3FFC];
	_ =	sdelay $0x3  }
0x95: {  	_ =	strace s2  }
0x96: {  	s2 =	sld [smem:$0x3FFD];
	_ =	sdelay $0x3  }
0x97: {  	_ =	strace s2  }
0x98: {  	_ =	strace $0x8FFFFFFF  }
0x99: {  	s20 =	sld [smem:$0x3FDB];
	_ =	sdelay $0x1  }
0x9a: {  	s5 =	simm.s32 $_scs_section_size  }
0x9b: {  	s6 =	simm.s32 $_size__tile_overlayer_lowered;
	s7 =	simm.s32 $_tile_overlayer_lowered  }
0x9c: {  	s8 =	simm.s32 $0x1BFF;
	s21 =	sshll.u32 s7, $0x1;
	s5 =	sadd.s32 s5, s20  }
0x9d: {  	s22 =	simm.s32 $0x0;
	s6 =	sshll.u32 s6, $0x1;
	s7 =	sadd.s32 s21, s5  }
0x9e: {  	[timem:s22], [sflag:s8] =	dma.local [hbm:s7], s6  }
0x9f: {  	_ =	swait.ge [sflag:s8], s6  }
0xa0: {  	s6 =	ssub.s32 $0x0, s6;
	[sflag:s8] =	ssyncset.done $0x0  }
0xa1: {  	[sflag:s8] =	ssyncadd.s32 s6;
	_ =	sdelay $0x1  }
0xa2: {  	s23 =	simm.s32 $0x1B8B  }
0xa3: {  	_ =	swait.ge [sflag:s23], $0x1  }
0xa4: {  	[sflag:s23] =	ssyncset.done $0x0  }
0xa5: {  	[sflag:s23] =	ssyncadd.s32 $0xFFFFFFFF  }
0xa6: {  	s6 =	sld [smem:$0x0]  }
0xa7: {  	s7 =	sand.u32 $0xFFFFFFFE, s1  }
0xa8: {  	p0 =	sne.s32 s1, s7  }
0xa9: {  	s7 =	sshll.u32 @p0 s7, $0xE  }
0xaa: {  	s7 =	sadd.s32 @p0 $0x11B8D, s7;
	s8 =	sshll.u32 @p0 s6, $0x11  }
0xab: {  	s7 =	sor.u32 @p0 s8, s7  }
0xac: {  	[sflag:s7] =	ssyncadd.remote.s32 @p0 $0x1;
	_ =	sdelay $0x1  }
0xad: {  	s7 =	simm.s32 @p0 $0x1B8D  }
0xae: {  	_ =	swait.eq @p0 [sflag:s7], $0x1  }
0xaf: {  	[sflag:s7] =	ssyncadd.s32 @p0 $0xFFFFFFFF  }
0xb0: {  	s8 =	sshll.u32 @!p0 s1, $0xE  }
0xb1: {  	s8 =	sor.u32 @!p0 $0x4000, s8;
	s7 =	simm.s32 @!p0 $0x1B8D  }
0xb2: {  	s6 =	sshll.u32 @!p0 s6, $0x11;
	s8 =	sadd.s32 @!p0 $0x11B8D, s8;
	_ =	swait.eq @!p0 [sflag:s7], $0x1  }
0xb3: {  	s6 =	sor.u32 @!p0 s6, s8;
	[sflag:s7] =	ssyncadd.s32 @!p0 $0xFFFFFFFF  }
0xb4: {  	s25 =	simm.s32 $0x1B8E;
	s24 =	sld [smem:$0x3FFE];
	[sflag:s6] =	ssyncadd.remote.s32 @!p0 $0x1  }
0xb5: {  	s26 =	simm.s32 $execute0_lowered;
	[smem:$0x3FD2] =	sst s25  }
0xb6: {  	s7 =	sshll.u32 s26, $0x1;
	_ =	strace $0x80000049;
	[dreg:$0x1] =	wrdreg $0xFFFFFFFF  }
0xb7: {  	s28 =	simm.s32 $_size_execute0_lowered;
	s5 =	sadd.s32 s5, s7;
	[dreg:$0x0] =	wrdreg $0x0  }
0xb8: {  	s7 =	sshll.u32 s28, $0x1;
	[dreg:$0x2] =	wrdreg s5  }
0xb9: {  	[dreg:$0x3] =	wrdreg s7  }
0xba: {  	[dreg:$0x4] =	wrdreg $0xC0  }
0xbb: {  	_ =	task [dreg:s22], $0x5FFFF  }
0xbc: {  	[dreg:$0x1] =	wrdreg $0xFFFFFFFF  }
0xbd: {  	[dreg:$0x0] =	wrdreg $0x60  }
0xbe: {  	[dreg:$0x2] =	wrdreg s24  }
0xbf: {  	[dreg:$0x3] =	wrdreg s18  }
0xc0: {  	[dreg:$0x4] =	wrdreg s4  }
0xc1: {  	[dreg:$0x5] =	wrdreg $0xA  }
0xc2: {  	_ =	task.clear_ibuf [dreg:s22], $0x6FFFF;
	_ =	strace $0x90000049  }
0xc3: {  	s29 =	simm.s32 $0xA;
	_ =	strace $0x8000004B  }
0xc4: {  	_ =	swait.ge [sflag:s29], $0x1  }
0xc5: {  	[sflag:s29] =	ssyncadd.s32 $0xFFFFFFFF  }
0xc6: {  	_ =	strace $0x9000004B  }
0xc7: {  	_ =	sfence  }
0xc8: {  	s30 =	sld [smem:$0x0];
	_ =	sdelay $0x2  }
0xc9: {  	s31 =	sshll.u32 s1, $0xD;
	s1 =	sshrl.u32 s1, $0x2  }
0xca: {  	s4 =	sand.u32 $0x4000, s31;
	s1 =	sadd.s32 s1, s30  }
0xcb: {  	s0 =	sor.u32 s4, s0;
	s1 =	sshll.u32 s1, $0x11  }
0xcc: {  	s0 =	sor.u32 s1, s0  }
0xcd: {  	s0 =	sadd.s32 $0x8F2B, s0  }
0xce: {  	[sflag:s0] =	ssyncadd.remote.s32 $0x1  }
0xcf: {  	_ =	sfence.sel $0xFFFF  }
0xd0: {  	[dreg:$0x0] =	wrdreg $0xFFFFFFFF;
	(pc) =	sbr.abs _section_cstart, $3  }
0xd1: {  	[dreg:$0x1] =	wrdreg $0xFFFFFFFF  }
0xd2: {  	_ =	task.clear_ibuf [dreg:s22], $0x2FFFF;
	_ =	strace $0x9FFFFFFF  }
0xd3: {  	(tm) =	ssettm $0x7FFFFFFF  }
tec
execute0_lowered:
.L_overlay_start_1:
0x0: {  	(tag) =	ssettag $0x1  }
0x1: {  	s0 =	srdreg.scid  }
0x2: {  	s5 =	stileid.u32;
	s0 =	sand.u32 $0x1, s0  }
0x3: {  	s3 =	sshll.u32 s5, $0x8;
	s4 =	sshll.u32 s0, $0x7  }
0x4: {  	s2 =	rddreg [dreg:$0x0];
	s14 =	sshll.u32 s5, $0x9;
	s3 =	sor.u32 s4, s3  }
0x5: {  	s4 =	sand.u32 $0x1800, s14;
	s15 =	sand.u32 $0x380, s3;
	s6 =	sshrl.u32 s3, $0x3  }
0x6: {  	s1 =	rddreg [dreg:$0x1];
	s5 =	sor.u32 s4, s15;
	s6 =	smul.u32 $0x1800, s6  }
0x7: {  	s3 =	rddreg [dreg:$0x2];
	s5 =	sshrl.u32 s5, $0x3  }
0x8: {  	s4 =	simm.s32 $0x0;
	s5 =	sadd.s32 s5, s2;
	s6 =	sshrl.u32 s6, $0x3  }
0x9: {  	[smem:$0x7FF] =	sst s4;
	s2 =	sadd.s32 s6, s2;
	s5 =	sadd.s32 $0xC80, s5  }
0xa: {  	_ =	strace $0x8000004A;
	[dreg:$0x4] =	wrdreg s5;
	s16 =	sadd.s32 $0xC1000, s2  }
0xb: {  	s17 =	sadd.s32 $0x121000, s2;
	[dreg:$0x5] =	wrdreg s16  }
0xc: {  	s18 =	sadd.s32 $0xC1600, s2;
	[dreg:$0x6] =	wrdreg s17  }
0xd: {  	s19 =	sadd.s32 $0x121600, s2;
	[dreg:$0x7] =	wrdreg s18  }
0xe: {  	s20 =	sadd.s32 $0xC1C00, s2;
	[dreg:$0x8] =	wrdreg s19  }
0xf: {  	s21 =	sadd.s32 $0x121C00, s2;
	[dreg:$0x9] =	wrdreg s20  }
0x10: {  	s11 =	simm.s32 $0x15080;
	s22 =	sadd.s32 $0xC2200, s2;
	[dreg:$0xa] =	wrdreg s21  }
0x11: {  	s9 =	simm.s32 $0x5;
	s23 =	sadd.s32 $0x122200, s2;
	[dreg:$0xb] =	wrdreg s22  }
0x12: {  	s10 =	simm.s32 $0xD;
	s24 =	sadd.s32 $0xC2800, s2;
	[dreg:$0xc] =	wrdreg s23  }
0x13: {  	s0 =	ssub.s32 $0x2, s0;
	s25 =	sadd.s32 $0x122800, s2;
	[dreg:$0xd] =	wrdreg s24  }
0x14: {  	s29 =	sshrl.u32 s0, $0x1;
	s26 =	sadd.s32 $0xC2E00, s2;
	[dreg:$0xe] =	wrdreg s25  }
0x15: {  	s0 =	ssub.s32 s0, s29;
	s28 =	sadd.s32 $0x122E00, s2;
	[dreg:$0xf] =	wrdreg s26  }
0x16: {  	s8 =	sadd.s32 $0x200, s3;
	s30 =	sadd.s32 $0xC3400, s2;
	[dreg:$0x10] =	wrdreg s28  }
0x17: {  	s6 =	sadd.s32 $0x200, s1;
	s31 =	sadd.s32 $0x123400, s2;
	[dreg:$0x11] =	wrdreg s30  }
0x18: {  	s5 =	sadd.s32 $0x100, s1;
	s7 =	sadd.s32 $0xC3A00, s2;
	[dreg:$0x12] =	wrdreg s31  }
0x19: {  	v2 =	vlaneseq.u32;
	s2 =	sadd.s32 $0x123A00, s2;
	[dreg:$0x13] =	wrdreg s7;
	s7 =	sadd.s32 $0x100, s3  }
0x1a: {  	vm0 =	vmmov $0xffff;
	v1 =	vshrl.u32 v2, $0x3;
	[dreg:$0x14] =	wrdreg s2;
	s22 =	smax.u32 s0, $0x1;
	s20 =	simm.s32 $0x6080  }
0x1b: {  	v0 =	vand.u32 $0x7, v2;
	v2 =	vor.u32 $0x8, v2;
	v1 =	vmul.u32 $0x8, v1;
	s19 =	simm.s32 $0x12080;
	s16 =	simm.s32 $0x9080;
	s2 =	simm.s32 $0x9  }
.LBB2_1:
0x1c: {  	s17 =	rddreg [dreg:$0x4];
	s15 =	simm.s32 $0x11  }
0x1d: {  	[tilespmem:s4], [sflag:$0x11] =	stream.linear.gather [hbm4b:s17+s4], $0x80, $0x38;
	[tilespmem:$0x18080] =	vst v63  }
0x1e: {  	_ =	swait.ge [sflag:s15], $0x80  }
0x1f: {  	[sflag:s15] =	ssyncset.done $0x0  }
0x20: {  	[sflag:s15] =	ssyncadd.s32 $0xFFFFFF80  }
0x21: {  	v3 =	vld [tilespmem:$0x0];
	_ =	sdelay $0x4  }
0x22: {  	v4 =	vshrl.u32 v3, $0x3  }
0x23: {  	v4 =	vmul.u32 $0x30, v4  }
0x24: {  	v3 =	vand.u32 $0x7, v3  }
0x25: {  	v3 =	vor.u32 v3, v4  }
0x26: {  	v4 =	vperm.xlane v3, v0;
	_ =	sdelay $0x1  }
0x27: {  	v4 =	vadd.s32 v1, v4;
	_ =	sdelay $0x3  }
0x28: {  	s0 =	simm.s32 $0x80;
	v3 =	vperm.xlane v3, v2  }
0x29: {  	[tilespmem:s0], [sflag:$0x1] =	stream.indirect_vreg.gather [hbm4b:s1+s4], $0x80, v4, vm0, $0xb8;
	[tilespmem:$0x18080] =	vst v63  }
0x2a: {  	s14 =	simm.s32 $0x880;
	v3 =	vadd.s32 v1, v3  }
0x2b: {  	[tilespmem:s14], [sflag:$0x1] =	stream.indirect_vreg.gather [hbm4b:s5+s4], $0x80, v4, vm0, $0xb8;
	[tilespmem:$0x18080] =	vst v63  }
0x2c: {  	s21 =	simm.s32 $0x1080  }
0x2d: {  	[tilespmem:s21], [sflag:$0x1] =	stream.indirect_vreg.gather [hbm4b:s6+s4], $0x80, v4, vm0, $0xb8;
	[tilespmem:$0x18080] =	vst v63  }
0x2e: {  	s29 =	simm.s32 $0x1880  }
0x2f: {  	[tilespmem:s29], [sflag:$0x1] =	stream.indirect_vreg.gather [hbm4b:s1+s4], $0x80, v3, vm0, $0xb8;
	[tilespmem:$0x18080] =	vst v63  }
0x30: {  	s15 =	simm.s32 $0x2080  }
0x31: {  	[tilespmem:s15], [sflag:$0x1] =	stream.indirect_vreg.gather [hbm4b:s5+s4], $0x80, v3, vm0, $0xb8;
	[tilespmem:$0x18080] =	vst v63  }
0x32: {  	s24 =	simm.s32 $0x2880  }
0x33: {  	[tilespmem:s24], [sflag:$0x1] =	stream.indirect_vreg.gather [hbm4b:s6+s4], $0x80, v3, vm0, $0xb8;
	[tilespmem:$0x18080] =	vst v63  }
0x34: {  	v3 =	vld [tilespmem:$0x0];
	_ =	sdelay $0x4  }
0x35: {  	v49 =	vshrl.u32 v3, $0x3  }
0x36: {  	v4 =	vmul.u32 $0x30, v49  }
0x37: {  	v3 =	vand.u32 $0x7, v3  }
0x38: {  	v3 =	vor.u32 v3, v4  }
0x39: {  	v4 =	vperm.xlane v3, v0;
	_ =	sdelay $0x1  }
0x3a: {  	v4 =	vadd.s32 v1, v4;
	_ =	sdelay $0x3  }
0x3b: {  	s17 =	simm.s32 $0xC080;
	v3 =	vperm.xlane v3, v2  }
0x3c: {  	[tilespmem:s17], [sflag:$0x5] =	stream.indirect_vreg.gather [hbm4b:s3+s4], $0x80, v4, vm0, $0xb8;
	[tilespmem:$0x18080] =	vst v63  }
0x3d: {  	s26 =	simm.s32 $0xC880;
	v3 =	vadd.s32 v1, v3  }
0x3e: {  	[tilespmem:s26], [sflag:$0x5] =	stream.indirect_vreg.gather [hbm4b:s7+s4], $0x80, v4, vm0, $0xb8;
	[tilespmem:$0x18080] =	vst v63  }
0x3f: {  	s28 =	simm.s32 $0xD080  }
0x40: {  	[tilespmem:s28], [sflag:$0x5] =	stream.indirect_vreg.gather [hbm4b:s8+s4], $0x80, v4, vm0, $0xb8;
	[tilespmem:$0x18080] =	vst v63  }
0x41: {  	s31 =	simm.s32 $0xD880  }
0x42: {  	[tilespmem:s31], [sflag:$0x5] =	stream.indirect_vreg.gather [hbm4b:s3+s4], $0x80, v3, vm0, $0xb8;
	[tilespmem:$0x18080] =	vst v63  }
0x43: {  	s13 =	simm.s32 $0xE080  }
0x44: {  	[tilespmem:s13], [sflag:$0x5] =	stream.indirect_vreg.gather [hbm4b:s7+s4], $0x80, v3, vm0, $0xb8;
	[tilespmem:$0x18080] =	vst v63  }
0x45: {  	s12 =	simm.s32 $0xE880  }
0x46: {  	[tilespmem:s12], [sflag:$0x5] =	stream.indirect_vreg.gather [hbm4b:s8+s4], $0x80, v3, vm0, $0xb8;
	[tilespmem:$0x18080] =	vst v63  }
0x47: {  	v3 =	vld [tilespmem:$0x10];
	_ =	sdelay $0x4  }
0x48: {  	v50 =	vshrl.u32 v3, $0x3  }
0x49: {  	v4 =	vmul.u32 $0x30, v50  }
0x4a: {  	v3 =	vand.u32 $0x7, v3  }
0x4b: {  	v3 =	vor.u32 v3, v4  }
0x4c: {  	v4 =	vperm.xlane v3, v0;
	_ =	sdelay $0x1  }
0x4d: {  	v4 =	vadd.s32 v1, v4;
	_ =	sdelay $0x3  }
0x4e: {  	s18 =	simm.s32 $0x3080;
	v3 =	vperm.xlane v3, v2  }
0x4f: {  	[tilespmem:s18], [sflag:$0x2] =	stream.indirect_vreg.gather [hbm4b:s1+s4], $0x80, v4, vm0, $0xb8;
	[tilespmem:$0x18080] =	vst v63  }
0x50: {  	s23 =	simm.s32 $0x3880;
	v3 =	vadd.s32 v1, v3  }
0x51: {  	[tilespmem:s23], [sflag:$0x2] =	stream.indirect_vreg.gather [hbm4b:s5+s4], $0x80, v4, vm0, $0xb8;
	[tilespmem:$0x18080] =	vst v63  }
0x52: {  	s25 =	simm.s32 $0x4080  }
0x53: {  	[tilespmem:s25], [sflag:$0x2] =	stream.indirect_vreg.gather [hbm4b:s6+s4], $0x80, v4, vm0, $0xb8;
	[tilespmem:$0x18080] =	vst v63  }
0x54: {  	s30 =	simm.s32 $0x4880  }
0x55: {  	[tilespmem:s30], [sflag:$0x2] =	stream.indirect_vreg.gather [hbm4b:s1+s4], $0x80, v3, vm0, $0xb8;
	[tilespmem:$0x18080] =	vst v63  }
0x56: {  	s17 =	simm.s32 $0x5080  }
0x57: {  	[tilespmem:s17], [sflag:$0x2] =	stream.indirect_vreg.gather [hbm4b:s5+s4], $0x80, v3, vm0, $0xb8;
	[tilespmem:$0x18080] =	vst v63  }
0x58: {  	s18 =	simm.s32 $0x5880  }
0x59: {  	[tilespmem:s18], [sflag:$0x2] =	stream.indirect_vreg.gather [hbm4b:s6+s4], $0x80, v3, vm0, $0xb8;
	[tilespmem:$0x18080] =	vst v63  }
0x5a: {  	v3 =	vld [tilespmem:$0x10];
	_ =	sdelay $0x4  }
0x5b: {  	v51 =	vshrl.u32 v3, $0x3  }
0x5c: {  	v4 =	vmul.u32 $0x30, v51  }
0x5d: {  	v3 =	vand.u32 $0x7, v3  }
0x5e: {  	v3 =	vor.u32 v3, v4  }
0x5f: {  	v4 =	vperm.xlane v3, v0;
	_ =	sdelay $0x1  }
0x60: {  	v4 =	vadd.s32 v1, v4;
	_ =	sdelay $0x3  }
0x61: {  	s23 =	simm.s32 $0xF080;
	v3 =	vperm.xlane v3, v2  }
0x62: {  	[tilespmem:s23], [sflag:$0x6] =	stream.indirect_vreg.gather [hbm4b:s3+s4], $0x80, v4, vm0, $0xb8;
	[tilespmem:$0x18080] =	vst v63  }
0x63: {  	s25 =	simm.s32 $0xF880;
	v3 =	vadd.s32 v1, v3  }
0x64: {  	[tilespmem:s25], [sflag:$0x6] =	stream.indirect_vreg.gather [hbm4b:s7+s4], $0x80, v4, vm0, $0xb8;
	[tilespmem:$0x18080] =	vst v63  }
0x65: {  	s30 =	simm.s32 $0x10080  }
0x66: {  	[tilespmem:s30], [sflag:$0x6] =	stream.indirect_vreg.gather [hbm4b:s8+s4], $0x80, v4, vm0, $0xb8;
	[tilespmem:$0x18080] =	vst v63  }
0x67: {  	s17 =	simm.s32 $0x10880  }
0x68: {  	[tilespmem:s17], [sflag:$0x6] =	stream.indirect_vreg.gather [hbm4b:s3+s4], $0x80, v3, vm0, $0xb8;
	[tilespmem:$0x18080] =	vst v63  }
0x69: {  	s25 =	simm.s32 $0x11080  }
0x6a: {  	[tilespmem:s25], [sflag:$0x6] =	stream.indirect_vreg.gather [hbm4b:s7+s4], $0x80, v3, vm0, $0xb8;
	[tilespmem:$0x18080] =	vst v63  }
0x6b: {  	s30 =	simm.s32 $0x11880  }
0x6c: {  	[tilespmem:s30], [sflag:$0x6] =	stream.indirect_vreg.gather [hbm4b:s8+s4], $0x80, v3, vm0, $0xb8;
	[tilespmem:$0x18080] =	vst v63  }
0x6d: {  	v3 =	vld [tilespmem:$0x20];
	_ =	sdelay $0x4  }
0x6e: {  	v52 =	vshrl.u32 v3, $0x3  }
0x6f: {  	v4 =	vmul.u32 $0x30, v52  }
0x70: {  	v3 =	vand.u32 $0x7, v3  }
0x71: {  	v3 =	vor.u32 v3, v4  }
0x72: {  	v4 =	vperm.xlane v3, v0;
	_ =	sdelay $0x1  }
0x73: {  	v4 =	vadd.s32 v1, v4;
	_ =	sdelay $0x3  }
0x74: {  	v3 =	vperm.xlane v3, v2  }
0x75: {  	[tilespmem:s20], [sflag:$0x3] =	stream.indirect_vreg.gather [hbm4b:s1+s4], $0x80, v4, vm0, $0xb8;
	[tilespmem:$0x18080] =	vst v63  }
0x76: {  	s18 =	simm.s32 $0x6880;
	v3 =	vadd.s32 v1, v3  }
0x77: {  	[tilespmem:s18], [sflag:$0x3] =	stream.indirect_vreg.gather [hbm4b:s5+s4], $0x80, v4, vm0, $0xb8;
	[tilespmem:$0x18080] =	vst v63  }
0x78: {  	s23 =	simm.s32 $0x7080  }
0x79: {  	[tilespmem:s23], [sflag:$0x3] =	stream.indirect_vreg.gather [hbm4b:s6+s4], $0x80, v4, vm0, $0xb8;
	[tilespmem:$0x18080] =	vst v63  }
0x7a: {  	s17 =	simm.s32 $0x7880  }
0x7b: {  	[tilespmem:s17], [sflag:$0x3] =	stream.indirect_vreg.gather [hbm4b:s1+s4], $0x80, v3, vm0, $0xb8;
	[tilespmem:$0x18080] =	vst v63  }
0x7c: {  	s18 =	simm.s32 $0x8080  }
0x7d: {  	[tilespmem:s18], [sflag:$0x3] =	stream.indirect_vreg.gather [hbm4b:s5+s4], $0x80, v3, vm0, $0xb8;
	[tilespmem:$0x18080] =	vst v63  }
0x7e: {  	s23 =	simm.s32 $0x8880  }
0x7f: {  	[tilespmem:s23], [sflag:$0x3] =	stream.indirect_vreg.gather [hbm4b:s6+s4], $0x80, v3, vm0, $0xb8;
	[tilespmem:$0x18080] =	vst v63  }
0x80: {  	v3 =	vld [tilespmem:$0x20];
	_ =	sdelay $0x4  }
0x81: {  	v53 =	vshrl.u32 v3, $0x3  }
0x82: {  	v4 =	vmul.u32 $0x30, v53  }
0x83: {  	v3 =	vand.u32 $0x7, v3  }
0x84: {  	v3 =	vor.u32 v3, v4  }
0x85: {  	v4 =	vperm.xlane v3, v0;
	_ =	sdelay $0x1  }
0x86: {  	v4 =	vadd.s32 v1, v4;
	_ =	sdelay $0x3  }
0x87: {  	v3 =	vperm.xlane v3, v2  }
0x88: {  	[tilespmem:s19], [sflag:$0x7] =	stream.indirect_vreg.gather [hbm4b:s3+s4], $0x80, v4, vm0, $0xb8;
	[tilespmem:$0x18080] =	vst v63  }
0x89: {  	s17 =	simm.s32 $0x12880;
	v3 =	vadd.s32 v1, v3  }
0x8a: {  	[tilespmem:s17], [sflag:$0x7] =	stream.indirect_vreg.gather [hbm4b:s7+s4], $0x80, v4, vm0, $0xb8;
	[tilespmem:$0x18080] =	vst v63  }
0x8b: {  	s18 =	simm.s32 $0x13080  }
0x8c: {  	[tilespmem:s18], [sflag:$0x7] =	stream.indirect_vreg.gather [hbm4b:s8+s4], $0x80, v4, vm0, $0xb8;
	[tilespmem:$0x18080] =	vst v63  }
0x8d: {  	s23 =	simm.s32 $0x13880  }
0x8e: {  	[tilespmem:s23], [sflag:$0x7] =	stream.indirect_vreg.gather [hbm4b:s3+s4], $0x80, v3, vm0, $0xb8;
	[tilespmem:$0x18080] =	vst v63  }
0x8f: {  	s17 =	simm.s32 $0x14080  }
0x90: {  	[tilespmem:s17], [sflag:$0x7] =	stream.indirect_vreg.gather [hbm4b:s7+s4], $0x80, v3, vm0, $0xb8;
	[tilespmem:$0x18080] =	vst v63  }
0x91: {  	s18 =	simm.s32 $0x14880  }
0x92: {  	[tilespmem:s18], [sflag:$0x7] =	stream.indirect_vreg.gather [hbm4b:s8+s4], $0x80, v3, vm0, $0xb8;
	[tilespmem:$0x18080] =	vst v63  }
0x93: {  	v3 =	vld [tilespmem:$0x30];
	_ =	sdelay $0x4  }
0x94: {  	v54 =	vshrl.u32 v3, $0x3  }
0x95: {  	v4 =	vmul.u32 $0x30, v54  }
0x96: {  	v3 =	vand.u32 $0x7, v3  }
0x97: {  	v3 =	vor.u32 v3, v4  }
0x98: {  	v4 =	vperm.xlane v3, v0;
	_ =	sdelay $0x1  }
0x99: {  	v4 =	vadd.s32 v1, v4;
	_ =	sdelay $0x3  }
0x9a: {  	v3 =	vperm.xlane v3, v2  }
0x9b: {  	[tilespmem:s16], [sflag:$0x4] =	stream.indirect_vreg.gather [hbm4b:s1+s4], $0x80, v4, vm0, $0xb8;
	[tilespmem:$0x18080] =	vst v63  }
0x9c: {  	s23 =	simm.s32 $0x9880;
	v3 =	vadd.s32 v1, v3  }
0x9d: {  	[tilespmem:s23], [sflag:$0x4] =	stream.indirect_vreg.gather [hbm4b:s5+s4], $0x80, v4, vm0, $0xb8;
	[tilespmem:$0x18080] =	vst v63  }
0x9e: {  	s17 =	simm.s32 $0xA080  }
0x9f: {  	[tilespmem:s17], [sflag:$0x4] =	stream.indirect_vreg.gather [hbm4b:s6+s4], $0x80, v4, vm0, $0xb8;
	[tilespmem:$0x18080] =	vst v63  }
0xa0: {  	s18 =	simm.s32 $0xA880  }
0xa1: {  	[tilespmem:s18], [sflag:$0x4] =	stream.indirect_vreg.gather [hbm4b:s1+s4], $0x80, v3, vm0, $0xb8;
	[tilespmem:$0x18080] =	vst v63  }
0xa2: {  	s23 =	simm.s32 $0xB080  }
0xa3: {  	[tilespmem:s23], [sflag:$0x4] =	stream.indirect_vreg.gather [hbm4b:s5+s4], $0x80, v3, vm0, $0xb8;
	[tilespmem:$0x18080] =	vst v63  }
0xa4: {  	s17 =	simm.s32 $0xB880  }
0xa5: {  	[tilespmem:s17], [sflag:$0x4] =	stream.indirect_vreg.gather [hbm4b:s6+s4], $0x80, v3, vm0, $0xb8;
	[tilespmem:$0x18080] =	vst v63  }
0xa6: {  	v3 =	vld [tilespmem:$0x30];
	_ =	sdelay $0x4  }
0xa7: {  	v55 =	vshrl.u32 v3, $0x3  }
0xa8: {  	v4 =	vmul.u32 $0x30, v55  }
0xa9: {  	v3 =	vand.u32 $0x7, v3  }
0xaa: {  	v3 =	vor.u32 v3, v4  }
0xab: {  	v4 =	vperm.xlane v3, v0;
	_ =	sdelay $0x1  }
0xac: {  	v4 =	vadd.s32 v1, v4;
	_ =	sdelay $0x3  }
0xad: {  	v3 =	vperm.xlane v3, v2  }
0xae: {  	[tilespmem:s11], [sflag:$0x8] =	stream.indirect_vreg.gather [hbm4b:s3+s4], $0x80, v4, vm0, $0xb8;
	[tilespmem:$0x18080] =	vst v63  }
0xaf: {  	s18 =	simm.s32 $0x15880;
	v3 =	vadd.s32 v1, v3  }
0xb0: {  	[tilespmem:s18], [sflag:$0x8] =	stream.indirect_vreg.gather [hbm4b:s7+s4], $0x80, v4, vm0, $0xb8;
	[tilespmem:$0x18080] =	vst v63  }
0xb1: {  	s23 =	simm.s32 $0x16080  }
0xb2: {  	[tilespmem:s23], [sflag:$0x8] =	stream.indirect_vreg.gather [hbm4b:s8+s4], $0x80, v4, vm0, $0xb8;
	[tilespmem:$0x18080] =	vst v63  }
0xb3: {  	s17 =	simm.s32 $0x16880  }
0xb4: {  	[tilespmem:s17], [sflag:$0x8] =	stream.indirect_vreg.gather [hbm4b:s3+s4], $0x80, v3, vm0, $0xb8;
	[tilespmem:$0x18080] =	vst v63  }
0xb5: {  	s18 =	simm.s32 $0x17080  }
0xb6: {  	[tilespmem:s18], [sflag:$0x8] =	stream.indirect_vreg.gather [hbm4b:s7+s4], $0x80, v3, vm0, $0xb8;
	[tilespmem:$0x18080] =	vst v63  }
0xb7: {  	s0 =	simm.s32 $0x1;
	s23 =	simm.s32 $0x17880  }
0xb8: {  	[tilespmem:s23], [sflag:$0x8] =	stream.indirect_vreg.gather [hbm4b:s8+s4], $0x80, v3, vm0, $0xb8;
	[tilespmem:$0x18080] =	vst v63  }
0xb9: {  	_ =	swait.ge [sflag:s0], $0x3000  }
0xba: {  	[sflag:s0] =	ssyncset.done $0x0  }
0xbb: {  	[sflag:s0] =	ssyncadd.s32 $0xFFFFD000  }
0xbc: {  	_ =	swait.ge [sflag:s9], $0x3000  }
0xbd: {  	[sflag:s9] =	ssyncset.done $0x0  }
0xbe: {  	s18 =	simm.s32 $0x80;
	s17 =	rddreg [dreg:$0x5];
	[sflag:s9] =	ssyncadd.s32 $0xFFFFD000  }
0xbf: {  	[hbm4b:s17+s4] =	stream.linear.scatter [tilespmem:s18], [sflag:$0x9], $0x3000, $0x38;
	[tilespmem:$0x18080] =	vst v63  }
0xc0: {  	s23 =	rddreg [dreg:$0x6];
	s17 =	simm.s32 $0xC080  }
0xc1: {  	[hbm4b:s23+s4] =	stream.linear.scatter [tilespmem:s17], [sflag:$0xD], $0x3000, $0x38;
	[tilespmem:$0x18080] =	vst v63  }
0xc2: {  	_ =	swait.ge [sflag:s2], $0x3000  }
0xc3: {  	[sflag:s2] =	ssyncset.done $0x0  }
0xc4: {  	[sflag:s2] =	ssyncadd.s32 $0xFFFFD000  }
0xc5: {  	_ =	swait.ge [sflag:s10], $0x3000  }
0xc6: {  	[sflag:s10] =	ssyncset.done $0x0  }
0xc7: {  	[sflag:s10] =	ssyncadd.s32 $0xFFFFD000  }
0xc8: {  	v3 =	vld [tilespmem:$0x40];
	_ =	sdelay $0x4  }
0xc9: {  	v56 =	vshrl.u32 v3, $0x3  }
0xca: {  	v4 =	vmul.u32 $0x30, v56  }
0xcb: {  	v3 =	vand.u32 $0x7, v3  }
0xcc: {  	v3 =	vor.u32 v3, v4  }
0xcd: {  	v4 =	vperm.xlane v3, v0;
	_ =	sdelay $0x1  }
0xce: {  	v4 =	vadd.s32 v1, v4;
	_ =	sdelay $0x3  }
0xcf: {  	v3 =	vperm.xlane v3, v2  }
0xd0: {  	[tilespmem:s18], [sflag:$0x1] =	stream.indirect_vreg.gather [hbm4b:s1+s4], $0x80, v4, vm0, $0xb8;
	[tilespmem:$0x18080] =	vst v63  }
0xd1: {  	v3 =	vadd.s32 v1, v3  }
0xd2: {  	[tilespmem:s14], [sflag:$0x1] =	stream.indirect_vreg.gather [hbm4b:s5+s4], $0x80, v4, vm0, $0xb8;
	[tilespmem:$0x18080] =	vst v63  }
0xd3: {  	_ = 	snop  }
0xd4: {  	[tilespmem:s21], [sflag:$0x1] =	stream.indirect_vreg.gather [hbm4b:s6+s4], $0x80, v4, vm0, $0xb8;
	[tilespmem:$0x18080] =	vst v63  }
0xd5: {  	_ = 	snop  }
0xd6: {  	[tilespmem:s29], [sflag:$0x1] =	stream.indirect_vreg.gather [hbm4b:s1+s4], $0x80, v3, vm0, $0xb8;
	[tilespmem:$0x18080] =	vst v63  }
0xd7: {  	_ = 	snop  }
0xd8: {  	[tilespmem:s15], [sflag:$0x1] =	stream.indirect_vreg.gather [hbm4b:s5+s4], $0x80, v3, vm0, $0xb8;
	[tilespmem:$0x18080] =	vst v63  }
0xd9: {  	_ = 	snop  }
0xda: {  	[tilespmem:s24], [sflag:$0x1] =	stream.indirect_vreg.gather [hbm4b:s6+s4], $0x80, v3, vm0, $0xb8;
	[tilespmem:$0x18080] =	vst v63  }
0xdb: {  	v3 =	vld [tilespmem:$0x40];
	_ =	sdelay $0x4  }
0xdc: {  	v57 =	vshrl.u32 v3, $0x3  }
0xdd: {  	v4 =	vmul.u32 $0x30, v57  }
0xde: {  	v3 =	vand.u32 $0x7, v3  }
0xdf: {  	v3 =	vor.u32 v3, v4  }
0xe0: {  	v4 =	vperm.xlane v3, v0;
	_ =	sdelay $0x1  }
0xe1: {  	v4 =	vadd.s32 v1, v4;
	_ =	sdelay $0x3  }
0xe2: {  	v3 =	vperm.xlane v3, v2  }
0xe3: {  	[tilespmem:s17], [sflag:$0x5] =	stream.indirect_vreg.gather [hbm4b:s3+s4], $0x80, v4, vm0, $0xb8;
	[tilespmem:$0x18080] =	vst v63  }
0xe4: {  	v3 =	vadd.s32 v1, v3  }
0xe5: {  	[tilespmem:s26], [sflag:$0x5] =	stream.indirect_vreg.gather [hbm4b:s7+s4], $0x80, v4, vm0, $0xb8;
	[tilespmem:$0x18080] =	vst v63  }
0xe6: {  	_ = 	snop  }
0xe7: {  	[tilespmem:s28], [sflag:$0x5] =	stream.indirect_vreg.gather [hbm4b:s8+s4], $0x80, v4, vm0, $0xb8;
	[tilespmem:$0x18080] =	vst v63  }
0xe8: {  	_ = 	snop  }
0xe9: {  	[tilespmem:s31], [sflag:$0x5] =	stream.indirect_vreg.gather [hbm4b:s3+s4], $0x80, v3, vm0, $0xb8;
	[tilespmem:$0x18080] =	vst v63  }
0xea: {  	_ = 	snop  }
0xeb: {  	[tilespmem:s13], [sflag:$0x5] =	stream.indirect_vreg.gather [hbm4b:s7+s4], $0x80, v3, vm0, $0xb8;
	[tilespmem:$0x18080] =	vst v63  }
0xec: {  	_ = 	snop  }
0xed: {  	[tilespmem:s12], [sflag:$0x5] =	stream.indirect_vreg.gather [hbm4b:s8+s4], $0x80, v3, vm0, $0xb8;
	[tilespmem:$0x18080] =	vst v63  }
0xee: {  	s12 =	simm.s32 $0x2  }
0xef: {  	_ =	swait.ge [sflag:s12], $0x3000  }
0xf0: {  	[sflag:s12] =	ssyncset.done $0x0  }
0xf1: {  	s13 =	simm.s32 $0x6;
	[sflag:s12] =	ssyncadd.s32 $0xFFFFD000  }
0xf2: {  	_ =	swait.ge [sflag:s13], $0x3000  }
0xf3: {  	[sflag:s13] =	ssyncset.done $0x0  }
0xf4: {  	s21 =	simm.s32 $0x3080;
	s15 =	rddreg [dreg:$0x7];
	[sflag:s13] =	ssyncadd.s32 $0xFFFFD000  }
0xf5: {  	[hbm4b:s15+s4] =	stream.linear.scatter [tilespmem:s21], [sflag:$0xA], $0x3000, $0x38;
	[tilespmem:$0x18080] =	vst v63  }
0xf6: {  	s14 =	simm.s32 $0xA;
	s24 =	simm.s32 $0xF080;
	s18 =	rddreg [dreg:$0x8]  }
0xf7: {  	[hbm4b:s18+s4] =	stream.linear.scatter [tilespmem:s24], [sflag:$0xE], $0x3000, $0x38;
	[tilespmem:$0x18080] =	vst v63  }
0xf8: {  	_ =	swait.ge [sflag:s14], $0x3000  }
0xf9: {  	[sflag:s14] =	ssyncset.done $0x0  }
0xfa: {  	s15 =	simm.s32 $0xE;
	[sflag:s14] =	ssyncadd.s32 $0xFFFFD000  }
0xfb: {  	_ =	swait.ge [sflag:s15], $0x3000  }
0xfc: {  	[sflag:s15] =	ssyncset.done $0x0  }
0xfd: {  	[sflag:s15] =	ssyncadd.s32 $0xFFFFD000  }
0xfe: {  	v3 =	vld [tilespmem:$0x50];
	_ =	sdelay $0x4  }
0xff: {  	v58 =	vshrl.u32 v3, $0x3  }
0x100: {  	v4 =	vmul.u32 $0x30, v58  }
0x101: {  	v3 =	vand.u32 $0x7, v3  }
0x102: {  	v3 =	vor.u32 v3, v4  }
0x103: {  	v4 =	vperm.xlane v3, v0;
	_ =	sdelay $0x1  }
0x104: {  	v4 =	vadd.s32 v1, v4;
	_ =	sdelay $0x3  }
0x105: {  	v3 =	vperm.xlane v3, v2  }
0x106: {  	[tilespmem:s21], [sflag:$0x2] =	stream.indirect_vreg.gather [hbm4b:s1+s4], $0x80, v4, vm0, $0xb8;
	[tilespmem:$0x18080] =	vst v63  }
0x107: {  	s26 =	simm.s32 $0x3880;
	v3 =	vadd.s32 v1, v3  }
0x108: {  	[tilespmem:s26], [sflag:$0x2] =	stream.indirect_vreg.gather [hbm4b:s5+s4], $0x80, v4, vm0, $0xb8;
	[tilespmem:$0x18080] =	vst v63  }
0x109: {  	s28 =	simm.s32 $0x4080  }
0x10a: {  	[tilespmem:s28], [sflag:$0x2] =	stream.indirect_vreg.gather [hbm4b:s6+s4], $0x80, v4, vm0, $0xb8;
	[tilespmem:$0x18080] =	vst v63  }
0x10b: {  	s29 =	simm.s32 $0x4880  }
0x10c: {  	[tilespmem:s29], [sflag:$0x2] =	stream.indirect_vreg.gather [hbm4b:s1+s4], $0x80, v3, vm0, $0xb8;
	[tilespmem:$0x18080] =	vst v63  }
0x10d: {  	s31 =	simm.s32 $0x5080  }
0x10e: {  	[tilespmem:s31], [sflag:$0x2] =	stream.indirect_vreg.gather [hbm4b:s5+s4], $0x80, v3, vm0, $0xb8;
	[tilespmem:$0x18080] =	vst v63  }
0x10f: {  	s21 =	simm.s32 $0x5880  }
0x110: {  	[tilespmem:s21], [sflag:$0x2] =	stream.indirect_vreg.gather [hbm4b:s6+s4], $0x80, v3, vm0, $0xb8;
	[tilespmem:$0x18080] =	vst v63  }
0x111: {  	v3 =	vld [tilespmem:$0x50];
	_ =	sdelay $0x4  }
0x112: {  	v59 =	vshrl.u32 v3, $0x3  }
0x113: {  	v4 =	vmul.u32 $0x30, v59  }
0x114: {  	v3 =	vand.u32 $0x7, v3  }
0x115: {  	v3 =	vor.u32 v3, v4  }
0x116: {  	v4 =	vperm.xlane v3, v0;
	_ =	sdelay $0x1  }
0x117: {  	v4 =	vadd.s32 v1, v4;
	_ =	sdelay $0x3  }
0x118: {  	v3 =	vperm.xlane v3, v2  }
0x119: {  	[tilespmem:s24], [sflag:$0x6] =	stream.indirect_vreg.gather [hbm4b:s3+s4], $0x80, v4, vm0, $0xb8;
	[tilespmem:$0x18080] =	vst v63  }
0x11a: {  	s23 =	simm.s32 $0xF880;
	v3 =	vadd.s32 v1, v3  }
0x11b: {  	[tilespmem:s23], [sflag:$0x6] =	stream.indirect_vreg.gather [hbm4b:s7+s4], $0x80, v4, vm0, $0xb8;
	[tilespmem:$0x18080] =	vst v63  }
0x11c: {  	s24 =	simm.s32 $0x10080  }
0x11d: {  	[tilespmem:s24], [sflag:$0x6] =	stream.indirect_vreg.gather [hbm4b:s8+s4], $0x80, v4, vm0, $0xb8;
	[tilespmem:$0x18080] =	vst v63  }
0x11e: {  	s26 =	simm.s32 $0x10880  }
0x11f: {  	[tilespmem:s26], [sflag:$0x6] =	stream.indirect_vreg.gather [hbm4b:s3+s4], $0x80, v3, vm0, $0xb8;
	[tilespmem:$0x18080] =	vst v63  }
0x120: {  	_ = 	snop  }
0x121: {  	[tilespmem:s25], [sflag:$0x6] =	stream.indirect_vreg.gather [hbm4b:s7+s4], $0x80, v3, vm0, $0xb8;
	[tilespmem:$0x18080] =	vst v63  }
0x122: {  	s21 =	simm.s32 $0x3  }
0x123: {  	[tilespmem:s30], [sflag:$0x6] =	stream.indirect_vreg.gather [hbm4b:s8+s4], $0x80, v3, vm0, $0xb8;
	[tilespmem:$0x18080] =	vst v63  }
0x124: {  	_ =	swait.ge [sflag:s21], $0x3000  }
0x125: {  	[sflag:s21] =	ssyncset.done $0x0  }
0x126: {  	s24 =	simm.s32 $0x7;
	[sflag:s21] =	ssyncadd.s32 $0xFFFFD000  }
0x127: {  	_ =	swait.ge [sflag:s24], $0x3000  }
0x128: {  	[sflag:s24] =	ssyncset.done $0x0  }
0x129: {  	s28 =	rddreg [dreg:$0x9];
	[sflag:s24] =	ssyncadd.s32 $0xFFFFD000  }
0x12a: {  	[hbm4b:s28+s4] =	stream.linear.scatter [tilespmem:s20], [sflag:$0xB], $0x3000, $0x38;
	[tilespmem:$0x18080] =	vst v63  }
0x12b: {  	s25 =	simm.s32 $0xB;
	s29 =	rddreg [dreg:$0xa]  }
0x12c: {  	[hbm4b:s29+s4] =	stream.linear.scatter [tilespmem:s19], [sflag:$0xF], $0x3000, $0x38;
	[tilespmem:$0x18080] =	vst v63  }
0x12d: {  	_ =	swait.ge [sflag:s25], $0x3000  }
0x12e: {  	[sflag:s25] =	ssyncset.done $0x0  }
0x12f: {  	s26 =	simm.s32 $0xF;
	[sflag:s25] =	ssyncadd.s32 $0xFFFFD000  }
0x130: {  	_ =	swait.ge [sflag:s26], $0x3000  }
0x131: {  	[sflag:s26] =	ssyncset.done $0x0  }
0x132: {  	[sflag:s26] =	ssyncadd.s32 $0xFFFFD000  }
0x133: {  	v3 =	vld [tilespmem:$0x60];
	_ =	sdelay $0x4  }
0x134: {  	v60 =	vshrl.u32 v3, $0x3  }
0x135: {  	v4 =	vmul.u32 $0x30, v60  }
0x136: {  	v3 =	vand.u32 $0x7, v3  }
0x137: {  	v3 =	vor.u32 v3, v4  }
0x138: {  	v4 =	vperm.xlane v3, v0;
	_ =	sdelay $0x1  }
0x139: {  	v4 =	vadd.s32 v1, v4;
	_ =	sdelay $0x3  }
0x13a: {  	v3 =	vperm.xlane v3, v2  }
0x13b: {  	[tilespmem:s20], [sflag:$0x3] =	stream.indirect_vreg.gather [hbm4b:s1+s4], $0x80, v4, vm0, $0xb8;
	[tilespmem:$0x18080] =	vst v63  }
0x13c: {  	s30 =	simm.s32 $0x6880;
	v3 =	vadd.s32 v1, v3  }
0x13d: {  	[tilespmem:s30], [sflag:$0x3] =	stream.indirect_vreg.gather [hbm4b:s5+s4], $0x80, v4, vm0, $0xb8;
	[tilespmem:$0x18080] =	vst v63  }
0x13e: {  	s31 =	simm.s32 $0x7080  }
0x13f: {  	[tilespmem:s31], [sflag:$0x3] =	stream.indirect_vreg.gather [hbm4b:s6+s4], $0x80, v4, vm0, $0xb8;
	[tilespmem:$0x18080] =	vst v63  }
0x140: {  	s23 =	simm.s32 $0x7880  }
0x141: {  	[tilespmem:s23], [sflag:$0x3] =	stream.indirect_vreg.gather [hbm4b:s1+s4], $0x80, v3, vm0, $0xb8;
	[tilespmem:$0x18080] =	vst v63  }
0x142: {  	s28 =	simm.s32 $0x8080  }
0x143: {  	[tilespmem:s28], [sflag:$0x3] =	stream.indirect_vreg.gather [hbm4b:s5+s4], $0x80, v3, vm0, $0xb8;
	[tilespmem:$0x18080] =	vst v63  }
0x144: {  	s29 =	simm.s32 $0x8880  }
0x145: {  	[tilespmem:s29], [sflag:$0x3] =	stream.indirect_vreg.gather [hbm4b:s6+s4], $0x80, v3, vm0, $0xb8;
	[tilespmem:$0x18080] =	vst v63  }
0x146: {  	v3 =	vld [tilespmem:$0x60];
	_ =	sdelay $0x4  }
0x147: {  	v61 =	vshrl.u32 v3, $0x3  }
0x148: {  	v4 =	vmul.u32 $0x30, v61  }
0x149: {  	v3 =	vand.u32 $0x7, v3  }
0x14a: {  	v3 =	vor.u32 v3, v4  }
0x14b: {  	v4 =	vperm.xlane v3, v0;
	_ =	sdelay $0x1  }
0x14c: {  	v4 =	vadd.s32 v1, v4;
	_ =	sdelay $0x3  }
0x14d: {  	v3 =	vperm.xlane v3, v2  }
0x14e: {  	[tilespmem:s19], [sflag:$0x7] =	stream.indirect_vreg.gather [hbm4b:s3+s4], $0x80, v4, vm0, $0xb8;
	[tilespmem:$0x18080] =	vst v63  }
0x14f: {  	s30 =	simm.s32 $0x12880;
	v3 =	vadd.s32 v1, v3  }
0x150: {  	[tilespmem:s30], [sflag:$0x7] =	stream.indirect_vreg.gather [hbm4b:s7+s4], $0x80, v4, vm0, $0xb8;
	[tilespmem:$0x18080] =	vst v63  }
0x151: {  	s31 =	simm.s32 $0x13080  }
0x152: {  	[tilespmem:s31], [sflag:$0x7] =	stream.indirect_vreg.gather [hbm4b:s8+s4], $0x80, v4, vm0, $0xb8;
	[tilespmem:$0x18080] =	vst v63  }
0x153: {  	s23 =	simm.s32 $0x13880  }
0x154: {  	[tilespmem:s23], [sflag:$0x7] =	stream.indirect_vreg.gather [hbm4b:s3+s4], $0x80, v3, vm0, $0xb8;
	[tilespmem:$0x18080] =	vst v63  }
0x155: {  	s28 =	simm.s32 $0x14080  }
0x156: {  	[tilespmem:s28], [sflag:$0x7] =	stream.indirect_vreg.gather [hbm4b:s7+s4], $0x80, v3, vm0, $0xb8;
	[tilespmem:$0x18080] =	vst v63  }
0x157: {  	s29 =	simm.s32 $0x14880;
	s28 =	simm.s32 $0x4  }
0x158: {  	[tilespmem:s29], [sflag:$0x7] =	stream.indirect_vreg.gather [hbm4b:s8+s4], $0x80, v3, vm0, $0xb8;
	[tilespmem:$0x18080] =	vst v63  }
0x159: {  	_ =	swait.ge [sflag:s28], $0x3000  }
0x15a: {  	[sflag:s28] =	ssyncset.done $0x0  }
0x15b: {  	s29 =	simm.s32 $0x8;
	[sflag:s28] =	ssyncadd.s32 $0xFFFFD000  }
0x15c: {  	_ =	swait.ge [sflag:s29], $0x3000  }
0x15d: {  	[sflag:s29] =	ssyncset.done $0x0  }
0x15e: {  	s30 =	rddreg [dreg:$0xb];
	[sflag:s29] =	ssyncadd.s32 $0xFFFFD000  }
0x15f: {  	[hbm4b:s30+s4] =	stream.linear.scatter [tilespmem:s16], [sflag:$0xC], $0x3000, $0x38;
	[tilespmem:$0x18080] =	vst v63  }
0x160: {  	s31 =	rddreg [dreg:$0xc];
	s30 =	simm.s32 $0xC  }
0x161: {  	[hbm4b:s31+s4] =	stream.linear.scatter [tilespmem:s11], [sflag:$0x10], $0x3000, $0x38;
	[tilespmem:$0x18080] =	vst v63  }
0x162: {  	_ =	swait.ge [sflag:s30], $0x3000  }
0x163: {  	[sflag:s30] =	ssyncset.done $0x0  }
0x164: {  	s31 =	simm.s32 $0x10;
	[sflag:s30] =	ssyncadd.s32 $0xFFFFD000  }
0x165: {  	_ =	swait.ge [sflag:s31], $0x3000  }
0x166: {  	[sflag:s31] =	ssyncset.done $0x0  }
0x167: {  	[sflag:s31] =	ssyncadd.s32 $0xFFFFD000  }
0x168: {  	v3 =	vld [tilespmem:$0x70];
	_ =	sdelay $0x4  }
0x169: {  	v62 =	vshrl.u32 v3, $0x3  }
0x16a: {  	v4 =	vmul.u32 $0x30, v62  }
0x16b: {  	v3 =	vand.u32 $0x7, v3  }
0x16c: {  	v3 =	vor.u32 v3, v4  }
0x16d: {  	v4 =	vperm.xlane v3, v0;
	_ =	sdelay $0x1  }
0x16e: {  	v4 =	vadd.s32 v1, v4;
	_ =	sdelay $0x3  }
0x16f: {  	v3 =	vperm.xlane v3, v2  }
0x170: {  	[tilespmem:s16], [sflag:$0x4] =	stream.indirect_vreg.gather [hbm4b:s1+s4], $0x80, v4, vm0, $0xb8;
	[tilespmem:$0x18080] =	vst v63  }
0x171: {  	s23 =	simm.s32 $0x9880;
	v3 =	vadd.s32 v1, v3  }
0x172: {  	[tilespmem:s23], [sflag:$0x4] =	stream.indirect_vreg.gather [hbm4b:s5+s4], $0x80, v4, vm0, $0xb8;
	[tilespmem:$0x18080] =	vst v63  }
0x173: {  	s23 =	simm.s32 $0xA080  }
0x174: {  	[tilespmem:s23], [sflag:$0x4] =	stream.indirect_vreg.gather [hbm4b:s6+s4], $0x80, v4, vm0, $0xb8;
	[tilespmem:$0x18080] =	vst v63  }
0x175: {  	s23 =	simm.s32 $0xA880  }
0x176: {  	[tilespmem:s23], [sflag:$0x4] =	stream.indirect_vreg.gather [hbm4b:s1+s4], $0x80, v3, vm0, $0xb8;
	[tilespmem:$0x18080] =	vst v63  }
0x177: {  	s23 =	simm.s32 $0xB080  }
0x178: {  	[tilespmem:s23], [sflag:$0x4] =	stream.indirect_vreg.gather [hbm4b:s5+s4], $0x80, v3, vm0, $0xb8;
	[tilespmem:$0x18080] =	vst v63  }
0x179: {  	s23 =	simm.s32 $0xB880  }
0x17a: {  	[tilespmem:s23], [sflag:$0x4] =	stream.indirect_vreg.gather [hbm4b:s6+s4], $0x80, v3, vm0, $0xb8;
	[tilespmem:$0x18080] =	vst v63  }
0x17b: {  	v3 =	vld [tilespmem:$0x70];
	_ =	sdelay $0x4  }
0x17c: {  	v63 =	vshrl.u32 v3, $0x3  }
0x17d: {  	v4 =	vmul.u32 $0x30, v63  }
0x17e: {  	v3 =	vand.u32 $0x7, v3  }
0x17f: {  	v3 =	vor.u32 v3, v4  }
0x180: {  	v4 =	vperm.xlane v3, v0;
	_ =	sdelay $0x1  }
0x181: {  	v4 =	vadd.s32 v1, v4;
	_ =	sdelay $0x3  }
0x182: {  	v3 =	vperm.xlane v3, v2  }
0x183: {  	[tilespmem:s11], [sflag:$0x8] =	stream.indirect_vreg.gather [hbm4b:s3+s4], $0x80, v4, vm0, $0xb8;
	[tilespmem:$0x18080] =	vst v63  }
0x184: {  	s23 =	simm.s32 $0x15880;
	v3 =	vadd.s32 v1, v3  }
0x185: {  	[tilespmem:s23], [sflag:$0x8] =	stream.indirect_vreg.gather [hbm4b:s7+s4], $0x80, v4, vm0, $0xb8;
	[tilespmem:$0x18080] =	vst v63  }
0x186: {  	s23 =	simm.s32 $0x16080  }
0x187: {  	[tilespmem:s23], [sflag:$0x8] =	stream.indirect_vreg.gather [hbm4b:s8+s4], $0x80, v4, vm0, $0xb8;
	[tilespmem:$0x18080] =	vst v63  }
0x188: {  	s23 =	simm.s32 $0x16880  }
0x189: {  	[tilespmem:s23], [sflag:$0x8] =	stream.indirect_vreg.gather [hbm4b:s3+s4], $0x80, v3, vm0, $0xb8;
	[tilespmem:$0x18080] =	vst v63  }
0x18a: {  	s23 =	simm.s32 $0x17080  }
0x18b: {  	[tilespmem:s23], [sflag:$0x8] =	stream.indirect_vreg.gather [hbm4b:s7+s4], $0x80, v3, vm0, $0xb8;
	[tilespmem:$0x18080] =	vst v63  }
0x18c: {  	s23 =	simm.s32 $0x17880  }
0x18d: {  	[tilespmem:s23], [sflag:$0x8] =	stream.indirect_vreg.gather [hbm4b:s8+s4], $0x80, v3, vm0, $0xb8;
	[tilespmem:$0x18080] =	vst v63  }
0x18e: {  	_ =	swait.ge [sflag:s0], $0x3000  }
0x18f: {  	[sflag:s0] =	ssyncset.done $0x0  }
0x190: {  	[sflag:s0] =	ssyncadd.s32 $0xFFFFD000  }
0x191: {  	_ =	swait.ge [sflag:s9], $0x3000  }
0x192: {  	[sflag:s9] =	ssyncset.done $0x0  }
0x193: {  	s0 =	simm.s32 $0x80;
	s17 =	rddreg [dreg:$0xd];
	[sflag:s9] =	ssyncadd.s32 $0xFFFFD000  }
0x194: {  	[hbm4b:s17+s4] =	stream.linear.scatter [tilespmem:s0], [sflag:$0x9], $0x3000, $0x38;
	[tilespmem:$0x18080] =	vst v63  }
0x195: {  	s23 =	rddreg [dreg:$0xe];
	s17 =	simm.s32 $0xC080  }
0x196: {  	[hbm4b:s23+s4] =	stream.linear.scatter [tilespmem:s17], [sflag:$0xD], $0x3000, $0x38;
	[tilespmem:$0x18080] =	vst v63  }
0x197: {  	_ =	swait.ge [sflag:s12], $0x3000  }
0x198: {  	[sflag:s12] =	ssyncset.done $0x0  }
0x199: {  	[sflag:s12] =	ssyncadd.s32 $0xFFFFD000  }
0x19a: {  	_ =	swait.ge [sflag:s13], $0x3000  }
0x19b: {  	[sflag:s13] =	ssyncset.done $0x0  }
0x19c: {  	s0 =	rddreg [dreg:$0xf];
	[sflag:s13] =	ssyncadd.s32 $0xFFFFD000;
	s13 =	simm.s32 $0x3080  }
0x19d: {  	[hbm4b:s0+s4] =	stream.linear.scatter [tilespmem:s13], [sflag:$0xA], $0x3000, $0x38;
	[tilespmem:$0x18080] =	vst v63  }
0x19e: {  	s18 =	simm.s32 $0xF080;
	s12 =	rddreg [dreg:$0x10]  }
0x19f: {  	[hbm4b:s12+s4] =	stream.linear.scatter [tilespmem:s18], [sflag:$0xE], $0x3000, $0x38;
	[tilespmem:$0x18080] =	vst v63  }
0x1a0: {  	_ =	swait.ge [sflag:s21], $0x3000  }
0x1a1: {  	[sflag:s21] =	ssyncset.done $0x0  }
0x1a2: {  	[sflag:s21] =	ssyncadd.s32 $0xFFFFD000  }
0x1a3: {  	_ =	swait.ge [sflag:s24], $0x3000  }
0x1a4: {  	[sflag:s24] =	ssyncset.done $0x0  }
0x1a5: {  	s23 =	rddreg [dreg:$0x11];
	[sflag:s24] =	ssyncadd.s32 $0xFFFFD000  }
0x1a6: {  	[hbm4b:s23+s4] =	stream.linear.scatter [tilespmem:s20], [sflag:$0xB], $0x3000, $0x38;
	[tilespmem:$0x18080] =	vst v63  }
0x1a7: {  	s24 =	rddreg [dreg:$0x12]  }
0x1a8: {  	[hbm4b:s24+s4] =	stream.linear.scatter [tilespmem:s19], [sflag:$0xF], $0x3000, $0x38;
	[tilespmem:$0x18080] =	vst v63  }
0x1a9: {  	_ =	swait.ge [sflag:s28], $0x3000  }
0x1aa: {  	[sflag:s28] =	ssyncset.done $0x0  }
0x1ab: {  	[sflag:s28] =	ssyncadd.s32 $0xFFFFD000  }
0x1ac: {  	_ =	swait.ge [sflag:s29], $0x3000  }
0x1ad: {  	[sflag:s29] =	ssyncset.done $0x0  }
0x1ae: {  	s28 =	rddreg [dreg:$0x13];
	[sflag:s29] =	ssyncadd.s32 $0xFFFFD000  }
0x1af: {  	[hbm4b:s28+s4] =	stream.linear.scatter [tilespmem:s16], [sflag:$0xC], $0x3000, $0x38;
	[tilespmem:$0x18080] =	vst v63  }
0x1b0: {  	s29 =	rddreg [dreg:$0x14]  }
0x1b1: {  	[hbm4b:s29+s4] =	stream.linear.scatter [tilespmem:s11], [sflag:$0x10], $0x3000, $0x38;
	[tilespmem:$0x18080] =	vst v63  }
0x1b2: {  	_ =	swait.ge [sflag:s2], $0x3000  }
0x1b3: {  	[sflag:s2] =	ssyncset.done $0x0  }
0x1b4: {  	[sflag:s2] =	ssyncadd.s32 $0xFFFFD000  }
0x1b5: {  	_ =	swait.ge [sflag:s10], $0x3000  }
0x1b6: {  	[sflag:s10] =	ssyncset.done $0x0  }
0x1b7: {  	[sflag:s10] =	ssyncadd.s32 $0xFFFFD000  }
0x1b8: {  	_ =	swait.ge [sflag:s14], $0x3000  }
0x1b9: {  	[sflag:s14] =	ssyncset.done $0x0  }
0x1ba: {  	[sflag:s14] =	ssyncadd.s32 $0xFFFFD000  }
0x1bb: {  	_ =	swait.ge [sflag:s15], $0x3000  }
0x1bc: {  	[sflag:s15] =	ssyncset.done $0x0  }
0x1bd: {  	[sflag:s15] =	ssyncadd.s32 $0xFFFFD000  }
0x1be: {  	_ =	swait.ge [sflag:s25], $0x3000  }
0x1bf: {  	[sflag:s25] =	ssyncset.done $0x0  }
0x1c0: {  	[sflag:s25] =	ssyncadd.s32 $0xFFFFD000  }
0x1c1: {  	_ =	swait.ge [sflag:s26], $0x3000  }
0x1c2: {  	[sflag:s26] =	ssyncset.done $0x0  }
0x1c3: {  	[sflag:s26] =	ssyncadd.s32 $0xFFFFD000  }
0x1c4: {  	p0 =	sne.s32 s22, $0x1;
	_ =	swait.ge [sflag:s30], $0x3000  }
.Ltmp0:
0x1c5: {  	[sflag:s30] =	ssyncset.done $0x0;
	(pc) =	sbr.rel @p0 .LBB2_1-.Ltmp0, $4  }
0x1c6: {  	[sflag:s30] =	ssyncadd.s32 $0xFFFFD000  }
0x1c7: {  	_ =	swait.ge [sflag:s31], $0x3000  }
0x1c8: {  	[sflag:s31] =	ssyncset.done $0x0  }
0x1c9: {  	s22 =	sadd.s32 $0xFFFFFFFF, s22;
	[sflag:s31] =	ssyncadd.s32 $0xFFFFD000  }
0x1ca: {  	_ =	sfence.sel $0x180000  }
0x1cb: {  	[bflag:$0x0] =	sbarrier.arrive $0xFFFF  }
0x1cc: {  	_ =	strace $0x9000004A  }
0x1cd: {  	s0 =	stileid.u32;
	[bflag:$0x2] =	sbarrier.arrive $0xFFFF  }
0x1ce: {  	p0 =	sne.s32 s0, $0x0;
	s0 =	rddreg [dreg:$0x3]  }
0x1cf: {  	s0 =	sadd.s32 @!p0 $0x100000, s0  }
0x1d0: {  	[sflag:s0] =	ssyncadd.tile.s32 @!p0 $0x1;
	_ =	shalt  }
.Lfunc_end2:
_tile_overlayer_lowered:
.L_overlay_start_2:
0x1d1: {  	(tag) =	ssettag $0x2  }
0x1d2: {  	s0 =	rddreg [dreg:$0x0];
	s2 =	stileid.u32  }
0x1d3: {  	s1 =	rddreg [dreg:$0x1];
	p0 =	sne.s32 s2, $0x0  }
0x1d4: {  	s3 =	rddreg [dreg:$0x2];
	[bflag:$0x3] =	sbarrier.arrive $0xFFFF;
	s2 =	simm.s32 @!p0 $0x1C11  }
0x1d5: {  	[timem:s3], [sflag:s2] =	dma.local @!p0 [hbm:s0], s1  }
0x1d6: {  	s0 =	simm.s32 @!p0 $0x11  }
0x1d7: {  	_ =	swait.ge @!p0 [sflag:s0], s1  }
0x1d8: {  	s1 =	ssub.s32 @!p0 $0x0, s1;
	[sflag:s0] =	ssyncset.done @!p0 $0x0  }
0x1d9: {  	[sflag:s0] =	ssyncadd.s32 @!p0 s1  }
0x1da: {  	[bflag:$0x3] =	sbarrier.arrive $0xFFFF  }
0x1db: {  	_ =	shalt  }

</sc_bundles>
